<compile_context>
chip_gen: v7x
topology: tpu7x:2x2x1
jax: 0.10.2.dev20260603
libtpu: 0.0.44.dev20260713+nightly
codegen_flags: <defaults>
</compile_context>

<pallas_src>
import functools

import jax
import jax.numpy as jnp
from jax import lax
from jax.experimental import pallas as pl
from jax.experimental.pallas import tpu as pltpu
from jax.experimental.pallas import tpu_sc as plsc

N = 10000
NP = 10240
E = 160000
D = 256
DH = 128
NS = 16
EPT = E // NS
KCH = 128
EPTP = 10240
CPB = 40
NB = EPTP // (KCH * CPB)
RPT = NP // NS

f32 = jnp.float32

_mesh = plsc.VectorSubcoreMesh(core_axis_name="c", subcore_axis_name="s")


@functools.partial(
    pl.kernel,
    out_type=(
        jax.ShapeDtypeStruct((NP, DH), f32),
        jax.ShapeDtypeStruct((NP, DH), f32),
    ),
    mesh=_mesh,
    scratch_types=[
        pltpu.VMEM((CPB, KCH), jnp.int32),
        pltpu.VMEM((KCH, DH), f32),
        pltpu.VMEM_SHARED((NP, DH), f32),
    ],
)
def _deg_kernel(src_r, dst_r, zeros128, ones128, deg_out, deg_in, idx, ones, acc):
    c = lax.axis_index("c")
    s = lax.axis_index("s")
    pltpu.sync_copy(ones128, ones)
    pltpu.sync_copy(zeros128.at[pl.ds(s * RPT, RPT)], acc.at[pl.ds(s * RPT, RPT)])
    plsc.subcore_barrier()

    def block(b, carry):
        @pl.when(c == 0)
        def _():
            pltpu.sync_copy(src_r.at[s, b], idx)

        @pl.when(c == 1)
        def _():
            pltpu.sync_copy(dst_r.at[s, b], idx)

        def step(j, c2):
            pltpu.sync_copy(ones, acc.at[idx.at[j]], add=True)
            return c2

        lax.fori_loop(0, CPB, step, 0)
        return carry

    lax.fori_loop(0, NB, block, 0)
    plsc.subcore_barrier()

    @pl.when(c == 0)
    def _():
        pltpu.sync_copy(acc.at[pl.ds(s * RPT, RPT)], deg_out.at[pl.ds(s * RPT, RPT)])

    @pl.when(c == 1)
    def _():
        pltpu.sync_copy(acc.at[pl.ds(s * RPT, RPT)], deg_in.at[pl.ds(s * RPT, RPT)])


@functools.partial(
    pl.kernel,
    out_type=(
        jax.ShapeDtypeStruct((NP, DH), f32),
        jax.ShapeDtypeStruct((NP, DH), f32),
    ),
    mesh=_mesh,
    scratch_types=[
        pltpu.VMEM((CPB, KCH), jnp.int32),
        pltpu.VMEM((CPB, KCH), jnp.int32),
        pltpu.VMEM((KCH, DH), f32),
        pltpu.VMEM((KCH, DH), f32),
        pltpu.VMEM_SHARED((NP, DH), f32),
        pltpu.SemaphoreType.DMA,
        pltpu.SemaphoreType.DMA,
    ],
)
def _spmm_kernel(hs_a, hs_b, src_r, dst_r, zeros128,
                 out_a, out_b, idx_s, idx_d, buf0, buf1, acc, sem0, sem1):
    c = lax.axis_index("c")
    s = lax.axis_index("s")
    pltpu.sync_copy(zeros128.at[pl.ds(s * RPT, RPT)], acc.at[pl.ds(s * RPT, RPT)])
    plsc.subcore_barrier()

    def run_half(hs):
        def block(b, carry):
            pltpu.sync_copy(src_r.at[s, b], idx_s)
            pltpu.sync_copy(dst_r.at[s, b], idx_d)
            pltpu.async_copy(hs.at[idx_s.at[0]], buf0, sem0)
            pltpu.async_copy(hs.at[idx_s.at[1]], buf1, sem1)

            def step(i, c2):
                j0 = 2 * i
                j1 = 2 * i + 1
                pltpu.make_async_copy(hs.at[idx_s.at[j0]], buf0, sem0).wait()
                pltpu.sync_copy(buf0, acc.at[idx_d.at[j0]], add=True)
                pltpu.async_copy(hs.at[idx_s.at[j0 + 2]], buf0, sem0)
                pltpu.make_async_copy(hs.at[idx_s.at[j1]], buf1, sem1).wait()
                pltpu.sync_copy(buf1, acc.at[idx_d.at[j1]], add=True)
                pltpu.async_copy(hs.at[idx_s.at[j1 + 2]], buf1, sem1)
                return c2

            lax.fori_loop(0, CPB // 2 - 1, step, 0)
            pltpu.make_async_copy(hs.at[idx_s.at[CPB - 2]], buf0, sem0).wait()
            pltpu.sync_copy(buf0, acc.at[idx_d.at[CPB - 2]], add=True)
            pltpu.make_async_copy(hs.at[idx_s.at[CPB - 1]], buf1, sem1).wait()
            pltpu.sync_copy(buf1, acc.at[idx_d.at[CPB - 1]], add=True)
            return carry

        lax.fori_loop(0, NB, block, 0)

    @pl.when(c == 0)
    def _():
        run_half(hs_a)

    @pl.when(c == 1)
    def _():
        run_half(hs_b)

    plsc.subcore_barrier()

    @pl.when(c == 0)
    def _():
        pltpu.sync_copy(acc.at[pl.ds(s * RPT, RPT)], out_a.at[pl.ds(s * RPT, RPT)])

    @pl.when(c == 1)
    def _():
        pltpu.sync_copy(acc.at[pl.ds(s * RPT, RPT)], out_b.at[pl.ds(s * RPT, RPT)])


_BLK = 1024


def _rsqrt_clip(deg):
    return lax.rsqrt(jnp.maximum(deg, 1.0))


def _tc_first_body(x_ref, w_ref, dego_ref, oa_ref, ob_ref):
    hs = jnp.dot(x_ref[...], w_ref[...], preferred_element_type=f32)
    hs = hs * _rsqrt_clip(dego_ref[...])
    oa_ref[...] = hs[:, :DH]
    ob_ref[...] = hs[:, DH:]


def _tc_mid_body(aa_ref, ab_ref, degi_ref, b_ref, w_ref, dego_ref, oa_ref, ob_ref):
    agg = jnp.concatenate([aa_ref[...], ab_ref[...]], axis=1)
    h = jnp.maximum(agg * _rsqrt_clip(degi_ref[...]) + b_ref[...], 0.0)
    hs = jnp.dot(h, w_ref[...], preferred_element_type=f32)
    hs = hs * _rsqrt_clip(dego_ref[...])
    oa_ref[...] = hs[:, :DH]
    ob_ref[...] = hs[:, DH:]


def _tc_final_body(aa_ref, ab_ref, degi_ref, b_ref, o_ref):
    agg = jnp.concatenate([aa_ref[...], ab_ref[...]], axis=1)
    o_ref[...] = agg * _rsqrt_clip(degi_ref[...]) + b_ref[...]


def _row_blk(w):
    return pl.BlockSpec((_BLK, w), lambda i: (i, 0))


def _full(a, b):
    return pl.BlockSpec((a, b), lambda i: (0, 0))


_tc_first = pl.pallas_call(
    _tc_first_body,
    grid=(NP // _BLK,),
    in_specs=[_row_blk(D), _full(D, D), _row_blk(1)],
    out_specs=(_row_blk(DH), _row_blk(DH)),
    out_shape=(jax.ShapeDtypeStruct((NP, DH), f32),) * 2,
)

_tc_mid = pl.pallas_call(
    _tc_mid_body,
    grid=(NP // _BLK,),
    in_specs=[_row_blk(DH), _row_blk(DH), _row_blk(1), _full(1, D), _full(D, D),
              _row_blk(1)],
    out_specs=(_row_blk(DH), _row_blk(DH)),
    out_shape=(jax.ShapeDtypeStruct((NP, DH), f32),) * 2,
)

_FBLK = 1000


def _frow_blk(w):
    return pl.BlockSpec((_FBLK, w), lambda i: (i, 0))


_tc_final = pl.pallas_call(
    _tc_final_body,
    grid=(N // _FBLK,),
    in_specs=[_frow_blk(DH), _frow_blk(DH), _frow_blk(1), _full(1, D)],
    out_specs=_frow_blk(D),
    out_shape=jax.ShapeDtypeStruct((N, D), f32),
)


def kernel(x, edge_index, W1, b1, W2, b2, W3, b3):
    pad = EPTP - EPT
    pad_rows = jnp.broadcast_to(
        (N + jnp.arange(NS, dtype=jnp.int32))[:, None], (NS, pad))
    src_r = jnp.concatenate(
        [edge_index[0].reshape(NS, EPT), pad_rows], axis=1
    ).reshape(NS, NB, CPB, KCH)
    dst_r = jnp.concatenate(
        [edge_index[1].reshape(NS, EPT), pad_rows], axis=1
    ).reshape(NS, NB, CPB, KCH)
    zeros128 = jnp.zeros((NP, DH), f32)
    ones128 = jnp.ones((KCH, DH), f32)

    deg_out128, deg_in128 = _deg_kernel(src_r, dst_r, zeros128, ones128)
    deg_out = deg_out128[:, :1]
    deg_in = deg_in128[:, :1]

    hs_a, hs_b = _tc_first(x, W1, deg_out)
    ag_a, ag_b = _spmm_kernel(hs_a, hs_b, src_r, dst_r, zeros128)
    hs_a, hs_b = _tc_mid(ag_a, ag_b, deg_in, b1.reshape(1, D), W2, deg_out)
    ag_a, ag_b = _spmm_kernel(hs_a, hs_b, src_r, dst_r, zeros128)
    hs_a, hs_b = _tc_mid(ag_a, ag_b, deg_in, b2.reshape(1, D), W3, deg_out)
    ag_a, ag_b = _spmm_kernel(hs_a, hs_b, src_r, dst_r, zeros128)
    out = _tc_final(ag_a, ag_b, deg_in, b3.reshape(1, D))
    return out

# --- scband reference (transcript-rebuilt; emitter-appended) ---
"""Pipeline reference for scband-gcn-18416819765943 (READ-ONLY COPY).

The authoritative reference and input builder live on the scoring server;
editing this copy changes nothing except your own understanding.
"""

import jax, jax.numpy as jnp
import numpy as np

N = 10000
E = 160000
D = 256


def setup_inputs(seed: int = 0) -> dict:
    key = jax.random.key(seed)
    ks = jax.random.split(key, 8)
    x = jax.random.normal(ks[0], (N, D), dtype=jnp.float32)
    edge_index = jax.random.randint(ks[1], (2, E), 0, N, dtype=jnp.int32)
    s = 1.0 / np.sqrt(D)
    W1 = jax.random.uniform(ks[2], (D, D), dtype=jnp.float32, minval=-s, maxval=s)
    b1 = jnp.zeros((D,), dtype=jnp.float32)
    W2 = jax.random.uniform(ks[3], (D, D), dtype=jnp.float32, minval=-s, maxval=s)
    b2 = jnp.zeros((D,), dtype=jnp.float32)
    W3 = jax.random.uniform(ks[4], (D, D), dtype=jnp.float32, minval=-s, maxval=s)
    b3 = jnp.zeros((D,), dtype=jnp.float32)
    return {"x": x, "edge_index": edge_index, "W1": W1, "b1": b1, "W2": W2, "b2": b2, "W3": W3, "b3": b3}


def reference(x, edge_index, W1, b1, W2, b2, W3, b3):
    src = edge_index[0]
    dst = edge_index[1]
    ones = jnp.ones((E,), dtype=jnp.float32)
    deg_out = jnp.zeros((N,), dtype=jnp.float32).at[src].add(ones)
    deg_in = jnp.zeros((N,), dtype=jnp.float32).at[dst].add(ones)
    norm_src = jax.lax.rsqrt(jnp.clip(deg_out, 1.0, None))
    norm_dst = jax.lax.rsqrt(jnp.clip(deg_in, 1.0, None))

    def graph_conv(h, W, b):
        # DGL GraphConv with norm='both': D^{-1/2} A D^{-1/2} (h W) + b
        h = h @ W
        msg = h[src] * norm_src[src][:, None]
        agg = jnp.zeros((N, h.shape[1]), dtype=h.dtype).at[dst].add(msg)
        return agg * norm_dst[:, None] + b

    # dropout is identity in eval/reference mode
    h = jax.nn.relu(graph_conv(x, W1, b1))
    h = jax.nn.relu(graph_conv(h, W2, b2))
    out = graph_conv(h, W3, b3)
    return out

if __name__ == "__main__":
    import jax
    _d = setup_inputs()
    print(jax.jit(kernel)(*tuple(_d.values())))

</pallas_src>

<mosaic_0001>
#map = affine_map<(d0, d1) -> (0, 0, 0, 0)>
#map1 = affine_map<(d0, d1) -> (0, 0)>
module attributes {stable_mosaic.version = 14 : i64} {
  func.func @_deg_kernel(%arg0: i32, %arg1: i32, %arg2: memref<16x2x40x128xi32, #tpu.memory_space<hbm>>, %arg3: memref<16x2x40x128xi32, #tpu.memory_space<hbm>>, %arg4: memref<10240x128xf32, #tpu.memory_space<hbm>>, %arg5: memref<128x128xf32, #tpu.memory_space<hbm>>, %arg6: memref<10240x128xf32, #tpu.memory_space<hbm>>, %arg7: memref<10240x128xf32, #tpu.memory_space<hbm>>, %arg8: memref<40x128xi32, #tpu.memory_space<vmem>>, %arg9: memref<128x128xf32, #tpu.memory_space<vmem>>, %arg10: memref<10240x128xf32, #tpu.memory_space<vmem_shared>>) attributes {dimension_semantics = [#tpu.dimension_semantics<core_parallel>, #tpu.dimension_semantics<subcore_parallel>], iteration_bounds = array<i64: 2, 16>, scalar_prefetch = 0 : i64, scratch_operands = 3 : i64, tpu.core_type = #tpu.core_type<sc_vector_subcore>, window_params = [{transform_indices = #map}, {transform_indices = #map}, {transform_indices = #map1}, {transform_indices = #map1}, {transform_indices = #map1}, {transform_indices = #map1}]} {
    "tpu.region"() ({
      %run_scoped3A = tpu.sem_alloc : memref<!tpu.dma_semaphore, #tpu.memory_space<semaphore_mem>>
      tpu.enqueue_dma source(%arg5 : memref<128x128xf32, #tpu.memory_space<hbm>>) target(%arg9 : memref<128x128xf32, #tpu.memory_space<vmem>>) target_semaphore(%run_scoped3A : memref<!tpu.dma_semaphore, #tpu.memory_space<semaphore_mem>>)
      tpu.wait_dma2 semaphore(%run_scoped3A : memref<!tpu.dma_semaphore, #tpu.memory_space<semaphore_mem>>) src(%arg5 : memref<128x128xf32, #tpu.memory_space<hbm>>) dst(%arg9 : memref<128x128xf32, #tpu.memory_space<vmem>>)
      tpu.yield
    }) : () -> ()
    %mul3A = arith.constant 640 : i32
    %mul3A_0 = arith.muli %arg1, %mul3A : i32
    %mul3A_1 = arith.constant 640 : i32
    %mul3A_2 = arith.muli %arg1, %mul3A_1 : i32
    "tpu.region"() ({
      %run_scoped3A = tpu.sem_alloc : memref<!tpu.dma_semaphore, #tpu.memory_space<semaphore_mem>>
      %dma_start3A = arith.constant 0 : i32
      %dma_start3A_16 = tpu.memref_slice %arg10[%mul3A_2, %dma_start3A] : memref<10240x128xf32, #tpu.memory_space<vmem_shared>> -> memref<640x128xf32, #tpu.memory_space<vmem_shared>>
      %dma_start3A_17 = arith.constant 0 : i32
      %dma_start3A_18 = tpu.memref_slice %arg4[%mul3A_0, %dma_start3A_17] : memref<10240x128xf32, #tpu.memory_space<hbm>> -> memref<640x128xf32, #tpu.memory_space<hbm>>
      tpu.enqueue_dma source(%dma_start3A_18 : memref<640x128xf32, #tpu.memory_space<hbm>>) target(%dma_start3A_16 : memref<640x128xf32, #tpu.memory_space<vmem_shared>>) target_semaphore(%run_scoped3A : memref<!tpu.dma_semaphore, #tpu.memory_space<semaphore_mem>>)
      %dma_wait3A = arith.constant 0 : i32
      %dma_wait3A_19 = tpu.memref_slice %arg10[%mul3A_2, %dma_wait3A] : memref<10240x128xf32, #tpu.memory_space<vmem_shared>> -> memref<640x128xf32, #tpu.memory_space<vmem_shared>>
      %dma_wait3A_20 = arith.constant 0 : i32
      %dma_wait3A_21 = tpu.memref_slice %arg4[%mul3A_0, %dma_wait3A_20] : memref<10240x128xf32, #tpu.memory_space<hbm>> -> memref<640x128xf32, #tpu.memory_space<hbm>>
      tpu.wait_dma2 semaphore(%run_scoped3A : memref<!tpu.dma_semaphore, #tpu.memory_space<semaphore_mem>>) src(%dma_wait3A_21 : memref<640x128xf32, #tpu.memory_space<hbm>>) dst(%dma_wait3A_19 : memref<640x128xf32, #tpu.memory_space<vmem_shared>>)
      tpu.yield
    }) : () -> ()
    %barrier3A = arith.constant 0 : index
    tpu.barrier barrier_id(%barrier3A)
    %scan3A = arith.constant 0 : i32
    %scan3A_3 = arith.constant 0 : i32
    %scan3A_4 = arith.constant 2 : i32
    %scan3A_5 = arith.addi %scan3A_3, %scan3A_4 : i32
    %scan3A_6 = arith.constant 1 : i32
    scf.for %scan3A_16 = %scan3A_3 to %scan3A_5 step %scan3A_6  : i32 {
      %eq3A_17 = arith.constant 0 : i32
      %eq3A_18 = arith.cmpi eq, %arg0, %eq3A_17 : i32
      %convert_element_type3A_19 = arith.extui %eq3A_18 : i1 to i32
      %cond3A_20 = arith.constant 0 : i32
      %cond3A_21 = arith.cmpi ne, %convert_element_type3A_19, %cond3A_20 : i32
      scf.if %cond3A_21 {
        "tpu.region"() ({
          %run_scoped3A = tpu.sem_alloc : memref<!tpu.dma_semaphore, #tpu.memory_space<semaphore_mem>>
          %dma_start3A = arith.constant 0 : i32
          %dma_start3A_33 = arith.constant 0 : i32
          %dma_start3A_34 = tpu.memref_slice %arg2[%arg1, %scan3A_16, %dma_start3A, %dma_start3A_33] : memref<16x2x40x128xi32, #tpu.memory_space<hbm>> -> memref<1x1x40x128xi32, #tpu.memory_space<hbm>>
          %dma_start3A_35 = tpu.memref_squeeze %dma_start3A_34 : memref<1x1x40x128xi32, #tpu.memory_space<hbm>> -> memref<40x128xi32, #tpu.memory_space<hbm>>
          %dma_start3A_36 = arith.constant 0 : i32
          %dma_start3A_37 = arith.constant 0 : i32
          %dma_start3A_38 = tpu.memref_slice %arg2[%arg1, %scan3A_16, %dma_start3A_36, %dma_start3A_37] : memref<16x2x40x128xi32, #tpu.memory_space<hbm>> -> memref<1x1x40x128xi32, #tpu.memory_space<hbm>>
          %dma_start3A_39 = tpu.memref_squeeze %dma_start3A_38 : memref<1x1x40x128xi32, #tpu.memory_space<hbm>> -> memref<40x128xi32, #tpu.memory_space<hbm>>
          tpu.enqueue_dma source(%dma_start3A_39 : memref<40x128xi32, #tpu.memory_space<hbm>>) target(%arg8 : memref<40x128xi32, #tpu.memory_space<vmem>>) target_semaphore(%run_scoped3A : memref<!tpu.dma_semaphore, #tpu.memory_space<semaphore_mem>>)
          %dma_wait3A = arith.constant 0 : i32
          %dma_wait3A_40 = arith.constant 0 : i32
          %dma_wait3A_41 = tpu.memref_slice %arg2[%arg1, %scan3A_16, %dma_wait3A, %dma_wait3A_40] : memref<16x2x40x128xi32, #tpu.memory_space<hbm>> -> memref<1x1x40x128xi32, #tpu.memory_space<hbm>>
          %dma_wait3A_42 = tpu.memref_squeeze %dma_wait3A_41 : memref<1x1x40x128xi32, #tpu.memory_space<hbm>> -> memref<40x128xi32, #tpu.memory_space<hbm>>
          %dma_wait3A_43 = arith.constant 0 : i32
          %dma_wait3A_44 = arith.constant 0 : i32
          %dma_wait3A_45 = tpu.memref_slice %arg2[%arg1, %scan3A_16, %dma_wait3A_43, %dma_wait3A_44] : memref<16x2x40x128xi32, #tpu.memory_space<hbm>> -> memref<1x1x40x128xi32, #tpu.memory_space<hbm>>
          %dma_wait3A_46 = tpu.memref_squeeze %dma_wait3A_45 : memref<1x1x40x128xi32, #tpu.memory_space<hbm>> -> memref<40x128xi32, #tpu.memory_space<hbm>>
          tpu.wait_dma2 semaphore(%run_scoped3A : memref<!tpu.dma_semaphore, #tpu.memory_space<semaphore_mem>>) src(%dma_wait3A_46 : memref<40x128xi32, #tpu.memory_space<hbm>>) dst(%arg8 : memref<40x128xi32, #tpu.memory_space<vmem>>)
          tpu.yield
        }) : () -> ()
      } else {
      }
      %eq3A_22 = arith.constant 1 : i32
      %eq3A_23 = arith.cmpi eq, %arg0, %eq3A_22 : i32
      %convert_element_type3A_24 = arith.extui %eq3A_23 : i1 to i32
      %cond3A_25 = arith.constant 0 : i32
      %cond3A_26 = arith.cmpi ne, %convert_element_type3A_24, %cond3A_25 : i32
      scf.if %cond3A_26 {
        "tpu.region"() ({
          %run_scoped3A = tpu.sem_alloc : memref<!tpu.dma_semaphore, #tpu.memory_space<semaphore_mem>>
          %dma_start3A = arith.constant 0 : i32
          %dma_start3A_33 = arith.constant 0 : i32
          %dma_start3A_34 = tpu.memref_slice %arg3[%arg1, %scan3A_16, %dma_start3A, %dma_start3A_33] : memref<16x2x40x128xi32, #tpu.memory_space<hbm>> -> memref<1x1x40x128xi32, #tpu.memory_space<hbm>>
          %dma_start3A_35 = tpu.memref_squeeze %dma_start3A_34 : memref<1x1x40x128xi32, #tpu.memory_space<hbm>> -> memref<40x128xi32, #tpu.memory_space<hbm>>
          %dma_start3A_36 = arith.constant 0 : i32
          %dma_start3A_37 = arith.constant 0 : i32
          %dma_start3A_38 = tpu.memref_slice %arg3[%arg1, %scan3A_16, %dma_start3A_36, %dma_start3A_37] : memref<16x2x40x128xi32, #tpu.memory_space<hbm>> -> memref<1x1x40x128xi32, #tpu.memory_space<hbm>>
          %dma_start3A_39 = tpu.memref_squeeze %dma_start3A_38 : memref<1x1x40x128xi32, #tpu.memory_space<hbm>> -> memref<40x128xi32, #tpu.memory_space<hbm>>
          tpu.enqueue_dma source(%dma_start3A_39 : memref<40x128xi32, #tpu.memory_space<hbm>>) target(%arg8 : memref<40x128xi32, #tpu.memory_space<vmem>>) target_semaphore(%run_scoped3A : memref<!tpu.dma_semaphore, #tpu.memory_space<semaphore_mem>>)
          %dma_wait3A = arith.constant 0 : i32
          %dma_wait3A_40 = arith.constant 0 : i32
          %dma_wait3A_41 = tpu.memref_slice %arg3[%arg1, %scan3A_16, %dma_wait3A, %dma_wait3A_40] : memref<16x2x40x128xi32, #tpu.memory_space<hbm>> -> memref<1x1x40x128xi32, #tpu.memory_space<hbm>>
          %dma_wait3A_42 = tpu.memref_squeeze %dma_wait3A_41 : memref<1x1x40x128xi32, #tpu.memory_space<hbm>> -> memref<40x128xi32, #tpu.memory_space<hbm>>
          %dma_wait3A_43 = arith.constant 0 : i32
          %dma_wait3A_44 = arith.constant 0 : i32
          %dma_wait3A_45 = tpu.memref_slice %arg3[%arg1, %scan3A_16, %dma_wait3A_43, %dma_wait3A_44] : memref<16x2x40x128xi32, #tpu.memory_space<hbm>> -> memref<1x1x40x128xi32, #tpu.memory_space<hbm>>
          %dma_wait3A_46 = tpu.memref_squeeze %dma_wait3A_45 : memref<1x1x40x128xi32, #tpu.memory_space<hbm>> -> memref<40x128xi32, #tpu.memory_space<hbm>>
          tpu.wait_dma2 semaphore(%run_scoped3A : memref<!tpu.dma_semaphore, #tpu.memory_space<semaphore_mem>>) src(%dma_wait3A_46 : memref<40x128xi32, #tpu.memory_space<hbm>>) dst(%arg8 : memref<40x128xi32, #tpu.memory_space<vmem>>)
          tpu.yield
        }) : () -> ()
      } else {
      }
      %scan3A_27 = arith.constant 0 : i32
      %scan3A_28 = arith.constant 0 : i32
      %scan3A_29 = arith.constant 40 : i32
      %scan3A_30 = arith.addi %scan3A_28, %scan3A_29 : i32
      %scan3A_31 = arith.constant 1 : i32
      scf.for %scan3A_33 = %scan3A_28 to %scan3A_30 step %scan3A_31  : i32 {
        "tpu.region"() ({
          %run_scoped3A = tpu.sem_alloc : memref<!tpu.dma_semaphore, #tpu.memory_space<semaphore_mem>>
          %dma_start3A = arith.constant 0 : i32
          %dma_start3A_34 = tpu.memref_slice %arg8[%scan3A_33, %dma_start3A] : memref<40x128xi32, #tpu.memory_space<vmem>> -> memref<1x128xi32, #tpu.memory_space<vmem>>
          %dma_start3A_35 = tpu.memref_squeeze %dma_start3A_34 : memref<1x128xi32, #tpu.memory_space<vmem>> -> memref<128xi32, #tpu.memory_space<vmem>>
          %dma_start3A_36 = arith.constant 0 : i32
          %dma_start3A_37 = arith.constant 0 : i32
          %dma_start3A_38 = tpu.memref_slice %arg10[%dma_start3A_36, %dma_start3A_37] : memref<10240x128xf32, #tpu.memory_space<vmem_shared>> -> memref<10240x128xf32, #tpu.memory_space<vmem_shared>>
          tpu.enqueue_indirect_dma source(%arg9 : memref<128x128xf32, #tpu.memory_space<vmem>>) target(%dma_start3A_38 : memref<10240x128xf32, #tpu.memory_space<vmem_shared>>) offsets(%dma_start3A_35 : memref<128xi32, #tpu.memory_space<vmem>>) semaphore(%run_scoped3A : memref<!tpu.dma_semaphore, #tpu.memory_space<semaphore_mem>>) {add = true}
          %dma_wait3A = arith.constant 0 : i32
          %dma_wait3A_39 = tpu.memref_slice %arg8[%scan3A_33, %dma_wait3A] : memref<40x128xi32, #tpu.memory_space<vmem>> -> memref<1x128xi32, #tpu.memory_space<vmem>>
          %dma_wait3A_40 = tpu.memref_squeeze %dma_wait3A_39 : memref<1x128xi32, #tpu.memory_space<vmem>> -> memref<128xi32, #tpu.memory_space<vmem>>
          %dma_wait3A_41 = arith.constant 0 : i32
          %dma_wait3A_42 = arith.constant 0 : i32
          %dma_wait3A_43 = tpu.memref_slice %arg10[%dma_wait3A_41, %dma_wait3A_42] : memref<10240x128xf32, #tpu.memory_space<vmem_shared>> -> memref<10240x128xf32, #tpu.memory_space<vmem_shared>>
          tpu.wait_indirect_dma semaphore(%run_scoped3A : memref<!tpu.dma_semaphore, #tpu.memory_space<semaphore_mem>>) src(%arg9 : memref<128x128xf32, #tpu.memory_space<vmem>>) dst(%dma_wait3A_43 : memref<10240x128xf32, #tpu.memory_space<vmem_shared>>)
          tpu.yield
        }) : () -> ()
      }
      %scan3A_32 = arith.constant 40 : i32
    }
    %scan3A_7 = arith.constant 2 : i32
    %barrier3A_8 = arith.constant 0 : index
    tpu.barrier barrier_id(%barrier3A_8)
    %eq3A = arith.constant 0 : i32
    %eq3A_9 = arith.cmpi eq, %arg0, %eq3A : i32
    %convert_element_type3A = arith.extui %eq3A_9 : i1 to i32
    %cond3A = arith.constant 0 : i32
    %cond3A_10 = arith.cmpi ne, %convert_element_type3A, %cond3A : i32
    scf.if %cond3A_10 {
      %mul3A_16 = arith.constant 640 : i32
      %mul3A_17 = arith.muli %arg1, %mul3A_16 : i32
      %mul3A_18 = arith.constant 640 : i32
      %mul3A_19 = arith.muli %arg1, %mul3A_18 : i32
      "tpu.region"() ({
        %run_scoped3A = tpu.sem_alloc : memref<!tpu.dma_semaphore, #tpu.memory_space<semaphore_mem>>
        %dma_start3A = arith.constant 0 : i32
        %dma_start3A_20 = tpu.memref_slice %arg6[%mul3A_19, %dma_start3A] : memref<10240x128xf32, #tpu.memory_space<hbm>> -> memref<640x128xf32, #tpu.memory_space<hbm>>
        %dma_start3A_21 = arith.constant 0 : i32
        %dma_start3A_22 = tpu.memref_slice %arg10[%mul3A_17, %dma_start3A_21] : memref<10240x128xf32, #tpu.memory_space<vmem_shared>> -> memref<640x128xf32, #tpu.memory_space<vmem_shared>>
        tpu.enqueue_dma source(%dma_start3A_22 : memref<640x128xf32, #tpu.memory_space<vmem_shared>>) target(%dma_start3A_20 : memref<640x128xf32, #tpu.memory_space<hbm>>) target_semaphore(%run_scoped3A : memref<!tpu.dma_semaphore, #tpu.memory_space<semaphore_mem>>)
        %dma_wait3A = arith.constant 0 : i32
        %dma_wait3A_23 = tpu.memref_slice %arg6[%mul3A_19, %dma_wait3A] : memref<10240x128xf32, #tpu.memory_space<hbm>> -> memref<640x128xf32, #tpu.memory_space<hbm>>
        %dma_wait3A_24 = arith.constant 0 : i32
        %dma_wait3A_25 = tpu.memref_slice %arg10[%mul3A_17, %dma_wait3A_24] : memref<10240x128xf32, #tpu.memory_space<vmem_shared>> -> memref<640x128xf32, #tpu.memory_space<vmem_shared>>
        tpu.wait_dma2 semaphore(%run_scoped3A : memref<!tpu.dma_semaphore, #tpu.memory_space<semaphore_mem>>) src(%dma_wait3A_25 : memref<640x128xf32, #tpu.memory_space<vmem_shared>>) dst(%dma_wait3A_23 : memref<640x128xf32, #tpu.memory_space<hbm>>)
        tpu.yield
      }) : () -> ()
    } else {
    }
    %eq3A_11 = arith.constant 1 : i32
    %eq3A_12 = arith.cmpi eq, %arg0, %eq3A_11 : i32
    %convert_element_type3A_13 = arith.extui %eq3A_12 : i1 to i32
    %cond3A_14 = arith.constant 0 : i32
    %cond3A_15 = arith.cmpi ne, %convert_element_type3A_13, %cond3A_14 : i32
    scf.if %cond3A_15 {
      %mul3A_16 = arith.constant 640 : i32
      %mul3A_17 = arith.muli %arg1, %mul3A_16 : i32
      %mul3A_18 = arith.constant 640 : i32
      %mul3A_19 = arith.muli %arg1, %mul3A_18 : i32
      "tpu.region"() ({
        %run_scoped3A = tpu.sem_alloc : memref<!tpu.dma_semaphore, #tpu.memory_space<semaphore_mem>>
        %dma_start3A = arith.constant 0 : i32
        %dma_start3A_20 = tpu.memref_slice %arg7[%mul3A_19, %dma_start3A] : memref<10240x128xf32, #tpu.memory_space<hbm>> -> memref<640x128xf32, #tpu.memory_space<hbm>>
        %dma_start3A_21 = arith.constant 0 : i32
        %dma_start3A_22 = tpu.memref_slice %arg10[%mul3A_17, %dma_start3A_21] : memref<10240x128xf32, #tpu.memory_space<vmem_shared>> -> memref<640x128xf32, #tpu.memory_space<vmem_shared>>
        tpu.enqueue_dma source(%dma_start3A_22 : memref<640x128xf32, #tpu.memory_space<vmem_shared>>) target(%dma_start3A_20 : memref<640x128xf32, #tpu.memory_space<hbm>>) target_semaphore(%run_scoped3A : memref<!tpu.dma_semaphore, #tpu.memory_space<semaphore_mem>>)
        %dma_wait3A = arith.constant 0 : i32
        %dma_wait3A_23 = tpu.memref_slice %arg7[%mul3A_19, %dma_wait3A] : memref<10240x128xf32, #tpu.memory_space<hbm>> -> memref<640x128xf32, #tpu.memory_space<hbm>>
        %dma_wait3A_24 = arith.constant 0 : i32
        %dma_wait3A_25 = tpu.memref_slice %arg10[%mul3A_17, %dma_wait3A_24] : memref<10240x128xf32, #tpu.memory_space<vmem_shared>> -> memref<640x128xf32, #tpu.memory_space<vmem_shared>>
        tpu.wait_dma2 semaphore(%run_scoped3A : memref<!tpu.dma_semaphore, #tpu.memory_space<semaphore_mem>>) src(%dma_wait3A_25 : memref<640x128xf32, #tpu.memory_space<vmem_shared>>) dst(%dma_wait3A_23 : memref<640x128xf32, #tpu.memory_space<hbm>>)
        tpu.yield
      }) : () -> ()
    } else {
    }
    return
  }
}

#map = affine_map<(d0, d1) -> (0, 0)>
#map1 = affine_map<(d0, d1) -> (0, 0, 0, 0)>
module attributes {stable_mosaic.version = 14 : i64} {
  func.func @_spmm_kernel(%arg0: i32, %arg1: i32, %arg2: memref<10240x128xf32, #tpu.memory_space<hbm>>, %arg3: memref<10240x128xf32, #tpu.memory_space<hbm>>, %arg4: memref<16x2x40x128xi32, #tpu.memory_space<hbm>>, %arg5: memref<16x2x40x128xi32, #tpu.memory_space<hbm>>, %arg6: memref<10240x128xf32, #tpu.memory_space<hbm>>, %arg7: memref<10240x128xf32, #tpu.memory_space<hbm>>, %arg8: memref<10240x128xf32, #tpu.memory_space<hbm>>, %arg9: memref<40x128xi32, #tpu.memory_space<vmem>>, %arg10: memref<40x128xi32, #tpu.memory_space<vmem>>, %arg11: memref<128x128xf32, #tpu.memory_space<vmem>>, %arg12: memref<128x128xf32, #tpu.memory_space<vmem>>, %arg13: memref<10240x128xf32, #tpu.memory_space<vmem_shared>>, %arg14: memref<!tpu.dma_semaphore, #tpu.memory_space<semaphore_mem>>, %arg15: memref<!tpu.dma_semaphore, #tpu.memory_space<semaphore_mem>>) attributes {dimension_semantics = [#tpu.dimension_semantics<core_parallel>, #tpu.dimension_semantics<subcore_parallel>], iteration_bounds = array<i64: 2, 16>, scalar_prefetch = 0 : i64, scratch_operands = 7 : i64, tpu.core_type = #tpu.core_type<sc_vector_subcore>, window_params = [{transform_indices = #map}, {transform_indices = #map}, {transform_indices = #map1}, {transform_indices = #map1}, {transform_indices = #map}, {transform_indices = #map}, {transform_indices = #map}]} {
    %mul3A = arith.constant 640 : i32
    %mul3A_0 = arith.muli %arg1, %mul3A : i32
    %mul3A_1 = arith.constant 640 : i32
    %mul3A_2 = arith.muli %arg1, %mul3A_1 : i32
    "tpu.region"() ({
      %run_scoped3A = tpu.sem_alloc : memref<!tpu.dma_semaphore, #tpu.memory_space<semaphore_mem>>
      %dma_start3A = arith.constant 0 : i32
      %dma_start3A_21 = tpu.memref_slice %arg13[%mul3A_2, %dma_start3A] : memref<10240x128xf32, #tpu.memory_space<vmem_shared>> -> memref<640x128xf32, #tpu.memory_space<vmem_shared>>
      %dma_start3A_22 = arith.constant 0 : i32
      %dma_start3A_23 = tpu.memref_slice %arg6[%mul3A_0, %dma_start3A_22] : memref<10240x128xf32, #tpu.memory_space<hbm>> -> memref<640x128xf32, #tpu.memory_space<hbm>>
      tpu.enqueue_dma source(%dma_start3A_23 : memref<640x128xf32, #tpu.memory_space<hbm>>) target(%dma_start3A_21 : memref<640x128xf32, #tpu.memory_space<vmem_shared>>) target_semaphore(%run_scoped3A : memref<!tpu.dma_semaphore, #tpu.memory_space<semaphore_mem>>)
      %dma_wait3A = arith.constant 0 : i32
      %dma_wait3A_24 = tpu.memref_slice %arg13[%mul3A_2, %dma_wait3A] : memref<10240x128xf32, #tpu.memory_space<vmem_shared>> -> memref<640x128xf32, #tpu.memory_space<vmem_shared>>
      %dma_wait3A_25 = arith.constant 0 : i32
      %dma_wait3A_26 = tpu.memref_slice %arg6[%mul3A_0, %dma_wait3A_25] : memref<10240x128xf32, #tpu.memory_space<hbm>> -> memref<640x128xf32, #tpu.memory_space<hbm>>
      tpu.wait_dma2 semaphore(%run_scoped3A : memref<!tpu.dma_semaphore, #tpu.memory_space<semaphore_mem>>) src(%dma_wait3A_26 : memref<640x128xf32, #tpu.memory_space<hbm>>) dst(%dma_wait3A_24 : memref<640x128xf32, #tpu.memory_space<vmem_shared>>)
      tpu.yield
    }) : () -> ()
    %barrier3A = arith.constant 0 : index
    tpu.barrier barrier_id(%barrier3A)
    %eq3A = arith.constant 0 : i32
    %eq3A_3 = arith.cmpi eq, %arg0, %eq3A : i32
    %convert_element_type3A = arith.extui %eq3A_3 : i1 to i32
    %cond3A = arith.constant 0 : i32
    %cond3A_4 = arith.cmpi ne, %convert_element_type3A, %cond3A : i32
    scf.if %cond3A_4 {
      %scan3A = arith.constant 0 : i32
      %scan3A_21 = arith.constant 0 : i32
      %scan3A_22 = arith.constant 2 : i32
      %scan3A_23 = arith.addi %scan3A_21, %scan3A_22 : i32
      %scan3A_24 = arith.constant 1 : i32
      scf.for %scan3A_26 = %scan3A_21 to %scan3A_23 step %scan3A_24  : i32 {
        "tpu.region"() ({
          %run_scoped3A_60 = tpu.sem_alloc : memref<!tpu.dma_semaphore, #tpu.memory_space<semaphore_mem>>
          %dma_start3A_61 = arith.constant 0 : i32
          %dma_start3A_62 = arith.constant 0 : i32
          %dma_start3A_63 = tpu.memref_slice %arg4[%arg1, %scan3A_26, %dma_start3A_61, %dma_start3A_62] : memref<16x2x40x128xi32, #tpu.memory_space<hbm>> -> memref<1x1x40x128xi32, #tpu.memory_space<hbm>>
          %dma_start3A_64 = tpu.memref_squeeze %dma_start3A_63 : memref<1x1x40x128xi32, #tpu.memory_space<hbm>> -> memref<40x128xi32, #tpu.memory_space<hbm>>
          %dma_start3A_65 = arith.constant 0 : i32
          %dma_start3A_66 = arith.constant 0 : i32
          %dma_start3A_67 = tpu.memref_slice %arg4[%arg1, %scan3A_26, %dma_start3A_65, %dma_start3A_66] : memref<16x2x40x128xi32, #tpu.memory_space<hbm>> -> memref<1x1x40x128xi32, #tpu.memory_space<hbm>>
          %dma_start3A_68 = tpu.memref_squeeze %dma_start3A_67 : memref<1x1x40x128xi32, #tpu.memory_space<hbm>> -> memref<40x128xi32, #tpu.memory_space<hbm>>
          tpu.enqueue_dma source(%dma_start3A_68 : memref<40x128xi32, #tpu.memory_space<hbm>>) target(%arg9 : memref<40x128xi32, #tpu.memory_space<vmem>>) target_semaphore(%run_scoped3A_60 : memref<!tpu.dma_semaphore, #tpu.memory_space<semaphore_mem>>)
          %dma_wait3A_69 = arith.constant 0 : i32
          %dma_wait3A_70 = arith.constant 0 : i32
          %dma_wait3A_71 = tpu.memref_slice %arg4[%arg1, %scan3A_26, %dma_wait3A_69, %dma_wait3A_70] : memref<16x2x40x128xi32, #tpu.memory_space<hbm>> -> memref<1x1x40x128xi32, #tpu.memory_space<hbm>>
          %dma_wait3A_72 = tpu.memref_squeeze %dma_wait3A_71 : memref<1x1x40x128xi32, #tpu.memory_space<hbm>> -> memref<40x128xi32, #tpu.memory_space<hbm>>
          %dma_wait3A_73 = arith.constant 0 : i32
          %dma_wait3A_74 = arith.constant 0 : i32
          %dma_wait3A_75 = tpu.memref_slice %arg4[%arg1, %scan3A_26, %dma_wait3A_73, %dma_wait3A_74] : memref<16x2x40x128xi32, #tpu.memory_space<hbm>> -> memref<1x1x40x128xi32, #tpu.memory_space<hbm>>
          %dma_wait3A_76 = tpu.memref_squeeze %dma_wait3A_75 : memref<1x1x40x128xi32, #tpu.memory_space<hbm>> -> memref<40x128xi32, #tpu.memory_space<hbm>>
          tpu.wait_dma2 semaphore(%run_scoped3A_60 : memref<!tpu.dma_semaphore, #tpu.memory_space<semaphore_mem>>) src(%dma_wait3A_76 : memref<40x128xi32, #tpu.memory_space<hbm>>) dst(%arg9 : memref<40x128xi32, #tpu.memory_space<vmem>>)
          tpu.yield
        }) : () -> ()
        "tpu.region"() ({
          %run_scoped3A_60 = tpu.sem_alloc : memref<!tpu.dma_semaphore, #tpu.memory_space<semaphore_mem>>
          %dma_start3A_61 = arith.constant 0 : i32
          %dma_start3A_62 = arith.constant 0 : i32
          %dma_start3A_63 = tpu.memref_slice %arg5[%arg1, %scan3A_26, %dma_start3A_61, %dma_start3A_62] : memref<16x2x40x128xi32, #tpu.memory_space<hbm>> -> memref<1x1x40x128xi32, #tpu.memory_space<hbm>>
          %dma_start3A_64 = tpu.memref_squeeze %dma_start3A_63 : memref<1x1x40x128xi32, #tpu.memory_space<hbm>> -> memref<40x128xi32, #tpu.memory_space<hbm>>
          %dma_start3A_65 = arith.constant 0 : i32
          %dma_start3A_66 = arith.constant 0 : i32
          %dma_start3A_67 = tpu.memref_slice %arg5[%arg1, %scan3A_26, %dma_start3A_65, %dma_start3A_66] : memref<16x2x40x128xi32, #tpu.memory_space<hbm>> -> memref<1x1x40x128xi32, #tpu.memory_space<hbm>>
          %dma_start3A_68 = tpu.memref_squeeze %dma_start3A_67 : memref<1x1x40x128xi32, #tpu.memory_space<hbm>> -> memref<40x128xi32, #tpu.memory_space<hbm>>
          tpu.enqueue_dma source(%dma_start3A_68 : memref<40x128xi32, #tpu.memory_space<hbm>>) target(%arg10 : memref<40x128xi32, #tpu.memory_space<vmem>>) target_semaphore(%run_scoped3A_60 : memref<!tpu.dma_semaphore, #tpu.memory_space<semaphore_mem>>)
          %dma_wait3A_69 = arith.constant 0 : i32
          %dma_wait3A_70 = arith.constant 0 : i32
          %dma_wait3A_71 = tpu.memref_slice %arg5[%arg1, %scan3A_26, %dma_wait3A_69, %dma_wait3A_70] : memref<16x2x40x128xi32, #tpu.memory_space<hbm>> -> memref<1x1x40x128xi32, #tpu.memory_space<hbm>>
          %dma_wait3A_72 = tpu.memref_squeeze %dma_wait3A_71 : memref<1x1x40x128xi32, #tpu.memory_space<hbm>> -> memref<40x128xi32, #tpu.memory_space<hbm>>
          %dma_wait3A_73 = arith.constant 0 : i32
          %dma_wait3A_74 = arith.constant 0 : i32
          %dma_wait3A_75 = tpu.memref_slice %arg5[%arg1, %scan3A_26, %dma_wait3A_73, %dma_wait3A_74] : memref<16x2x40x128xi32, #tpu.memory_space<hbm>> -> memref<1x1x40x128xi32, #tpu.memory_space<hbm>>
          %dma_wait3A_76 = tpu.memref_squeeze %dma_wait3A_75 : memref<1x1x40x128xi32, #tpu.memory_space<hbm>> -> memref<40x128xi32, #tpu.memory_space<hbm>>
          tpu.wait_dma2 semaphore(%run_scoped3A_60 : memref<!tpu.dma_semaphore, #tpu.memory_space<semaphore_mem>>) src(%dma_wait3A_76 : memref<40x128xi32, #tpu.memory_space<hbm>>) dst(%arg10 : memref<40x128xi32, #tpu.memory_space<vmem>>)
          tpu.yield
        }) : () -> ()
        %dma_start3A = arith.constant 0 : i32
        %dma_start3A_27 = arith.constant 0 : i32
        %dma_start3A_28 = tpu.memref_slice %arg9[%dma_start3A, %dma_start3A_27] : memref<40x128xi32, #tpu.memory_space<vmem>> -> memref<1x128xi32, #tpu.memory_space<vmem>>
        %dma_start3A_29 = tpu.memref_squeeze %dma_start3A_28 : memref<1x128xi32, #tpu.memory_space<vmem>> -> memref<128xi32, #tpu.memory_space<vmem>>
        %dma_start3A_30 = arith.constant 0 : i32
        %dma_start3A_31 = arith.constant 0 : i32
        %dma_start3A_32 = tpu.memref_slice %arg2[%dma_start3A_30, %dma_start3A_31] : memref<10240x128xf32, #tpu.memory_space<hbm>> -> memref<10240x128xf32, #tpu.memory_space<hbm>>
        tpu.enqueue_indirect_dma source(%dma_start3A_32 : memref<10240x128xf32, #tpu.memory_space<hbm>>) target(%arg11 : memref<128x128xf32, #tpu.memory_space<vmem>>) offsets(%dma_start3A_29 : memref<128xi32, #tpu.memory_space<vmem>>) semaphore(%arg14 : memref<!tpu.dma_semaphore, #tpu.memory_space<semaphore_mem>>)
        %dma_start3A_33 = arith.constant 1 : i32
        %dma_start3A_34 = arith.constant 0 : i32
        %dma_start3A_35 = tpu.memref_slice %arg9[%dma_start3A_33, %dma_start3A_34] : memref<40x128xi32, #tpu.memory_space<vmem>> -> memref<1x128xi32, #tpu.memory_space<vmem>>
        %dma_start3A_36 = tpu.memref_squeeze %dma_start3A_35 : memref<1x128xi32, #tpu.memory_space<vmem>> -> memref<128xi32, #tpu.memory_space<vmem>>
        %dma_start3A_37 = arith.constant 0 : i32
        %dma_start3A_38 = arith.constant 0 : i32
        %dma_start3A_39 = tpu.memref_slice %arg2[%dma_start3A_37, %dma_start3A_38] : memref<10240x128xf32, #tpu.memory_space<hbm>> -> memref<10240x128xf32, #tpu.memory_space<hbm>>
        tpu.enqueue_indirect_dma source(%dma_start3A_39 : memref<10240x128xf32, #tpu.memory_space<hbm>>) target(%arg12 : memref<128x128xf32, #tpu.memory_space<vmem>>) offsets(%dma_start3A_36 : memref<128xi32, #tpu.memory_space<vmem>>) semaphore(%arg15 : memref<!tpu.dma_semaphore, #tpu.memory_space<semaphore_mem>>)
        %scan3A_40 = arith.constant 0 : i32
        %scan3A_41 = arith.constant 0 : i32
        %scan3A_42 = arith.constant 19 : i32
        %scan3A_43 = arith.addi %scan3A_41, %scan3A_42 : i32
        %scan3A_44 = arith.constant 1 : i32
        scf.for %scan3A_60 = %scan3A_41 to %scan3A_43 step %scan3A_44  : i32 {
          %mul3A_61 = arith.constant 2 : i32
          %mul3A_62 = arith.muli %mul3A_61, %scan3A_60 : i32
          %mul3A_63 = arith.constant 2 : i32
          %mul3A_64 = arith.muli %mul3A_63, %scan3A_60 : i32
          %add3A = arith.constant 1 : i32
          %add3A_65 = arith.addi %mul3A_64, %add3A : i32
          %dma_wait3A_66 = arith.constant 0 : i32
          %dma_wait3A_67 = tpu.memref_slice %arg9[%mul3A_62, %dma_wait3A_66] : memref<40x128xi32, #tpu.memory_space<vmem>> -> memref<1x128xi32, #tpu.memory_space<vmem>>
          %dma_wait3A_68 = tpu.memref_squeeze %dma_wait3A_67 : memref<1x128xi32, #tpu.memory_space<vmem>> -> memref<128xi32, #tpu.memory_space<vmem>>
          %dma_wait3A_69 = arith.constant 0 : i32
          %dma_wait3A_70 = arith.constant 0 : i32
          %dma_wait3A_71 = tpu.memref_slice %arg2[%dma_wait3A_69, %dma_wait3A_70] : memref<10240x128xf32, #tpu.memory_space<hbm>> -> memref<10240x128xf32, #tpu.memory_space<hbm>>
          tpu.wait_indirect_dma semaphore(%arg14 : memref<!tpu.dma_semaphore, #tpu.memory_space<semaphore_mem>>) src(%dma_wait3A_71 : memref<10240x128xf32, #tpu.memory_space<hbm>>) dst(%arg11 : memref<128x128xf32, #tpu.memory_space<vmem>>)
          "tpu.region"() ({
            %run_scoped3A_94 = tpu.sem_alloc : memref<!tpu.dma_semaphore, #tpu.memory_space<semaphore_mem>>
            %dma_start3A_95 = arith.constant 0 : i32
            %dma_start3A_96 = tpu.memref_slice %arg10[%mul3A_62, %dma_start3A_95] : memref<40x128xi32, #tpu.memory_space<vmem>> -> memref<1x128xi32, #tpu.memory_space<vmem>>
            %dma_start3A_97 = tpu.memref_squeeze %dma_start3A_96 : memref<1x128xi32, #tpu.memory_space<vmem>> -> memref<128xi32, #tpu.memory_space<vmem>>
            %dma_start3A_98 = arith.constant 0 : i32
            %dma_start3A_99 = arith.constant 0 : i32
            %dma_start3A_100 = tpu.memref_slice %arg13[%dma_start3A_98, %dma_start3A_99] : memref<10240x128xf32, #tpu.memory_space<vmem_shared>> -> memref<10240x128xf32, #tpu.memory_space<vmem_shared>>
            tpu.enqueue_indirect_dma source(%arg11 : memref<128x128xf32, #tpu.memory_space<vmem>>) target(%dma_start3A_100 : memref<10240x128xf32, #tpu.memory_space<vmem_shared>>) offsets(%dma_start3A_97 : memref<128xi32, #tpu.memory_space<vmem>>) semaphore(%run_scoped3A_94 : memref<!tpu.dma_semaphore, #tpu.memory_space<semaphore_mem>>) {add = true}
            %dma_wait3A_101 = arith.constant 0 : i32
            %dma_wait3A_102 = tpu.memref_slice %arg10[%mul3A_62, %dma_wait3A_101] : memref<40x128xi32, #tpu.memory_space<vmem>> -> memref<1x128xi32, #tpu.memory_space<vmem>>
            %dma_wait3A_103 = tpu.memref_squeeze %dma_wait3A_102 : memref<1x128xi32, #tpu.memory_space<vmem>> -> memref<128xi32, #tpu.memory_space<vmem>>
            %dma_wait3A_104 = arith.constant 0 : i32
            %dma_wait3A_105 = arith.constant 0 : i32
            %dma_wait3A_106 = tpu.memref_slice %arg13[%dma_wait3A_104, %dma_wait3A_105] : memref<10240x128xf32, #tpu.memory_space<vmem_shared>> -> memref<10240x128xf32, #tpu.memory_space<vmem_shared>>
            tpu.wait_indirect_dma semaphore(%run_scoped3A_94 : memref<!tpu.dma_semaphore, #tpu.memory_space<semaphore_mem>>) src(%arg11 : memref<128x128xf32, #tpu.memory_space<vmem>>) dst(%dma_wait3A_106 : memref<10240x128xf32, #tpu.memory_space<vmem_shared>>)
            tpu.yield
          }) : () -> ()
          %add3A_72 = arith.constant 2 : i32
          %add3A_73 = arith.addi %mul3A_62, %add3A_72 : i32
          %dma_start3A_74 = arith.constant 0 : i32
          %dma_start3A_75 = tpu.memref_slice %arg9[%add3A_73, %dma_start3A_74] : memref<40x128xi32, #tpu.memory_space<vmem>> -> memref<1x128xi32, #tpu.memory_space<vmem>>
          %dma_start3A_76 = tpu.memref_squeeze %dma_start3A_75 : memref<1x128xi32, #tpu.memory_space<vmem>> -> memref<128xi32, #tpu.memory_space<vmem>>
          %dma_start3A_77 = arith.constant 0 : i32
          %dma_start3A_78 = arith.constant 0 : i32
          %dma_start3A_79 = tpu.memref_slice %arg2[%dma_start3A_77, %dma_start3A_78] : memref<10240x128xf32, #tpu.memory_space<hbm>> -> memref<10240x128xf32, #tpu.memory_space<hbm>>
          tpu.enqueue_indirect_dma source(%dma_start3A_79 : memref<10240x128xf32, #tpu.memory_space<hbm>>) target(%arg11 : memref<128x128xf32, #tpu.memory_space<vmem>>) offsets(%dma_start3A_76 : memref<128xi32, #tpu.memory_space<vmem>>) semaphore(%arg14 : memref<!tpu.dma_semaphore, #tpu.memory_space<semaphore_mem>>)
          %dma_wait3A_80 = arith.constant 0 : i32
          %dma_wait3A_81 = tpu.memref_slice %arg9[%add3A_65, %dma_wait3A_80] : memref<40x128xi32, #tpu.memory_space<vmem>> -> memref<1x128xi32, #tpu.memory_space<vmem>>
          %dma_wait3A_82 = tpu.memref_squeeze %dma_wait3A_81 : memref<1x128xi32, #tpu.memory_space<vmem>> -> memref<128xi32, #tpu.memory_space<vmem>>
          %dma_wait3A_83 = arith.constant 0 : i32
          %dma_wait3A_84 = arith.constant 0 : i32
          %dma_wait3A_85 = tpu.memref_slice %arg2[%dma_wait3A_83, %dma_wait3A_84] : memref<10240x128xf32, #tpu.memory_space<hbm>> -> memref<10240x128xf32, #tpu.memory_space<hbm>>
          tpu.wait_indirect_dma semaphore(%arg15 : memref<!tpu.dma_semaphore, #tpu.memory_space<semaphore_mem>>) src(%dma_wait3A_85 : memref<10240x128xf32, #tpu.memory_space<hbm>>) dst(%arg12 : memref<128x128xf32, #tpu.memory_space<vmem>>)
          "tpu.region"() ({
            %run_scoped3A_94 = tpu.sem_alloc : memref<!tpu.dma_semaphore, #tpu.memory_space<semaphore_mem>>
            %dma_start3A_95 = arith.constant 0 : i32
            %dma_start3A_96 = tpu.memref_slice %arg10[%add3A_65, %dma_start3A_95] : memref<40x128xi32, #tpu.memory_space<vmem>> -> memref<1x128xi32, #tpu.memory_space<vmem>>
            %dma_start3A_97 = tpu.memref_squeeze %dma_start3A_96 : memref<1x128xi32, #tpu.memory_space<vmem>> -> memref<128xi32, #tpu.memory_space<vmem>>
            %dma_start3A_98 = arith.constant 0 : i32
            %dma_start3A_99 = arith.constant 0 : i32
            %dma_start3A_100 = tpu.memref_slice %arg13[%dma_start3A_98, %dma_start3A_99] : memref<10240x128xf32, #tpu.memory_space<vmem_shared>> -> memref<10240x128xf32, #tpu.memory_space<vmem_shared>>
            tpu.enqueue_indirect_dma source(%arg12 : memref<128x128xf32, #tpu.memory_space<vmem>>) target(%dma_start3A_100 : memref<10240x128xf32, #tpu.memory_space<vmem_shared>>) offsets(%dma_start3A_97 : memref<128xi32, #tpu.memory_space<vmem>>) semaphore(%run_scoped3A_94 : memref<!tpu.dma_semaphore, #tpu.memory_space<semaphore_mem>>) {add = true}
            %dma_wait3A_101 = arith.constant 0 : i32
            %dma_wait3A_102 = tpu.memref_slice %arg10[%add3A_65, %dma_wait3A_101] : memref<40x128xi32, #tpu.memory_space<vmem>> -> memref<1x128xi32, #tpu.memory_space<vmem>>
            %dma_wait3A_103 = tpu.memref_squeeze %dma_wait3A_102 : memref<1x128xi32, #tpu.memory_space<vmem>> -> memref<128xi32, #tpu.memory_space<vmem>>
            %dma_wait3A_104 = arith.constant 0 : i32
            %dma_wait3A_105 = arith.constant 0 : i32
            %dma_wait3A_106 = tpu.memref_slice %arg13[%dma_wait3A_104, %dma_wait3A_105] : memref<10240x128xf32, #tpu.memory_space<vmem_shared>> -> memref<10240x128xf32, #tpu.memory_space<vmem_shared>>
            tpu.wait_indirect_dma semaphore(%run_scoped3A_94 : memref<!tpu.dma_semaphore, #tpu.memory_space<semaphore_mem>>) src(%arg12 : memref<128x128xf32, #tpu.memory_space<vmem>>) dst(%dma_wait3A_106 : memref<10240x128xf32, #tpu.memory_space<vmem_shared>>)
            tpu.yield
          }) : () -> ()
          %add3A_86 = arith.constant 2 : i32
          %add3A_87 = arith.addi %add3A_65, %add3A_86 : i32
          %dma_start3A_88 = arith.constant 0 : i32
          %dma_start3A_89 = tpu.memref_slice %arg9[%add3A_87, %dma_start3A_88] : memref<40x128xi32, #tpu.memory_space<vmem>> -> memref<1x128xi32, #tpu.memory_space<vmem>>
          %dma_start3A_90 = tpu.memref_squeeze %dma_start3A_89 : memref<1x128xi32, #tpu.memory_space<vmem>> -> memref<128xi32, #tpu.memory_space<vmem>>
          %dma_start3A_91 = arith.constant 0 : i32
          %dma_start3A_92 = arith.constant 0 : i32
          %dma_start3A_93 = tpu.memref_slice %arg2[%dma_start3A_91, %dma_start3A_92] : memref<10240x128xf32, #tpu.memory_space<hbm>> -> memref<10240x128xf32, #tpu.memory_space<hbm>>
          tpu.enqueue_indirect_dma source(%dma_start3A_93 : memref<10240x128xf32, #tpu.memory_space<hbm>>) target(%arg12 : memref<128x128xf32, #tpu.memory_space<vmem>>) offsets(%dma_start3A_90 : memref<128xi32, #tpu.memory_space<vmem>>) semaphore(%arg15 : memref<!tpu.dma_semaphore, #tpu.memory_space<semaphore_mem>>)
        }
        %scan3A_45 = arith.constant 19 : i32
        %dma_wait3A = arith.constant 38 : i32
        %dma_wait3A_46 = arith.constant 0 : i32
        %dma_wait3A_47 = tpu.memref_slice %arg9[%dma_wait3A, %dma_wait3A_46] : memref<40x128xi32, #tpu.memory_space<vmem>> -> memref<1x128xi32, #tpu.memory_space<vmem>>
        %dma_wait3A_48 = tpu.memref_squeeze %dma_wait3A_47 : memref<1x128xi32, #tpu.memory_space<vmem>> -> memref<128xi32, #tpu.memory_space<vmem>>
        %dma_wait3A_49 = arith.constant 0 : i32
        %dma_wait3A_50 = arith.constant 0 : i32
        %dma_wait3A_51 = tpu.memref_slice %arg2[%dma_wait3A_49, %dma_wait3A_50] : memref<10240x128xf32, #tpu.memory_space<hbm>> -> memref<10240x128xf32, #tpu.memory_space<hbm>>
        tpu.wait_indirect_dma semaphore(%arg14 : memref<!tpu.dma_semaphore, #tpu.memory_space<semaphore_mem>>) src(%dma_wait3A_51 : memref<10240x128xf32, #tpu.memory_space<hbm>>) dst(%arg11 : memref<128x128xf32, #tpu.memory_space<vmem>>)
        %run_scoped3A = arith.constant 38 : i32
        "tpu.region"() ({
          %run_scoped3A_60 = tpu.sem_alloc : memref<!tpu.dma_semaphore, #tpu.memory_space<semaphore_mem>>
          %dma_start3A_61 = arith.constant 0 : i32
          %dma_start3A_62 = tpu.memref_slice %arg10[%run_scoped3A, %dma_start3A_61] : memref<40x128xi32, #tpu.memory_space<vmem>> -> memref<1x128xi32, #tpu.memory_space<vmem>>
          %dma_start3A_63 = tpu.memref_squeeze %dma_start3A_62 : memref<1x128xi32, #tpu.memory_space<vmem>> -> memref<128xi32, #tpu.memory_space<vmem>>
          %dma_start3A_64 = arith.constant 0 : i32
          %dma_start3A_65 = arith.constant 0 : i32
          %dma_start3A_66 = tpu.memref_slice %arg13[%dma_start3A_64, %dma_start3A_65] : memref<10240x128xf32, #tpu.memory_space<vmem_shared>> -> memref<10240x128xf32, #tpu.memory_space<vmem_shared>>
          tpu.enqueue_indirect_dma source(%arg11 : memref<128x128xf32, #tpu.memory_space<vmem>>) target(%dma_start3A_66 : memref<10240x128xf32, #tpu.memory_space<vmem_shared>>) offsets(%dma_start3A_63 : memref<128xi32, #tpu.memory_space<vmem>>) semaphore(%run_scoped3A_60 : memref<!tpu.dma_semaphore, #tpu.memory_space<semaphore_mem>>) {add = true}
          %dma_wait3A_67 = arith.constant 0 : i32
          %dma_wait3A_68 = tpu.memref_slice %arg10[%run_scoped3A, %dma_wait3A_67] : memref<40x128xi32, #tpu.memory_space<vmem>> -> memref<1x128xi32, #tpu.memory_space<vmem>>
          %dma_wait3A_69 = tpu.memref_squeeze %dma_wait3A_68 : memref<1x128xi32, #tpu.memory_space<vmem>> -> memref<128xi32, #tpu.memory_space<vmem>>
          %dma_wait3A_70 = arith.constant 0 : i32
          %dma_wait3A_71 = arith.constant 0 : i32
          %dma_wait3A_72 = tpu.memref_slice %arg13[%dma_wait3A_70, %dma_wait3A_71] : memref<10240x128xf32, #tpu.memory_space<vmem_shared>> -> memref<10240x128xf32, #tpu.memory_space<vmem_shared>>
          tpu.wait_indirect_dma semaphore(%run_scoped3A_60 : memref<!tpu.dma_semaphore, #tpu.memory_space<semaphore_mem>>) src(%arg11 : memref<128x128xf32, #tpu.memory_space<vmem>>) dst(%dma_wait3A_72 : memref<10240x128xf32, #tpu.memory_space<vmem_shared>>)
          tpu.yield
        }) : () -> ()
        %dma_wait3A_52 = arith.constant 39 : i32
        %dma_wait3A_53 = arith.constant 0 : i32
        %dma_wait3A_54 = tpu.memref_slice %arg9[%dma_wait3A_52, %dma_wait3A_53] : memref<40x128xi32, #tpu.memory_space<vmem>> -> memref<1x128xi32, #tpu.memory_space<vmem>>
        %dma_wait3A_55 = tpu.memref_squeeze %dma_wait3A_54 : memref<1x128xi32, #tpu.memory_space<vmem>> -> memref<128xi32, #tpu.memory_space<vmem>>
        %dma_wait3A_56 = arith.constant 0 : i32
        %dma_wait3A_57 = arith.constant 0 : i32
        %dma_wait3A_58 = tpu.memref_slice %arg2[%dma_wait3A_56, %dma_wait3A_57] : memref<10240x128xf32, #tpu.memory_space<hbm>> -> memref<10240x128xf32, #tpu.memory_space<hbm>>
        tpu.wait_indirect_dma semaphore(%arg15 : memref<!tpu.dma_semaphore, #tpu.memory_space<semaphore_mem>>) src(%dma_wait3A_58 : memref<10240x128xf32, #tpu.memory_space<hbm>>) dst(%arg12 : memref<128x128xf32, #tpu.memory_space<vmem>>)
        %run_scoped3A_59 = arith.constant 39 : i32
        "tpu.region"() ({
          %run_scoped3A_60 = tpu.sem_alloc : memref<!tpu.dma_semaphore, #tpu.memory_space<semaphore_mem>>
          %dma_start3A_61 = arith.constant 0 : i32
          %dma_start3A_62 = tpu.memref_slice %arg10[%run_scoped3A_59, %dma_start3A_61] : memref<40x128xi32, #tpu.memory_space<vmem>> -> memref<1x128xi32, #tpu.memory_space<vmem>>
          %dma_start3A_63 = tpu.memref_squeeze %dma_start3A_62 : memref<1x128xi32, #tpu.memory_space<vmem>> -> memref<128xi32, #tpu.memory_space<vmem>>
          %dma_start3A_64 = arith.constant 0 : i32
          %dma_start3A_65 = arith.constant 0 : i32
          %dma_start3A_66 = tpu.memref_slice %arg13[%dma_start3A_64, %dma_start3A_65] : memref<10240x128xf32, #tpu.memory_space<vmem_shared>> -> memref<10240x128xf32, #tpu.memory_space<vmem_shared>>
          tpu.enqueue_indirect_dma source(%arg12 : memref<128x128xf32, #tpu.memory_space<vmem>>) target(%dma_start3A_66 : memref<10240x128xf32, #tpu.memory_space<vmem_shared>>) offsets(%dma_start3A_63 : memref<128xi32, #tpu.memory_space<vmem>>) semaphore(%run_scoped3A_60 : memref<!tpu.dma_semaphore, #tpu.memory_space<semaphore_mem>>) {add = true}
          %dma_wait3A_67 = arith.constant 0 : i32
          %dma_wait3A_68 = tpu.memref_slice %arg10[%run_scoped3A_59, %dma_wait3A_67] : memref<40x128xi32, #tpu.memory_space<vmem>> -> memref<1x128xi32, #tpu.memory_space<vmem>>
          %dma_wait3A_69 = tpu.memref_squeeze %dma_wait3A_68 : memref<1x128xi32, #tpu.memory_space<vmem>> -> memref<128xi32, #tpu.memory_space<vmem>>
          %dma_wait3A_70 = arith.constant 0 : i32
          %dma_wait3A_71 = arith.constant 0 : i32
          %dma_wait3A_72 = tpu.memref_slice %arg13[%dma_wait3A_70, %dma_wait3A_71] : memref<10240x128xf32, #tpu.memory_space<vmem_shared>> -> memref<10240x128xf32, #tpu.memory_space<vmem_shared>>
          tpu.wait_indirect_dma semaphore(%run_scoped3A_60 : memref<!tpu.dma_semaphore, #tpu.memory_space<semaphore_mem>>) src(%arg12 : memref<128x128xf32, #tpu.memory_space<vmem>>) dst(%dma_wait3A_72 : memref<10240x128xf32, #tpu.memory_space<vmem_shared>>)
          tpu.yield
        }) : () -> ()
      }
      %scan3A_25 = arith.constant 2 : i32
    } else {
    }
    %eq3A_5 = arith.constant 1 : i32
    %eq3A_6 = arith.cmpi eq, %arg0, %eq3A_5 : i32
    %convert_element_type3A_7 = arith.extui %eq3A_6 : i1 to i32
    %cond3A_8 = arith.constant 0 : i32
    %cond3A_9 = arith.cmpi ne, %convert_element_type3A_7, %cond3A_8 : i32
    scf.if %cond3A_9 {
      %scan3A = arith.constant 0 : i32
      %scan3A_21 = arith.constant 0 : i32
      %scan3A_22 = arith.constant 2 : i32
      %scan3A_23 = arith.addi %scan3A_21, %scan3A_22 : i32
      %scan3A_24 = arith.constant 1 : i32
      scf.for %scan3A_26 = %scan3A_21 to %scan3A_23 step %scan3A_24  : i32 {
        "tpu.region"() ({
          %run_scoped3A_60 = tpu.sem_alloc : memref<!tpu.dma_semaphore, #tpu.memory_space<semaphore_mem>>
          %dma_start3A_61 = arith.constant 0 : i32
          %dma_start3A_62 = arith.constant 0 : i32
          %dma_start3A_63 = tpu.memref_slice %arg4[%arg1, %scan3A_26, %dma_start3A_61, %dma_start3A_62] : memref<16x2x40x128xi32, #tpu.memory_space<hbm>> -> memref<1x1x40x128xi32, #tpu.memory_space<hbm>>
          %dma_start3A_64 = tpu.memref_squeeze %dma_start3A_63 : memref<1x1x40x128xi32, #tpu.memory_space<hbm>> -> memref<40x128xi32, #tpu.memory_space<hbm>>
          %dma_start3A_65 = arith.constant 0 : i32
          %dma_start3A_66 = arith.constant 0 : i32
          %dma_start3A_67 = tpu.memref_slice %arg4[%arg1, %scan3A_26, %dma_start3A_65, %dma_start3A_66] : memref<16x2x40x128xi32, #tpu.memory_space<hbm>> -> memref<1x1x40x128xi32, #tpu.memory_space<hbm>>
          %dma_start3A_68 = tpu.memref_squeeze %dma_start3A_67 : memref<1x1x40x128xi32, #tpu.memory_space<hbm>> -> memref<40x128xi32, #tpu.memory_space<hbm>>
          tpu.enqueue_dma source(%dma_start3A_68 : memref<40x128xi32, #tpu.memory_space<hbm>>) target(%arg9 : memref<40x128xi32, #tpu.memory_space<vmem>>) target_semaphore(%run_scoped3A_60 : memref<!tpu.dma_semaphore, #tpu.memory_space<semaphore_mem>>)
          %dma_wait3A_69 = arith.constant 0 : i32
          %dma_wait3A_70 = arith.constant 0 : i32
          %dma_wait3A_71 = tpu.memref_slice %arg4[%arg1, %scan3A_26, %dma_wait3A_69, %dma_wait3A_70] : memref<16x2x40x128xi32, #tpu.memory_space<hbm>> -> memref<1x1x40x128xi32, #tpu.memory_space<hbm>>
          %dma_wait3A_72 = tpu.memref_squeeze %dma_wait3A_71 : memref<1x1x40x128xi32, #tpu.memory_space<hbm>> -> memref<40x128xi32, #tpu.memory_space<hbm>>
          %dma_wait3A_73 = arith.constant 0 : i32
          %dma_wait3A_74 = arith.constant 0 : i32
          %dma_wait3A_75 = tpu.memref_slice %arg4[%arg1, %scan3A_26, %dma_wait3A_73, %dma_wait3A_74] : memref<16x2x40x128xi32, #tpu.memory_space<hbm>> -> memref<1x1x40x128xi32, #tpu.memory_space<hbm>>
          %dma_wait3A_76 = tpu.memref_squeeze %dma_wait3A_75 : memref<1x1x40x128xi32, #tpu.memory_space<hbm>> -> memref<40x128xi32, #tpu.memory_space<hbm>>
          tpu.wait_dma2 semaphore(%run_scoped3A_60 : memref<!tpu.dma_semaphore, #tpu.memory_space<semaphore_mem>>) src(%dma_wait3A_76 : memref<40x128xi32, #tpu.memory_space<hbm>>) dst(%arg9 : memref<40x128xi32, #tpu.memory_space<vmem>>)
          tpu.yield
        }) : () -> ()
        "tpu.region"() ({
          %run_scoped3A_60 = tpu.sem_alloc : memref<!tpu.dma_semaphore, #tpu.memory_space<semaphore_mem>>
          %dma_start3A_61 = arith.constant 0 : i32
          %dma_start3A_62 = arith.constant 0 : i32
          %dma_start3A_63 = tpu.memref_slice %arg5[%arg1, %scan3A_26, %dma_start3A_61, %dma_start3A_62] : memref<16x2x40x128xi32, #tpu.memory_space<hbm>> -> memref<1x1x40x128xi32, #tpu.memory_space<hbm>>
          %dma_start3A_64 = tpu.memref_squeeze %dma_start3A_63 : memref<1x1x40x128xi32, #tpu.memory_space<hbm>> -> memref<40x128xi32, #tpu.memory_space<hbm>>
          %dma_start3A_65 = arith.constant 0 : i32
          %dma_start3A_66 = arith.constant 0 : i32
          %dma_start3A_67 = tpu.memref_slice %arg5[%arg1, %scan3A_26, %dma_start3A_65, %dma_start3A_66] : memref<16x2x40x128xi32, #tpu.memory_space<hbm>> -> memref<1x1x40x128xi32, #tpu.memory_space<hbm>>
          %dma_start3A_68 = tpu.memref_squeeze %dma_start3A_67 : memref<1x1x40x128xi32, #tpu.memory_space<hbm>> -> memref<40x128xi32, #tpu.memory_space<hbm>>
          tpu.enqueue_dma source(%dma_start3A_68 : memref<40x128xi32, #tpu.memory_space<hbm>>) target(%arg10 : memref<40x128xi32, #tpu.memory_space<vmem>>) target_semaphore(%run_scoped3A_60 : memref<!tpu.dma_semaphore, #tpu.memory_space<semaphore_mem>>)
          %dma_wait3A_69 = arith.constant 0 : i32
          %dma_wait3A_70 = arith.constant 0 : i32
          %dma_wait3A_71 = tpu.memref_slice %arg5[%arg1, %scan3A_26, %dma_wait3A_69, %dma_wait3A_70] : memref<16x2x40x128xi32, #tpu.memory_space<hbm>> -> memref<1x1x40x128xi32, #tpu.memory_space<hbm>>
          %dma_wait3A_72 = tpu.memref_squeeze %dma_wait3A_71 : memref<1x1x40x128xi32, #tpu.memory_space<hbm>> -> memref<40x128xi32, #tpu.memory_space<hbm>>
          %dma_wait3A_73 = arith.constant 0 : i32
          %dma_wait3A_74 = arith.constant 0 : i32
          %dma_wait3A_75 = tpu.memref_slice %arg5[%arg1, %scan3A_26, %dma_wait3A_73, %dma_wait3A_74] : memref<16x2x40x128xi32, #tpu.memory_space<hbm>> -> memref<1x1x40x128xi32, #tpu.memory_space<hbm>>
          %dma_wait3A_76 = tpu.memref_squeeze %dma_wait3A_75 : memref<1x1x40x128xi32, #tpu.memory_space<hbm>> -> memref<40x128xi32, #tpu.memory_space<hbm>>
          tpu.wait_dma2 semaphore(%run_scoped3A_60 : memref<!tpu.dma_semaphore, #tpu.memory_space<semaphore_mem>>) src(%dma_wait3A_76 : memref<40x128xi32, #tpu.memory_space<hbm>>) dst(%arg10 : memref<40x128xi32, #tpu.memory_space<vmem>>)
          tpu.yield
        }) : () -> ()
        %dma_start3A = arith.constant 0 : i32
        %dma_start3A_27 = arith.constant 0 : i32
        %dma_start3A_28 = tpu.memref_slice %arg9[%dma_start3A, %dma_start3A_27] : memref<40x128xi32, #tpu.memory_space<vmem>> -> memref<1x128xi32, #tpu.memory_space<vmem>>
        %dma_start3A_29 = tpu.memref_squeeze %dma_start3A_28 : memref<1x128xi32, #tpu.memory_space<vmem>> -> memref<128xi32, #tpu.memory_space<vmem>>
        %dma_start3A_30 = arith.constant 0 : i32
        %dma_start3A_31 = arith.constant 0 : i32
        %dma_start3A_32 = tpu.memref_slice %arg3[%dma_start3A_30, %dma_start3A_31] : memref<10240x128xf32, #tpu.memory_space<hbm>> -> memref<10240x128xf32, #tpu.memory_space<hbm>>
        tpu.enqueue_indirect_dma source(%dma_start3A_32 : memref<10240x128xf32, #tpu.memory_space<hbm>>) target(%arg11 : memref<128x128xf32, #tpu.memory_space<vmem>>) offsets(%dma_start3A_29 : memref<128xi32, #tpu.memory_space<vmem>>) semaphore(%arg14 : memref<!tpu.dma_semaphore, #tpu.memory_space<semaphore_mem>>)
        %dma_start3A_33 = arith.constant 1 : i32
        %dma_start3A_34 = arith.constant 0 : i32
        %dma_start3A_35 = tpu.memref_slice %arg9[%dma_start3A_33, %dma_start3A_34] : memref<40x128xi32, #tpu.memory_space<vmem>> -> memref<1x128xi32, #tpu.memory_space<vmem>>
        %dma_start3A_36 = tpu.memref_squeeze %dma_start3A_35 : memref<1x128xi32, #tpu.memory_space<vmem>> -> memref<128xi32, #tpu.memory_space<vmem>>
        %dma_start3A_37 = arith.constant 0 : i32
        %dma_start3A_38 = arith.constant 0 : i32
        %dma_start3A_39 = tpu.memref_slice %arg3[%dma_start3A_37, %dma_start3A_38] : memref<10240x128xf32, #tpu.memory_space<hbm>> -> memref<10240x128xf32, #tpu.memory_space<hbm>>
        tpu.enqueue_indirect_dma source(%dma_start3A_39 : memref<10240x128xf32, #tpu.memory_space<hbm>>) target(%arg12 : memref<128x128xf32, #tpu.memory_space<vmem>>) offsets(%dma_start3A_36 : memref<128xi32, #tpu.memory_space<vmem>>) semaphore(%arg15 : memref<!tpu.dma_semaphore, #tpu.memory_space<semaphore_mem>>)
        %scan3A_40 = arith.constant 0 : i32
        %scan3A_41 = arith.constant 0 : i32
        %scan3A_42 = arith.constant 19 : i32
        %scan3A_43 = arith.addi %scan3A_41, %scan3A_42 : i32
        %scan3A_44 = arith.constant 1 : i32
        scf.for %scan3A_60 = %scan3A_41 to %scan3A_43 step %scan3A_44  : i32 {
          %mul3A_61 = arith.constant 2 : i32
          %mul3A_62 = arith.muli %mul3A_61, %scan3A_60 : i32
          %mul3A_63 = arith.constant 2 : i32
          %mul3A_64 = arith.muli %mul3A_63, %scan3A_60 : i32
          %add3A = arith.constant 1 : i32
          %add3A_65 = arith.addi %mul3A_64, %add3A : i32
          %dma_wait3A_66 = arith.constant 0 : i32
          %dma_wait3A_67 = tpu.memref_slice %arg9[%mul3A_62, %dma_wait3A_66] : memref<40x128xi32, #tpu.memory_space<vmem>> -> memref<1x128xi32, #tpu.memory_space<vmem>>
          %dma_wait3A_68 = tpu.memref_squeeze %dma_wait3A_67 : memref<1x128xi32, #tpu.memory_space<vmem>> -> memref<128xi32, #tpu.memory_space<vmem>>
          %dma_wait3A_69 = arith.constant 0 : i32
          %dma_wait3A_70 = arith.constant 0 : i32
          %dma_wait3A_71 = tpu.memref_slice %arg3[%dma_wait3A_69, %dma_wait3A_70] : memref<10240x128xf32, #tpu.memory_space<hbm>> -> memref<10240x128xf32, #tpu.memory_space<hbm>>
          tpu.wait_indirect_dma semaphore(%arg14 : memref<!tpu.dma_semaphore, #tpu.memory_space<semaphore_mem>>) src(%dma_wait3A_71 : memref<10240x128xf32, #tpu.memory_space<hbm>>) dst(%arg11 : memref<128x128xf32, #tpu.memory_space<vmem>>)
          "tpu.region"() ({
            %run_scoped3A_94 = tpu.sem_alloc : memref<!tpu.dma_semaphore, #tpu.memory_space<semaphore_mem>>
            %dma_start3A_95 = arith.constant 0 : i32
            %dma_start3A_96 = tpu.memref_slice %arg10[%mul3A_62, %dma_start3A_95] : memref<40x128xi32, #tpu.memory_space<vmem>> -> memref<1x128xi32, #tpu.memory_space<vmem>>
            %dma_start3A_97 = tpu.memref_squeeze %dma_start3A_96 : memref<1x128xi32, #tpu.memory_space<vmem>> -> memref<128xi32, #tpu.memory_space<vmem>>
            %dma_start3A_98 = arith.constant 0 : i32
            %dma_start3A_99 = arith.constant 0 : i32
            %dma_start3A_100 = tpu.memref_slice %arg13[%dma_start3A_98, %dma_start3A_99] : memref<10240x128xf32, #tpu.memory_space<vmem_shared>> -> memref<10240x128xf32, #tpu.memory_space<vmem_shared>>
            tpu.enqueue_indirect_dma source(%arg11 : memref<128x128xf32, #tpu.memory_space<vmem>>) target(%dma_start3A_100 : memref<10240x128xf32, #tpu.memory_space<vmem_shared>>) offsets(%dma_start3A_97 : memref<128xi32, #tpu.memory_space<vmem>>) semaphore(%run_scoped3A_94 : memref<!tpu.dma_semaphore, #tpu.memory_space<semaphore_mem>>) {add = true}
            %dma_wait3A_101 = arith.constant 0 : i32
            %dma_wait3A_102 = tpu.memref_slice %arg10[%mul3A_62, %dma_wait3A_101] : memref<40x128xi32, #tpu.memory_space<vmem>> -> memref<1x128xi32, #tpu.memory_space<vmem>>
            %dma_wait3A_103 = tpu.memref_squeeze %dma_wait3A_102 : memref<1x128xi32, #tpu.memory_space<vmem>> -> memref<128xi32, #tpu.memory_space<vmem>>
            %dma_wait3A_104 = arith.constant 0 : i32
            %dma_wait3A_105 = arith.constant 0 : i32
            %dma_wait3A_106 = tpu.memref_slice %arg13[%dma_wait3A_104, %dma_wait3A_105] : memref<10240x128xf32, #tpu.memory_space<vmem_shared>> -> memref<10240x128xf32, #tpu.memory_space<vmem_shared>>
            tpu.wait_indirect_dma semaphore(%run_scoped3A_94 : memref<!tpu.dma_semaphore, #tpu.memory_space<semaphore_mem>>) src(%arg11 : memref<128x128xf32, #tpu.memory_space<vmem>>) dst(%dma_wait3A_106 : memref<10240x128xf32, #tpu.memory_space<vmem_shared>>)
            tpu.yield
          }) : () -> ()
          %add3A_72 = arith.constant 2 : i32
          %add3A_73 = arith.addi %mul3A_62, %add3A_72 : i32
          %dma_start3A_74 = arith.constant 0 : i32
          %dma_start3A_75 = tpu.memref_slice %arg9[%add3A_73, %dma_start3A_74] : memref<40x128xi32, #tpu.memory_space<vmem>> -> memref<1x128xi32, #tpu.memory_space<vmem>>
          %dma_start3A_76 = tpu.memref_squeeze %dma_start3A_75 : memref<1x128xi32, #tpu.memory_space<vmem>> -> memref<128xi32, #tpu.memory_space<vmem>>
          %dma_start3A_77 = arith.constant 0 : i32
          %dma_start3A_78 = arith.constant 0 : i32
          %dma_start3A_79 = tpu.memref_slice %arg3[%dma_start3A_77, %dma_start3A_78] : memref<10240x128xf32, #tpu.memory_space<hbm>> -> memref<10240x128xf32, #tpu.memory_space<hbm>>
          tpu.enqueue_indirect_dma source(%dma_start3A_79 : memref<10240x128xf32, #tpu.memory_space<hbm>>) target(%arg11 : memref<128x128xf32, #tpu.memory_space<vmem>>) offsets(%dma_start3A_76 : memref<128xi32, #tpu.memory_space<vmem>>) semaphore(%arg14 : memref<!tpu.dma_semaphore, #tpu.memory_space<semaphore_mem>>)
          %dma_wait3A_80 = arith.constant 0 : i32
          %dma_wait3A_81 = tpu.memref_slice %arg9[%add3A_65, %dma_wait3A_80] : memref<40x128xi32, #tpu.memory_space<vmem>> -> memref<1x128xi32, #tpu.memory_space<vmem>>
          %dma_wait3A_82 = tpu.memref_squeeze %dma_wait3A_81 : memref<1x128xi32, #tpu.memory_space<vmem>> -> memref<128xi32, #tpu.memory_space<vmem>>
          %dma_wait3A_83 = arith.constant 0 : i32
          %dma_wait3A_84 = arith.constant 0 : i32
          %dma_wait3A_85 = tpu.memref_slice %arg3[%dma_wait3A_83, %dma_wait3A_84] : memref<10240x128xf32, #tpu.memory_space<hbm>> -> memref<10240x128xf32, #tpu.memory_space<hbm>>
          tpu.wait_indirect_dma semaphore(%arg15 : memref<!tpu.dma_semaphore, #tpu.memory_space<semaphore_mem>>) src(%dma_wait3A_85 : memref<10240x128xf32, #tpu.memory_space<hbm>>) dst(%arg12 : memref<128x128xf32, #tpu.memory_space<vmem>>)
          "tpu.region"() ({
            %run_scoped3A_94 = tpu.sem_alloc : memref<!tpu.dma_semaphore, #tpu.memory_space<semaphore_mem>>
            %dma_start3A_95 = arith.constant 0 : i32
            %dma_start3A_96 = tpu.memref_slice %arg10[%add3A_65, %dma_start3A_95] : memref<40x128xi32, #tpu.memory_space<vmem>> -> memref<1x128xi32, #tpu.memory_space<vmem>>
            %dma_start3A_97 = tpu.memref_squeeze %dma_start3A_96 : memref<1x128xi32, #tpu.memory_space<vmem>> -> memref<128xi32, #tpu.memory_space<vmem>>
            %dma_start3A_98 = arith.constant 0 : i32
            %dma_start3A_99 = arith.constant 0 : i32
            %dma_start3A_100 = tpu.memref_slice %arg13[%dma_start3A_98, %dma_start3A_99] : memref<10240x128xf32, #tpu.memory_space<vmem_shared>> -> memref<10240x128xf32, #tpu.memory_space<vmem_shared>>
            tpu.enqueue_indirect_dma source(%arg12 : memref<128x128xf32, #tpu.memory_space<vmem>>) target(%dma_start3A_100 : memref<10240x128xf32, #tpu.memory_space<vmem_shared>>) offsets(%dma_start3A_97 : memref<128xi32, #tpu.memory_space<vmem>>) semaphore(%run_scoped3A_94 : memref<!tpu.dma_semaphore, #tpu.memory_space<semaphore_mem>>) {add = true}
            %dma_wait3A_101 = arith.constant 0 : i32
            %dma_wait3A_102 = tpu.memref_slice %arg10[%add3A_65, %dma_wait3A_101] : memref<40x128xi32, #tpu.memory_space<vmem>> -> memref<1x128xi32, #tpu.memory_space<vmem>>
            %dma_wait3A_103 = tpu.memref_squeeze %dma_wait3A_102 : memref<1x128xi32, #tpu.memory_space<vmem>> -> memref<128xi32, #tpu.memory_space<vmem>>
            %dma_wait3A_104 = arith.constant 0 : i32
            %dma_wait3A_105 = arith.constant 0 : i32
            %dma_wait3A_106 = tpu.memref_slice %arg13[%dma_wait3A_104, %dma_wait3A_105] : memref<10240x128xf32, #tpu.memory_space<vmem_shared>> -> memref<10240x128xf32, #tpu.memory_space<vmem_shared>>
            tpu.wait_indirect_dma semaphore(%run_scoped3A_94 : memref<!tpu.dma_semaphore, #tpu.memory_space<semaphore_mem>>) src(%arg12 : memref<128x128xf32, #tpu.memory_space<vmem>>) dst(%dma_wait3A_106 : memref<10240x128xf32, #tpu.memory_space<vmem_shared>>)
            tpu.yield
          }) : () -> ()
          %add3A_86 = arith.constant 2 : i32
          %add3A_87 = arith.addi %add3A_65, %add3A_86 : i32
          %dma_start3A_88 = arith.constant 0 : i32
          %dma_start3A_89 = tpu.memref_slice %arg9[%add3A_87, %dma_start3A_88] : memref<40x128xi32, #tpu.memory_space<vmem>> -> memref<1x128xi32, #tpu.memory_space<vmem>>
          %dma_start3A_90 = tpu.memref_squeeze %dma_start3A_89 : memref<1x128xi32, #tpu.memory_space<vmem>> -> memref<128xi32, #tpu.memory_space<vmem>>
          %dma_start3A_91 = arith.constant 0 : i32
          %dma_start3A_92 = arith.constant 0 : i32
          %dma_start3A_93 = tpu.memref_slice %arg3[%dma_start3A_91, %dma_start3A_92] : memref<10240x128xf32, #tpu.memory_space<hbm>> -> memref<10240x128xf32, #tpu.memory_space<hbm>>
          tpu.enqueue_indirect_dma source(%dma_start3A_93 : memref<10240x128xf32, #tpu.memory_space<hbm>>) target(%arg12 : memref<128x128xf32, #tpu.memory_space<vmem>>) offsets(%dma_start3A_90 : memref<128xi32, #tpu.memory_space<vmem>>) semaphore(%arg15 : memref<!tpu.dma_semaphore, #tpu.memory_space<semaphore_mem>>)
        }
        %scan3A_45 = arith.constant 19 : i32
        %dma_wait3A = arith.constant 38 : i32
        %dma_wait3A_46 = arith.constant 0 : i32
        %dma_wait3A_47 = tpu.memref_slice %arg9[%dma_wait3A, %dma_wait3A_46] : memref<40x128xi32, #tpu.memory_space<vmem>> -> memref<1x128xi32, #tpu.memory_space<vmem>>
        %dma_wait3A_48 = tpu.memref_squeeze %dma_wait3A_47 : memref<1x128xi32, #tpu.memory_space<vmem>> -> memref<128xi32, #tpu.memory_space<vmem>>
        %dma_wait3A_49 = arith.constant 0 : i32
        %dma_wait3A_50 = arith.constant 0 : i32
        %dma_wait3A_51 = tpu.memref_slice %arg3[%dma_wait3A_49, %dma_wait3A_50] : memref<10240x128xf32, #tpu.memory_space<hbm>> -> memref<10240x128xf32, #tpu.memory_space<hbm>>
        tpu.wait_indirect_dma semaphore(%arg14 : memref<!tpu.dma_semaphore, #tpu.memory_space<semaphore_mem>>) src(%dma_wait3A_51 : memref<10240x128xf32, #tpu.memory_space<hbm>>) dst(%arg11 : memref<128x128xf32, #tpu.memory_space<vmem>>)
        %run_scoped3A = arith.constant 38 : i32
        "tpu.region"() ({
          %run_scoped3A_60 = tpu.sem_alloc : memref<!tpu.dma_semaphore, #tpu.memory_space<semaphore_mem>>
          %dma_start3A_61 = arith.constant 0 : i32
          %dma_start3A_62 = tpu.memref_slice %arg10[%run_scoped3A, %dma_start3A_61] : memref<40x128xi32, #tpu.memory_space<vmem>> -> memref<1x128xi32, #tpu.memory_space<vmem>>
          %dma_start3A_63 = tpu.memref_squeeze %dma_start3A_62 : memref<1x128xi32, #tpu.memory_space<vmem>> -> memref<128xi32, #tpu.memory_space<vmem>>
          %dma_start3A_64 = arith.constant 0 : i32
          %dma_start3A_65 = arith.constant 0 : i32
          %dma_start3A_66 = tpu.memref_slice %arg13[%dma_start3A_64, %dma_start3A_65] : memref<10240x128xf32, #tpu.memory_space<vmem_shared>> -> memref<10240x128xf32, #tpu.memory_space<vmem_shared>>
          tpu.enqueue_indirect_dma source(%arg11 : memref<128x128xf32, #tpu.memory_space<vmem>>) target(%dma_start3A_66 : memref<10240x128xf32, #tpu.memory_space<vmem_shared>>) offsets(%dma_start3A_63 : memref<128xi32, #tpu.memory_space<vmem>>) semaphore(%run_scoped3A_60 : memref<!tpu.dma_semaphore, #tpu.memory_space<semaphore_mem>>) {add = true}
          %dma_wait3A_67 = arith.constant 0 : i32
          %dma_wait3A_68 = tpu.memref_slice %arg10[%run_scoped3A, %dma_wait3A_67] : memref<40x128xi32, #tpu.memory_space<vmem>> -> memref<1x128xi32, #tpu.memory_space<vmem>>
          %dma_wait3A_69 = tpu.memref_squeeze %dma_wait3A_68 : memref<1x128xi32, #tpu.memory_space<vmem>> -> memref<128xi32, #tpu.memory_space<vmem>>
          %dma_wait3A_70 = arith.constant 0 : i32
          %dma_wait3A_71 = arith.constant 0 : i32
          %dma_wait3A_72 = tpu.memref_slice %arg13[%dma_wait3A_70, %dma_wait3A_71] : memref<10240x128xf32, #tpu.memory_space<vmem_shared>> -> memref<10240x128xf32, #tpu.memory_space<vmem_shared>>
          tpu.wait_indirect_dma semaphore(%run_scoped3A_60 : memref<!tpu.dma_semaphore, #tpu.memory_space<semaphore_mem>>) src(%arg11 : memref<128x128xf32, #tpu.memory_space<vmem>>) dst(%dma_wait3A_72 : memref<10240x128xf32, #tpu.memory_space<vmem_shared>>)
          tpu.yield
        }) : () -> ()
        %dma_wait3A_52 = arith.constant 39 : i32
        %dma_wait3A_53 = arith.constant 0 : i32
        %dma_wait3A_54 = tpu.memref_slice %arg9[%dma_wait3A_52, %dma_wait3A_53] : memref<40x128xi32, #tpu.memory_space<vmem>> -> memref<1x128xi32, #tpu.memory_space<vmem>>
        %dma_wait3A_55 = tpu.memref_squeeze %dma_wait3A_54 : memref<1x128xi32, #tpu.memory_space<vmem>> -> memref<128xi32, #tpu.memory_space<vmem>>
        %dma_wait3A_56 = arith.constant 0 : i32
        %dma_wait3A_57 = arith.constant 0 : i32
        %dma_wait3A_58 = tpu.memref_slice %arg3[%dma_wait3A_56, %dma_wait3A_57] : memref<10240x128xf32, #tpu.memory_space<hbm>> -> memref<10240x128xf32, #tpu.memory_space<hbm>>
        tpu.wait_indirect_dma semaphore(%arg15 : memref<!tpu.dma_semaphore, #tpu.memory_space<semaphore_mem>>) src(%dma_wait3A_58 : memref<10240x128xf32, #tpu.memory_space<hbm>>) dst(%arg12 : memref<128x128xf32, #tpu.memory_space<vmem>>)
        %run_scoped3A_59 = arith.constant 39 : i32
        "tpu.region"() ({
          %run_scoped3A_60 = tpu.sem_alloc : memref<!tpu.dma_semaphore, #tpu.memory_space<semaphore_mem>>
          %dma_start3A_61 = arith.constant 0 : i32
          %dma_start3A_62 = tpu.memref_slice %arg10[%run_scoped3A_59, %dma_start3A_61] : memref<40x128xi32, #tpu.memory_space<vmem>> -> memref<1x128xi32, #tpu.memory_space<vmem>>
          %dma_start3A_63 = tpu.memref_squeeze %dma_start3A_62 : memref<1x128xi32, #tpu.memory_space<vmem>> -> memref<128xi32, #tpu.memory_space<vmem>>
          %dma_start3A_64 = arith.constant 0 : i32
          %dma_start3A_65 = arith.constant 0 : i32
          %dma_start3A_66 = tpu.memref_slice %arg13[%dma_start3A_64, %dma_start3A_65] : memref<10240x128xf32, #tpu.memory_space<vmem_shared>> -> memref<10240x128xf32, #tpu.memory_space<vmem_shared>>
          tpu.enqueue_indirect_dma source(%arg12 : memref<128x128xf32, #tpu.memory_space<vmem>>) target(%dma_start3A_66 : memref<10240x128xf32, #tpu.memory_space<vmem_shared>>) offsets(%dma_start3A_63 : memref<128xi32, #tpu.memory_space<vmem>>) semaphore(%run_scoped3A_60 : memref<!tpu.dma_semaphore, #tpu.memory_space<semaphore_mem>>) {add = true}
          %dma_wait3A_67 = arith.constant 0 : i32
          %dma_wait3A_68 = tpu.memref_slice %arg10[%run_scoped3A_59, %dma_wait3A_67] : memref<40x128xi32, #tpu.memory_space<vmem>> -> memref<1x128xi32, #tpu.memory_space<vmem>>
          %dma_wait3A_69 = tpu.memref_squeeze %dma_wait3A_68 : memref<1x128xi32, #tpu.memory_space<vmem>> -> memref<128xi32, #tpu.memory_space<vmem>>
          %dma_wait3A_70 = arith.constant 0 : i32
          %dma_wait3A_71 = arith.constant 0 : i32
          %dma_wait3A_72 = tpu.memref_slice %arg13[%dma_wait3A_70, %dma_wait3A_71] : memref<10240x128xf32, #tpu.memory_space<vmem_shared>> -> memref<10240x128xf32, #tpu.memory_space<vmem_shared>>
          tpu.wait_indirect_dma semaphore(%run_scoped3A_60 : memref<!tpu.dma_semaphore, #tpu.memory_space<semaphore_mem>>) src(%arg12 : memref<128x128xf32, #tpu.memory_space<vmem>>) dst(%dma_wait3A_72 : memref<10240x128xf32, #tpu.memory_space<vmem_shared>>)
          tpu.yield
        }) : () -> ()
      }
      %scan3A_25 = arith.constant 2 : i32
    } else {
    }
    %barrier3A_10 = arith.constant 0 : index
    tpu.barrier barrier_id(%barrier3A_10)
    %eq3A_11 = arith.constant 0 : i32
    %eq3A_12 = arith.cmpi eq, %arg0, %eq3A_11 : i32
    %convert_element_type3A_13 = arith.extui %eq3A_12 : i1 to i32
    %cond3A_14 = arith.constant 0 : i32
    %cond3A_15 = arith.cmpi ne, %convert_element_type3A_13, %cond3A_14 : i32
    scf.if %cond3A_15 {
      %mul3A_21 = arith.constant 640 : i32
      %mul3A_22 = arith.muli %arg1, %mul3A_21 : i32
      %mul3A_23 = arith.constant 640 : i32
      %mul3A_24 = arith.muli %arg1, %mul3A_23 : i32
      "tpu.region"() ({
        %run_scoped3A = tpu.sem_alloc : memref<!tpu.dma_semaphore, #tpu.memory_space<semaphore_mem>>
        %dma_start3A = arith.constant 0 : i32
        %dma_start3A_25 = tpu.memref_slice %arg7[%mul3A_24, %dma_start3A] : memref<10240x128xf32, #tpu.memory_space<hbm>> -> memref<640x128xf32, #tpu.memory_space<hbm>>
        %dma_start3A_26 = arith.constant 0 : i32
        %dma_start3A_27 = tpu.memref_slice %arg13[%mul3A_22, %dma_start3A_26] : memref<10240x128xf32, #tpu.memory_space<vmem_shared>> -> memref<640x128xf32, #tpu.memory_space<vmem_shared>>
        tpu.enqueue_dma source(%dma_start3A_27 : memref<640x128xf32, #tpu.memory_space<vmem_shared>>) target(%dma_start3A_25 : memref<640x128xf32, #tpu.memory_space<hbm>>) target_semaphore(%run_scoped3A : memref<!tpu.dma_semaphore, #tpu.memory_space<semaphore_mem>>)
        %dma_wait3A = arith.constant 0 : i32
        %dma_wait3A_28 = tpu.memref_slice %arg7[%mul3A_24, %dma_wait3A] : memref<10240x128xf32, #tpu.memory_space<hbm>> -> memref<640x128xf32, #tpu.memory_space<hbm>>
        %dma_wait3A_29 = arith.constant 0 : i32
        %dma_wait3A_30 = tpu.memref_slice %arg13[%mul3A_22, %dma_wait3A_29] : memref<10240x128xf32, #tpu.memory_space<vmem_shared>> -> memref<640x128xf32, #tpu.memory_space<vmem_shared>>
        tpu.wait_dma2 semaphore(%run_scoped3A : memref<!tpu.dma_semaphore, #tpu.memory_space<semaphore_mem>>) src(%dma_wait3A_30 : memref<640x128xf32, #tpu.memory_space<vmem_shared>>) dst(%dma_wait3A_28 : memref<640x128xf32, #tpu.memory_space<hbm>>)
        tpu.yield
      }) : () -> ()
    } else {
    }
    %eq3A_16 = arith.constant 1 : i32
    %eq3A_17 = arith.cmpi eq, %arg0, %eq3A_16 : i32
    %convert_element_type3A_18 = arith.extui %eq3A_17 : i1 to i32
    %cond3A_19 = arith.constant 0 : i32
    %cond3A_20 = arith.cmpi ne, %convert_element_type3A_18, %cond3A_19 : i32
    scf.if %cond3A_20 {
      %mul3A_21 = arith.constant 640 : i32
      %mul3A_22 = arith.muli %arg1, %mul3A_21 : i32
      %mul3A_23 = arith.constant 640 : i32
      %mul3A_24 = arith.muli %arg1, %mul3A_23 : i32
      "tpu.region"() ({
        %run_scoped3A = tpu.sem_alloc : memref<!tpu.dma_semaphore, #tpu.memory_space<semaphore_mem>>
        %dma_start3A = arith.constant 0 : i32
        %dma_start3A_25 = tpu.memref_slice %arg8[%mul3A_24, %dma_start3A] : memref<10240x128xf32, #tpu.memory_space<hbm>> -> memref<640x128xf32, #tpu.memory_space<hbm>>
        %dma_start3A_26 = arith.constant 0 : i32
        %dma_start3A_27 = tpu.memref_slice %arg13[%mul3A_22, %dma_start3A_26] : memref<10240x128xf32, #tpu.memory_space<vmem_shared>> -> memref<640x128xf32, #tpu.memory_space<vmem_shared>>
        tpu.enqueue_dma source(%dma_start3A_27 : memref<640x128xf32, #tpu.memory_space<vmem_shared>>) target(%dma_start3A_25 : memref<640x128xf32, #tpu.memory_space<hbm>>) target_semaphore(%run_scoped3A : memref<!tpu.dma_semaphore, #tpu.memory_space<semaphore_mem>>)
        %dma_wait3A = arith.constant 0 : i32
        %dma_wait3A_28 = tpu.memref_slice %arg8[%mul3A_24, %dma_wait3A] : memref<10240x128xf32, #tpu.memory_space<hbm>> -> memref<640x128xf32, #tpu.memory_space<hbm>>
        %dma_wait3A_29 = arith.constant 0 : i32
        %dma_wait3A_30 = tpu.memref_slice %arg13[%mul3A_22, %dma_wait3A_29] : memref<10240x128xf32, #tpu.memory_space<vmem_shared>> -> memref<640x128xf32, #tpu.memory_space<vmem_shared>>
        tpu.wait_dma2 semaphore(%run_scoped3A : memref<!tpu.dma_semaphore, #tpu.memory_space<semaphore_mem>>) src(%dma_wait3A_30 : memref<640x128xf32, #tpu.memory_space<vmem_shared>>) dst(%dma_wait3A_28 : memref<640x128xf32, #tpu.memory_space<hbm>>)
        tpu.yield
      }) : () -> ()
    } else {
    }
    return
  }
}

#map = affine_map<(d0, d1) -> (0, 0)>
#map1 = affine_map<(d0, d1) -> (0, 0, 0, 0)>
module attributes {stable_mosaic.version = 14 : i64} {
  func.func @_spmm_kernel(%arg0: i32, %arg1: i32, %arg2: memref<10240x128xf32, #tpu.memory_space<hbm>>, %arg3: memref<10240x128xf32, #tpu.memory_space<hbm>>, %arg4: memref<16x2x40x128xi32, #tpu.memory_space<hbm>>, %arg5: memref<16x2x40x128xi32, #tpu.memory_space<hbm>>, %arg6: memref<10240x128xf32, #tpu.memory_space<hbm>>, %arg7: memref<10240x128xf32, #tpu.memory_space<hbm>>, %arg8: memref<10240x128xf32, #tpu.memory_space<hbm>>, %arg9: memref<40x128xi32, #tpu.memory_space<vmem>>, %arg10: memref<40x128xi32, #tpu.memory_space<vmem>>, %arg11: memref<128x128xf32, #tpu.memory_space<vmem>>, %arg12: memref<128x128xf32, #tpu.memory_space<vmem>>, %arg13: memref<10240x128xf32, #tpu.memory_space<vmem_shared>>, %arg14: memref<!tpu.dma_semaphore, #tpu.memory_space<semaphore_mem>>, %arg15: memref<!tpu.dma_semaphore, #tpu.memory_space<semaphore_mem>>) attributes {dimension_semantics = [#tpu.dimension_semantics<core_parallel>, #tpu.dimension_semantics<subcore_parallel>], iteration_bounds = array<i64: 2, 16>, scalar_prefetch = 0 : i64, scratch_operands = 7 : i64, tpu.core_type = #tpu.core_type<sc_vector_subcore>, window_params = [{transform_indices = #map}, {transform_indices = #map}, {transform_indices = #map1}, {transform_indices = #map1}, {transform_indices = #map}, {transform_indices = #map}, {transform_indices = #map}]} {
    %mul3A = arith.constant 640 : i32
    %mul3A_0 = arith.muli %arg1, %mul3A : i32
    %mul3A_1 = arith.constant 640 : i32
    %mul3A_2 = arith.muli %arg1, %mul3A_1 : i32
    "tpu.region"() ({
      %run_scoped3A = tpu.sem_alloc : memref<!tpu.dma_semaphore, #tpu.memory_space<semaphore_mem>>
      %dma_start3A = arith.constant 0 : i32
      %dma_start3A_21 = tpu.memref_slice %arg13[%mul3A_2, %dma_start3A] : memref<10240x128xf32, #tpu.memory_space<vmem_shared>> -> memref<640x128xf32, #tpu.memory_space<vmem_shared>>
      %dma_start3A_22 = arith.constant 0 : i32
      %dma_start3A_23 = tpu.memref_slice %arg6[%mul3A_0, %dma_start3A_22] : memref<10240x128xf32, #tpu.memory_space<hbm>> -> memref<640x128xf32, #tpu.memory_space<hbm>>
      tpu.enqueue_dma source(%dma_start3A_23 : memref<640x128xf32, #tpu.memory_space<hbm>>) target(%dma_start3A_21 : memref<640x128xf32, #tpu.memory_space<vmem_shared>>) target_semaphore(%run_scoped3A : memref<!tpu.dma_semaphore, #tpu.memory_space<semaphore_mem>>)
      %dma_wait3A = arith.constant 0 : i32
      %dma_wait3A_24 = tpu.memref_slice %arg13[%mul3A_2, %dma_wait3A] : memref<10240x128xf32, #tpu.memory_space<vmem_shared>> -> memref<640x128xf32, #tpu.memory_space<vmem_shared>>
      %dma_wait3A_25 = arith.constant 0 : i32
      %dma_wait3A_26 = tpu.memref_slice %arg6[%mul3A_0, %dma_wait3A_25] : memref<10240x128xf32, #tpu.memory_space<hbm>> -> memref<640x128xf32, #tpu.memory_space<hbm>>
      tpu.wait_dma2 semaphore(%run_scoped3A : memref<!tpu.dma_semaphore, #tpu.memory_space<semaphore_mem>>) src(%dma_wait3A_26 : memref<640x128xf32, #tpu.memory_space<hbm>>) dst(%dma_wait3A_24 : memref<640x128xf32, #tpu.memory_space<vmem_shared>>)
      tpu.yield
    }) : () -> ()
    %barrier3A = arith.constant 0 : index
    tpu.barrier barrier_id(%barrier3A)
    %eq3A = arith.constant 0 : i32
    %eq3A_3 = arith.cmpi eq, %arg0, %eq3A : i32
    %convert_element_type3A = arith.extui %eq3A_3 : i1 to i32
    %cond3A = arith.constant 0 : i32
    %cond3A_4 = arith.cmpi ne, %convert_element_type3A, %cond3A : i32
    scf.if %cond3A_4 {
      %scan3A = arith.constant 0 : i32
      %scan3A_21 = arith.constant 0 : i32
      %scan3A_22 = arith.constant 2 : i32
      %scan3A_23 = arith.addi %scan3A_21, %scan3A_22 : i32
      %scan3A_24 = arith.constant 1 : i32
      scf.for %scan3A_26 = %scan3A_21 to %scan3A_23 step %scan3A_24  : i32 {
        "tpu.region"() ({
          %run_scoped3A_60 = tpu.sem_alloc : memref<!tpu.dma_semaphore, #tpu.memory_space<semaphore_mem>>
          %dma_start3A_61 = arith.constant 0 : i32
          %dma_start3A_62 = arith.constant 0 : i32
          %dma_start3A_63 = tpu.memref_slice %arg4[%arg1, %scan3A_26, %dma_start3A_61, %dma_start3A_62] : memref<16x2x40x128xi32, #tpu.memory_space<hbm>> -> memref<1x1x40x128xi32, #tpu.memory_space<hbm>>
          %dma_start3A_64 = tpu.memref_squeeze %dma_start3A_63 : memref<1x1x40x128xi32, #tpu.memory_space<hbm>> -> memref<40x128xi32, #tpu.memory_space<hbm>>
          %dma_start3A_65 = arith.constant 0 : i32
          %dma_start3A_66 = arith.constant 0 : i32
          %dma_start3A_67 = tpu.memref_slice %arg4[%arg1, %scan3A_26, %dma_start3A_65, %dma_start3A_66] : memref<16x2x40x128xi32, #tpu.memory_space<hbm>> -> memref<1x1x40x128xi32, #tpu.memory_space<hbm>>
          %dma_start3A_68 = tpu.memref_squeeze %dma_start3A_67 : memref<1x1x40x128xi32, #tpu.memory_space<hbm>> -> memref<40x128xi32, #tpu.memory_space<hbm>>
          tpu.enqueue_dma source(%dma_start3A_68 : memref<40x128xi32, #tpu.memory_space<hbm>>) target(%arg9 : memref<40x128xi32, #tpu.memory_space<vmem>>) target_semaphore(%run_scoped3A_60 : memref<!tpu.dma_semaphore, #tpu.memory_space<semaphore_mem>>)
          %dma_wait3A_69 = arith.constant 0 : i32
          %dma_wait3A_70 = arith.constant 0 : i32
          %dma_wait3A_71 = tpu.memref_slice %arg4[%arg1, %scan3A_26, %dma_wait3A_69, %dma_wait3A_70] : memref<16x2x40x128xi32, #tpu.memory_space<hbm>> -> memref<1x1x40x128xi32, #tpu.memory_space<hbm>>
          %dma_wait3A_72 = tpu.memref_squeeze %dma_wait3A_71 : memref<1x1x40x128xi32, #tpu.memory_space<hbm>> -> memref<40x128xi32, #tpu.memory_space<hbm>>
          %dma_wait3A_73 = arith.constant 0 : i32
          %dma_wait3A_74 = arith.constant 0 : i32
          %dma_wait3A_75 = tpu.memref_slice %arg4[%arg1, %scan3A_26, %dma_wait3A_73, %dma_wait3A_74] : memref<16x2x40x128xi32, #tpu.memory_space<hbm>> -> memref<1x1x40x128xi32, #tpu.memory_space<hbm>>
          %dma_wait3A_76 = tpu.memref_squeeze %dma_wait3A_75 : memref<1x1x40x128xi32, #tpu.memory_space<hbm>> -> memref<40x128xi32, #tpu.memory_space<hbm>>
          tpu.wait_dma2 semaphore(%run_scoped3A_60 : memref<!tpu.dma_semaphore, #tpu.memory_space<semaphore_mem>>) src(%dma_wait3A_76 : memref<40x128xi32, #tpu.memory_space<hbm>>) dst(%arg9 : memref<40x128xi32, #tpu.memory_space<vmem>>)
          tpu.yield
        }) : () -> ()
        "tpu.region"() ({
          %run_scoped3A_60 = tpu.sem_alloc : memref<!tpu.dma_semaphore, #tpu.memory_space<semaphore_mem>>
          %dma_start3A_61 = arith.constant 0 : i32
          %dma_start3A_62 = arith.constant 0 : i32
          %dma_start3A_63 = tpu.memref_slice %arg5[%arg1, %scan3A_26, %dma_start3A_61, %dma_start3A_62] : memref<16x2x40x128xi32, #tpu.memory_space<hbm>> -> memref<1x1x40x128xi32, #tpu.memory_space<hbm>>
          %dma_start3A_64 = tpu.memref_squeeze %dma_start3A_63 : memref<1x1x40x128xi32, #tpu.memory_space<hbm>> -> memref<40x128xi32, #tpu.memory_space<hbm>>
          %dma_start3A_65 = arith.constant 0 : i32
          %dma_start3A_66 = arith.constant 0 : i32
          %dma_start3A_67 = tpu.memref_slice %arg5[%arg1, %scan3A_26, %dma_start3A_65, %dma_start3A_66] : memref<16x2x40x128xi32, #tpu.memory_space<hbm>> -> memref<1x1x40x128xi32, #tpu.memory_space<hbm>>
          %dma_start3A_68 = tpu.memref_squeeze %dma_start3A_67 : memref<1x1x40x128xi32, #tpu.memory_space<hbm>> -> memref<40x128xi32, #tpu.memory_space<hbm>>
          tpu.enqueue_dma source(%dma_start3A_68 : memref<40x128xi32, #tpu.memory_space<hbm>>) target(%arg10 : memref<40x128xi32, #tpu.memory_space<vmem>>) target_semaphore(%run_scoped3A_60 : memref<!tpu.dma_semaphore, #tpu.memory_space<semaphore_mem>>)
          %dma_wait3A_69 = arith.constant 0 : i32
          %dma_wait3A_70 = arith.constant 0 : i32
          %dma_wait3A_71 = tpu.memref_slice %arg5[%arg1, %scan3A_26, %dma_wait3A_69, %dma_wait3A_70] : memref<16x2x40x128xi32, #tpu.memory_space<hbm>> -> memref<1x1x40x128xi32, #tpu.memory_space<hbm>>
          %dma_wait3A_72 = tpu.memref_squeeze %dma_wait3A_71 : memref<1x1x40x128xi32, #tpu.memory_space<hbm>> -> memref<40x128xi32, #tpu.memory_space<hbm>>
          %dma_wait3A_73 = arith.constant 0 : i32
          %dma_wait3A_74 = arith.constant 0 : i32
          %dma_wait3A_75 = tpu.memref_slice %arg5[%arg1, %scan3A_26, %dma_wait3A_73, %dma_wait3A_74] : memref<16x2x40x128xi32, #tpu.memory_space<hbm>> -> memref<1x1x40x128xi32, #tpu.memory_space<hbm>>
          %dma_wait3A_76 = tpu.memref_squeeze %dma_wait3A_75 : memref<1x1x40x128xi32, #tpu.memory_space<hbm>> -> memref<40x128xi32, #tpu.memory_space<hbm>>
          tpu.wait_dma2 semaphore(%run_scoped3A_60 : memref<!tpu.dma_semaphore, #tpu.memory_space<semaphore_mem>>) src(%dma_wait3A_76 : memref<40x128xi32, #tpu.memory_space<hbm>>) dst(%arg10 : memref<40x128xi32, #tpu.memory_space<vmem>>)
          tpu.yield
        }) : () -> ()
        %dma_start3A = arith.constant 0 : i32
        %dma_start3A_27 = arith.constant 0 : i32
        %dma_start3A_28 = tpu.memref_slice %arg9[%dma_start3A, %dma_start3A_27] : memref<40x128xi32, #tpu.memory_space<vmem>> -> memref<1x128xi32, #tpu.memory_space<vmem>>
        %dma_start3A_29 = tpu.memref_squeeze %dma_start3A_28 : memref<1x128xi32, #tpu.memory_space<vmem>> -> memref<128xi32, #tpu.memory_space<vmem>>
        %dma_start3A_30 = arith.constant 0 : i32
        %dma_start3A_31 = arith.constant 0 : i32
        %dma_start3A_32 = tpu.memref_slice %arg2[%dma_start3A_30, %dma_start3A_31] : memref<10240x128xf32, #tpu.memory_space<hbm>> -> memref<10240x128xf32, #tpu.memory_space<hbm>>
        tpu.enqueue_indirect_dma source(%dma_start3A_32 : memref<10240x128xf32, #tpu.memory_space<hbm>>) target(%arg11 : memref<128x128xf32, #tpu.memory_space<vmem>>) offsets(%dma_start3A_29 : memref<128xi32, #tpu.memory_space<vmem>>) semaphore(%arg14 : memref<!tpu.dma_semaphore, #tpu.memory_space<semaphore_mem>>)
        %dma_start3A_33 = arith.constant 1 : i32
        %dma_start3A_34 = arith.constant 0 : i32
        %dma_start3A_35 = tpu.memref_slice %arg9[%dma_start3A_33, %dma_start3A_34] : memref<40x128xi32, #tpu.memory_space<vmem>> -> memref<1x128xi32, #tpu.memory_space<vmem>>
        %dma_start3A_36 = tpu.memref_squeeze %dma_start3A_35 : memref<1x128xi32, #tpu.memory_space<vmem>> -> memref<128xi32, #tpu.memory_space<vmem>>
        %dma_start3A_37 = arith.constant 0 : i32
        %dma_start3A_38 = arith.constant 0 : i32
        %dma_start3A_39 = tpu.memref_slice %arg2[%dma_start3A_37, %dma_start3A_38] : memref<10240x128xf32, #tpu.memory_space<hbm>> -> memref<10240x128xf32, #tpu.memory_space<hbm>>
        tpu.enqueue_indirect_dma source(%dma_start3A_39 : memref<10240x128xf32, #tpu.memory_space<hbm>>) target(%arg12 : memref<128x128xf32, #tpu.memory_space<vmem>>) offsets(%dma_start3A_36 : memref<128xi32, #tpu.memory_space<vmem>>) semaphore(%arg15 : memref<!tpu.dma_semaphore, #tpu.memory_space<semaphore_mem>>)
        %scan3A_40 = arith.constant 0 : i32
        %scan3A_41 = arith.constant 0 : i32
        %scan3A_42 = arith.constant 19 : i32
        %scan3A_43 = arith.addi %scan3A_41, %scan3A_42 : i32
        %scan3A_44 = arith.constant 1 : i32
        scf.for %scan3A_60 = %scan3A_41 to %scan3A_43 step %scan3A_44  : i32 {
          %mul3A_61 = arith.constant 2 : i32
          %mul3A_62 = arith.muli %mul3A_61, %scan3A_60 : i32
          %mul3A_63 = arith.constant 2 : i32
          %mul3A_64 = arith.muli %mul3A_63, %scan3A_60 : i32
          %add3A = arith.constant 1 : i32
          %add3A_65 = arith.addi %mul3A_64, %add3A : i32
          %dma_wait3A_66 = arith.constant 0 : i32
          %dma_wait3A_67 = tpu.memref_slice %arg9[%mul3A_62, %dma_wait3A_66] : memref<40x128xi32, #tpu.memory_space<vmem>> -> memref<1x128xi32, #tpu.memory_space<vmem>>
          %dma_wait3A_68 = tpu.memref_squeeze %dma_wait3A_67 : memref<1x128xi32, #tpu.memory_space<vmem>> -> memref<128xi32, #tpu.memory_space<vmem>>
          %dma_wait3A_69 = arith.constant 0 : i32
          %dma_wait3A_70 = arith.constant 0 : i32
          %dma_wait3A_71 = tpu.memref_slice %arg2[%dma_wait3A_69, %dma_wait3A_70] : memref<10240x128xf32, #tpu.memory_space<hbm>> -> memref<10240x128xf32, #tpu.memory_space<hbm>>
          tpu.wait_indirect_dma semaphore(%arg14 : memref<!tpu.dma_semaphore, #tpu.memory_space<semaphore_mem>>) src(%dma_wait3A_71 : memref<10240x128xf32, #tpu.memory_space<hbm>>) dst(%arg11 : memref<128x128xf32, #tpu.memory_space<vmem>>)
          "tpu.region"() ({
            %run_scoped3A_94 = tpu.sem_alloc : memref<!tpu.dma_semaphore, #tpu.memory_space<semaphore_mem>>
            %dma_start3A_95 = arith.constant 0 : i32
            %dma_start3A_96 = tpu.memref_slice %arg10[%mul3A_62, %dma_start3A_95] : memref<40x128xi32, #tpu.memory_space<vmem>> -> memref<1x128xi32, #tpu.memory_space<vmem>>
            %dma_start3A_97 = tpu.memref_squeeze %dma_start3A_96 : memref<1x128xi32, #tpu.memory_space<vmem>> -> memref<128xi32, #tpu.memory_space<vmem>>
            %dma_start3A_98 = arith.constant 0 : i32
            %dma_start3A_99 = arith.constant 0 : i32
            %dma_start3A_100 = tpu.memref_slice %arg13[%dma_start3A_98, %dma_start3A_99] : memref<10240x128xf32, #tpu.memory_space<vmem_shared>> -> memref<10240x128xf32, #tpu.memory_space<vmem_shared>>
            tpu.enqueue_indirect_dma source(%arg11 : memref<128x128xf32, #tpu.memory_space<vmem>>) target(%dma_start3A_100 : memref<10240x128xf32, #tpu.memory_space<vmem_shared>>) offsets(%dma_start3A_97 : memref<128xi32, #tpu.memory_space<vmem>>) semaphore(%run_scoped3A_94 : memref<!tpu.dma_semaphore, #tpu.memory_space<semaphore_mem>>) {add = true}
            %dma_wait3A_101 = arith.constant 0 : i32
            %dma_wait3A_102 = tpu.memref_slice %arg10[%mul3A_62, %dma_wait3A_101] : memref<40x128xi32, #tpu.memory_space<vmem>> -> memref<1x128xi32, #tpu.memory_space<vmem>>
            %dma_wait3A_103 = tpu.memref_squeeze %dma_wait3A_102 : memref<1x128xi32, #tpu.memory_space<vmem>> -> memref<128xi32, #tpu.memory_space<vmem>>
            %dma_wait3A_104 = arith.constant 0 : i32
            %dma_wait3A_105 = arith.constant 0 : i32
            %dma_wait3A_106 = tpu.memref_slice %arg13[%dma_wait3A_104, %dma_wait3A_105] : memref<10240x128xf32, #tpu.memory_space<vmem_shared>> -> memref<10240x128xf32, #tpu.memory_space<vmem_shared>>
            tpu.wait_indirect_dma semaphore(%run_scoped3A_94 : memref<!tpu.dma_semaphore, #tpu.memory_space<semaphore_mem>>) src(%arg11 : memref<128x128xf32, #tpu.memory_space<vmem>>) dst(%dma_wait3A_106 : memref<10240x128xf32, #tpu.memory_space<vmem_shared>>)
            tpu.yield
          }) : () -> ()
          %add3A_72 = arith.constant 2 : i32
          %add3A_73 = arith.addi %mul3A_62, %add3A_72 : i32
          %dma_start3A_74 = arith.constant 0 : i32
          %dma_start3A_75 = tpu.memref_slice %arg9[%add3A_73, %dma_start3A_74] : memref<40x128xi32, #tpu.memory_space<vmem>> -> memref<1x128xi32, #tpu.memory_space<vmem>>
          %dma_start3A_76 = tpu.memref_squeeze %dma_start3A_75 : memref<1x128xi32, #tpu.memory_space<vmem>> -> memref<128xi32, #tpu.memory_space<vmem>>
          %dma_start3A_77 = arith.constant 0 : i32
          %dma_start3A_78 = arith.constant 0 : i32
          %dma_start3A_79 = tpu.memref_slice %arg2[%dma_start3A_77, %dma_start3A_78] : memref<10240x128xf32, #tpu.memory_space<hbm>> -> memref<10240x128xf32, #tpu.memory_space<hbm>>
          tpu.enqueue_indirect_dma source(%dma_start3A_79 : memref<10240x128xf32, #tpu.memory_space<hbm>>) target(%arg11 : memref<128x128xf32, #tpu.memory_space<vmem>>) offsets(%dma_start3A_76 : memref<128xi32, #tpu.memory_space<vmem>>) semaphore(%arg14 : memref<!tpu.dma_semaphore, #tpu.memory_space<semaphore_mem>>)
          %dma_wait3A_80 = arith.constant 0 : i32
          %dma_wait3A_81 = tpu.memref_slice %arg9[%add3A_65, %dma_wait3A_80] : memref<40x128xi32, #tpu.memory_space<vmem>> -> memref<1x128xi32, #tpu.memory_space<vmem>>
          %dma_wait3A_82 = tpu.memref_squeeze %dma_wait3A_81 : memref<1x128xi32, #tpu.memory_space<vmem>> -> memref<128xi32, #tpu.memory_space<vmem>>
          %dma_wait3A_83 = arith.constant 0 : i32
          %dma_wait3A_84 = arith.constant 0 : i32
          %dma_wait3A_85 = tpu.memref_slice %arg2[%dma_wait3A_83, %dma_wait3A_84] : memref<10240x128xf32, #tpu.memory_space<hbm>> -> memref<10240x128xf32, #tpu.memory_space<hbm>>
          tpu.wait_indirect_dma semaphore(%arg15 : memref<!tpu.dma_semaphore, #tpu.memory_space<semaphore_mem>>) src(%dma_wait3A_85 : memref<10240x128xf32, #tpu.memory_space<hbm>>) dst(%arg12 : memref<128x128xf32, #tpu.memory_space<vmem>>)
          "tpu.region"() ({
            %run_scoped3A_94 = tpu.sem_alloc : memref<!tpu.dma_semaphore, #tpu.memory_space<semaphore_mem>>
            %dma_start3A_95 = arith.constant 0 : i32
            %dma_start3A_96 = tpu.memref_slice %arg10[%add3A_65, %dma_start3A_95] : memref<40x128xi32, #tpu.memory_space<vmem>> -> memref<1x128xi32, #tpu.memory_space<vmem>>
            %dma_start3A_97 = tpu.memref_squeeze %dma_start3A_96 : memref<1x128xi32, #tpu.memory_space<vmem>> -> memref<128xi32, #tpu.memory_space<vmem>>
            %dma_start3A_98 = arith.constant 0 : i32
            %dma_start3A_99 = arith.constant 0 : i32
            %dma_start3A_100 = tpu.memref_slice %arg13[%dma_start3A_98, %dma_start3A_99] : memref<10240x128xf32, #tpu.memory_space<vmem_shared>> -> memref<10240x128xf32, #tpu.memory_space<vmem_shared>>
            tpu.enqueue_indirect_dma source(%arg12 : memref<128x128xf32, #tpu.memory_space<vmem>>) target(%dma_start3A_100 : memref<10240x128xf32, #tpu.memory_space<vmem_shared>>) offsets(%dma_start3A_97 : memref<128xi32, #tpu.memory_space<vmem>>) semaphore(%run_scoped3A_94 : memref<!tpu.dma_semaphore, #tpu.memory_space<semaphore_mem>>) {add = true}
            %dma_wait3A_101 = arith.constant 0 : i32
            %dma_wait3A_102 = tpu.memref_slice %arg10[%add3A_65, %dma_wait3A_101] : memref<40x128xi32, #tpu.memory_space<vmem>> -> memref<1x128xi32, #tpu.memory_space<vmem>>
            %dma_wait3A_103 = tpu.memref_squeeze %dma_wait3A_102 : memref<1x128xi32, #tpu.memory_space<vmem>> -> memref<128xi32, #tpu.memory_space<vmem>>
            %dma_wait3A_104 = arith.constant 0 : i32
            %dma_wait3A_105 = arith.constant 0 : i32
            %dma_wait3A_106 = tpu.memref_slice %arg13[%dma_wait3A_104, %dma_wait3A_105] : memref<10240x128xf32, #tpu.memory_space<vmem_shared>> -> memref<10240x128xf32, #tpu.memory_space<vmem_shared>>
            tpu.wait_indirect_dma semaphore(%run_scoped3A_94 : memref<!tpu.dma_semaphore, #tpu.memory_space<semaphore_mem>>) src(%arg12 : memref<128x128xf32, #tpu.memory_space<vmem>>) dst(%dma_wait3A_106 : memref<10240x128xf32, #tpu.memory_space<vmem_shared>>)
            tpu.yield
          }) : () -> ()
          %add3A_86 = arith.constant 2 : i32
          %add3A_87 = arith.addi %add3A_65, %add3A_86 : i32
          %dma_start3A_88 = arith.constant 0 : i32
          %dma_start3A_89 = tpu.memref_slice %arg9[%add3A_87, %dma_start3A_88] : memref<40x128xi32, #tpu.memory_space<vmem>> -> memref<1x128xi32, #tpu.memory_space<vmem>>
          %dma_start3A_90 = tpu.memref_squeeze %dma_start3A_89 : memref<1x128xi32, #tpu.memory_space<vmem>> -> memref<128xi32, #tpu.memory_space<vmem>>
          %dma_start3A_91 = arith.constant 0 : i32
          %dma_start3A_92 = arith.constant 0 : i32
          %dma_start3A_93 = tpu.memref_slice %arg2[%dma_start3A_91, %dma_start3A_92] : memref<10240x128xf32, #tpu.memory_space<hbm>> -> memref<10240x128xf32, #tpu.memory_space<hbm>>
          tpu.enqueue_indirect_dma source(%dma_start3A_93 : memref<10240x128xf32, #tpu.memory_space<hbm>>) target(%arg12 : memref<128x128xf32, #tpu.memory_space<vmem>>) offsets(%dma_start3A_90 : memref<128xi32, #tpu.memory_space<vmem>>) semaphore(%arg15 : memref<!tpu.dma_semaphore, #tpu.memory_space<semaphore_mem>>)
        }
        %scan3A_45 = arith.constant 19 : i32
        %dma_wait3A = arith.constant 38 : i32
        %dma_wait3A_46 = arith.constant 0 : i32
        %dma_wait3A_47 = tpu.memref_slice %arg9[%dma_wait3A, %dma_wait3A_46] : memref<40x128xi32, #tpu.memory_space<vmem>> -> memref<1x128xi32, #tpu.memory_space<vmem>>
        %dma_wait3A_48 = tpu.memref_squeeze %dma_wait3A_47 : memref<1x128xi32, #tpu.memory_space<vmem>> -> memref<128xi32, #tpu.memory_space<vmem>>
        %dma_wait3A_49 = arith.constant 0 : i32
        %dma_wait3A_50 = arith.constant 0 : i32
        %dma_wait3A_51 = tpu.memref_slice %arg2[%dma_wait3A_49, %dma_wait3A_50] : memref<10240x128xf32, #tpu.memory_space<hbm>> -> memref<10240x128xf32, #tpu.memory_space<hbm>>
        tpu.wait_indirect_dma semaphore(%arg14 : memref<!tpu.dma_semaphore, #tpu.memory_space<semaphore_mem>>) src(%dma_wait3A_51 : memref<10240x128xf32, #tpu.memory_space<hbm>>) dst(%arg11 : memref<128x128xf32, #tpu.memory_space<vmem>>)
        %run_scoped3A = arith.constant 38 : i32
        "tpu.region"() ({
          %run_scoped3A_60 = tpu.sem_alloc : memref<!tpu.dma_semaphore, #tpu.memory_space<semaphore_mem>>
          %dma_start3A_61 = arith.constant 0 : i32
          %dma_start3A_62 = tpu.memref_slice %arg10[%run_scoped3A, %dma_start3A_61] : memref<40x128xi32, #tpu.memory_space<vmem>> -> memref<1x128xi32, #tpu.memory_space<vmem>>
          %dma_start3A_63 = tpu.memref_squeeze %dma_start3A_62 : memref<1x128xi32, #tpu.memory_space<vmem>> -> memref<128xi32, #tpu.memory_space<vmem>>
          %dma_start3A_64 = arith.constant 0 : i32
          %dma_start3A_65 = arith.constant 0 : i32
          %dma_start3A_66 = tpu.memref_slice %arg13[%dma_start3A_64, %dma_start3A_65] : memref<10240x128xf32, #tpu.memory_space<vmem_shared>> -> memref<10240x128xf32, #tpu.memory_space<vmem_shared>>
          tpu.enqueue_indirect_dma source(%arg11 : memref<128x128xf32, #tpu.memory_space<vmem>>) target(%dma_start3A_66 : memref<10240x128xf32, #tpu.memory_space<vmem_shared>>) offsets(%dma_start3A_63 : memref<128xi32, #tpu.memory_space<vmem>>) semaphore(%run_scoped3A_60 : memref<!tpu.dma_semaphore, #tpu.memory_space<semaphore_mem>>) {add = true}
          %dma_wait3A_67 = arith.constant 0 : i32
          %dma_wait3A_68 = tpu.memref_slice %arg10[%run_scoped3A, %dma_wait3A_67] : memref<40x128xi32, #tpu.memory_space<vmem>> -> memref<1x128xi32, #tpu.memory_space<vmem>>
          %dma_wait3A_69 = tpu.memref_squeeze %dma_wait3A_68 : memref<1x128xi32, #tpu.memory_space<vmem>> -> memref<128xi32, #tpu.memory_space<vmem>>
          %dma_wait3A_70 = arith.constant 0 : i32
          %dma_wait3A_71 = arith.constant 0 : i32
          %dma_wait3A_72 = tpu.memref_slice %arg13[%dma_wait3A_70, %dma_wait3A_71] : memref<10240x128xf32, #tpu.memory_space<vmem_shared>> -> memref<10240x128xf32, #tpu.memory_space<vmem_shared>>
          tpu.wait_indirect_dma semaphore(%run_scoped3A_60 : memref<!tpu.dma_semaphore, #tpu.memory_space<semaphore_mem>>) src(%arg11 : memref<128x128xf32, #tpu.memory_space<vmem>>) dst(%dma_wait3A_72 : memref<10240x128xf32, #tpu.memory_space<vmem_shared>>)
          tpu.yield
        }) : () -> ()
        %dma_wait3A_52 = arith.constant 39 : i32
        %dma_wait3A_53 = arith.constant 0 : i32
        %dma_wait3A_54 = tpu.memref_slice %arg9[%dma_wait3A_52, %dma_wait3A_53] : memref<40x128xi32, #tpu.memory_space<vmem>> -> memref<1x128xi32, #tpu.memory_space<vmem>>
        %dma_wait3A_55 = tpu.memref_squeeze %dma_wait3A_54 : memref<1x128xi32, #tpu.memory_space<vmem>> -> memref<128xi32, #tpu.memory_space<vmem>>
        %dma_wait3A_56 = arith.constant 0 : i32
        %dma_wait3A_57 = arith.constant 0 : i32
        %dma_wait3A_58 = tpu.memref_slice %arg2[%dma_wait3A_56, %dma_wait3A_57] : memref<10240x128xf32, #tpu.memory_space<hbm>> -> memref<10240x128xf32, #tpu.memory_space<hbm>>
        tpu.wait_indirect_dma semaphore(%arg15 : memref<!tpu.dma_semaphore, #tpu.memory_space<semaphore_mem>>) src(%dma_wait3A_58 : memref<10240x128xf32, #tpu.memory_space<hbm>>) dst(%arg12 : memref<128x128xf32, #tpu.memory_space<vmem>>)
        %run_scoped3A_59 = arith.constant 39 : i32
        "tpu.region"() ({
          %run_scoped3A_60 = tpu.sem_alloc : memref<!tpu.dma_semaphore, #tpu.memory_space<semaphore_mem>>
          %dma_start3A_61 = arith.constant 0 : i32
          %dma_start3A_62 = tpu.memref_slice %arg10[%run_scoped3A_59, %dma_start3A_61] : memref<40x128xi32, #tpu.memory_space<vmem>> -> memref<1x128xi32, #tpu.memory_space<vmem>>
          %dma_start3A_63 = tpu.memref_squeeze %dma_start3A_62 : memref<1x128xi32, #tpu.memory_space<vmem>> -> memref<128xi32, #tpu.memory_space<vmem>>
          %dma_start3A_64 = arith.constant 0 : i32
          %dma_start3A_65 = arith.constant 0 : i32
          %dma_start3A_66 = tpu.memref_slice %arg13[%dma_start3A_64, %dma_start3A_65] : memref<10240x128xf32, #tpu.memory_space<vmem_shared>> -> memref<10240x128xf32, #tpu.memory_space<vmem_shared>>
          tpu.enqueue_indirect_dma source(%arg12 : memref<128x128xf32, #tpu.memory_space<vmem>>) target(%dma_start3A_66 : memref<10240x128xf32, #tpu.memory_space<vmem_shared>>) offsets(%dma_start3A_63 : memref<128xi32, #tpu.memory_space<vmem>>) semaphore(%run_scoped3A_60 : memref<!tpu.dma_semaphore, #tpu.memory_space<semaphore_mem>>) {add = true}
          %dma_wait3A_67 = arith.constant 0 : i32
          %dma_wait3A_68 = tpu.memref_slice %arg10[%run_scoped3A_59, %dma_wait3A_67] : memref<40x128xi32, #tpu.memory_space<vmem>> -> memref<1x128xi32, #tpu.memory_space<vmem>>
          %dma_wait3A_69 = tpu.memref_squeeze %dma_wait3A_68 : memref<1x128xi32, #tpu.memory_space<vmem>> -> memref<128xi32, #tpu.memory_space<vmem>>
          %dma_wait3A_70 = arith.constant 0 : i32
          %dma_wait3A_71 = arith.constant 0 : i32
          %dma_wait3A_72 = tpu.memref_slice %arg13[%dma_wait3A_70, %dma_wait3A_71] : memref<10240x128xf32, #tpu.memory_space<vmem_shared>> -> memref<10240x128xf32, #tpu.memory_space<vmem_shared>>
          tpu.wait_indirect_dma semaphore(%run_scoped3A_60 : memref<!tpu.dma_semaphore, #tpu.memory_space<semaphore_mem>>) src(%arg12 : memref<128x128xf32, #tpu.memory_space<vmem>>) dst(%dma_wait3A_72 : memref<10240x128xf32, #tpu.memory_space<vmem_shared>>)
          tpu.yield
        }) : () -> ()
      }
      %scan3A_25 = arith.constant 2 : i32
    } else {
    }
    %eq3A_5 = arith.constant 1 : i32
    %eq3A_6 = arith.cmpi eq, %arg0, %eq3A_5 : i32
    %convert_element_type3A_7 = arith.extui %eq3A_6 : i1 to i32
    %cond3A_8 = arith.constant 0 : i32
    %cond3A_9 = arith.cmpi ne, %convert_element_type3A_7, %cond3A_8 : i32
    scf.if %cond3A_9 {
      %scan3A = arith.constant 0 : i32
      %scan3A_21 = arith.constant 0 : i32
      %scan3A_22 = arith.constant 2 : i32
      %scan3A_23 = arith.addi %scan3A_21, %scan3A_22 : i32
      %scan3A_24 = arith.constant 1 : i32
      scf.for %scan3A_26 = %scan3A_21 to %scan3A_23 step %scan3A_24  : i32 {
        "tpu.region"() ({
          %run_scoped3A_60 = tpu.sem_alloc : memref<!tpu.dma_semaphore, #tpu.memory_space<semaphore_mem>>
          %dma_start3A_61 = arith.constant 0 : i32
          %dma_start3A_62 = arith.constant 0 : i32
          %dma_start3A_63 = tpu.memref_slice %arg4[%arg1, %scan3A_26, %dma_start3A_61, %dma_start3A_62] : memref<16x2x40x128xi32, #tpu.memory_space<hbm>> -> memref<1x1x40x128xi32, #tpu.memory_space<hbm>>
          %dma_start3A_64 = tpu.memref_squeeze %dma_start3A_63 : memref<1x1x40x128xi32, #tpu.memory_space<hbm>> -> memref<40x128xi32, #tpu.memory_space<hbm>>
          %dma_start3A_65 = arith.constant 0 : i32
          %dma_start3A_66 = arith.constant 0 : i32
          %dma_start3A_67 = tpu.memref_slice %arg4[%arg1, %scan3A_26, %dma_start3A_65, %dma_start3A_66] : memref<16x2x40x128xi32, #tpu.memory_space<hbm>> -> memref<1x1x40x128xi32, #tpu.memory_space<hbm>>
          %dma_start3A_68 = tpu.memref_squeeze %dma_start3A_67 : memref<1x1x40x128xi32, #tpu.memory_space<hbm>> -> memref<40x128xi32, #tpu.memory_space<hbm>>
          tpu.enqueue_dma source(%dma_start3A_68 : memref<40x128xi32, #tpu.memory_space<hbm>>) target(%arg9 : memref<40x128xi32, #tpu.memory_space<vmem>>) target_semaphore(%run_scoped3A_60 : memref<!tpu.dma_semaphore, #tpu.memory_space<semaphore_mem>>)
          %dma_wait3A_69 = arith.constant 0 : i32
          %dma_wait3A_70 = arith.constant 0 : i32
          %dma_wait3A_71 = tpu.memref_slice %arg4[%arg1, %scan3A_26, %dma_wait3A_69, %dma_wait3A_70] : memref<16x2x40x128xi32, #tpu.memory_space<hbm>> -> memref<1x1x40x128xi32, #tpu.memory_space<hbm>>
          %dma_wait3A_72 = tpu.memref_squeeze %dma_wait3A_71 : memref<1x1x40x128xi32, #tpu.memory_space<hbm>> -> memref<40x128xi32, #tpu.memory_space<hbm>>
          %dma_wait3A_73 = arith.constant 0 : i32
          %dma_wait3A_74 = arith.constant 0 : i32
          %dma_wait3A_75 = tpu.memref_slice %arg4[%arg1, %scan3A_26, %dma_wait3A_73, %dma_wait3A_74] : memref<16x2x40x128xi32, #tpu.memory_space<hbm>> -> memref<1x1x40x128xi32, #tpu.memory_space<hbm>>
          %dma_wait3A_76 = tpu.memref_squeeze %dma_wait3A_75 : memref<1x1x40x128xi32, #tpu.memory_space<hbm>> -> memref<40x128xi32, #tpu.memory_space<hbm>>
          tpu.wait_dma2 semaphore(%run_scoped3A_60 : memref<!tpu.dma_semaphore, #tpu.memory_space<semaphore_mem>>) src(%dma_wait3A_76 : memref<40x128xi32, #tpu.memory_space<hbm>>) dst(%arg9 : memref<40x128xi32, #tpu.memory_space<vmem>>)
          tpu.yield
        }) : () -> ()
        "tpu.region"() ({
          %run_scoped3A_60 = tpu.sem_alloc : memref<!tpu.dma_semaphore, #tpu.memory_space<semaphore_mem>>
          %dma_start3A_61 = arith.constant 0 : i32
          %dma_start3A_62 = arith.constant 0 : i32
          %dma_start3A_63 = tpu.memref_slice %arg5[%arg1, %scan3A_26, %dma_start3A_61, %dma_start3A_62] : memref<16x2x40x128xi32, #tpu.memory_space<hbm>> -> memref<1x1x40x128xi32, #tpu.memory_space<hbm>>
          %dma_start3A_64 = tpu.memref_squeeze %dma_start3A_63 : memref<1x1x40x128xi32, #tpu.memory_space<hbm>> -> memref<40x128xi32, #tpu.memory_space<hbm>>
          %dma_start3A_65 = arith.constant 0 : i32
          %dma_start3A_66 = arith.constant 0 : i32
          %dma_start3A_67 = tpu.memref_slice %arg5[%arg1, %scan3A_26, %dma_start3A_65, %dma_start3A_66] : memref<16x2x40x128xi32, #tpu.memory_space<hbm>> -> memref<1x1x40x128xi32, #tpu.memory_space<hbm>>
          %dma_start3A_68 = tpu.memref_squeeze %dma_start3A_67 : memref<1x1x40x128xi32, #tpu.memory_space<hbm>> -> memref<40x128xi32, #tpu.memory_space<hbm>>
          tpu.enqueue_dma source(%dma_start3A_68 : memref<40x128xi32, #tpu.memory_space<hbm>>) target(%arg10 : memref<40x128xi32, #tpu.memory_space<vmem>>) target_semaphore(%run_scoped3A_60 : memref<!tpu.dma_semaphore, #tpu.memory_space<semaphore_mem>>)
          %dma_wait3A_69 = arith.constant 0 : i32
          %dma_wait3A_70 = arith.constant 0 : i32
          %dma_wait3A_71 = tpu.memref_slice %arg5[%arg1, %scan3A_26, %dma_wait3A_69, %dma_wait3A_70] : memref<16x2x40x128xi32, #tpu.memory_space<hbm>> -> memref<1x1x40x128xi32, #tpu.memory_space<hbm>>
          %dma_wait3A_72 = tpu.memref_squeeze %dma_wait3A_71 : memref<1x1x40x128xi32, #tpu.memory_space<hbm>> -> memref<40x128xi32, #tpu.memory_space<hbm>>
          %dma_wait3A_73 = arith.constant 0 : i32
          %dma_wait3A_74 = arith.constant 0 : i32
          %dma_wait3A_75 = tpu.memref_slice %arg5[%arg1, %scan3A_26, %dma_wait3A_73, %dma_wait3A_74] : memref<16x2x40x128xi32, #tpu.memory_space<hbm>> -> memref<1x1x40x128xi32, #tpu.memory_space<hbm>>
          %dma_wait3A_76 = tpu.memref_squeeze %dma_wait3A_75 : memref<1x1x40x128xi32, #tpu.memory_space<hbm>> -> memref<40x128xi32, #tpu.memory_space<hbm>>
          tpu.wait_dma2 semaphore(%run_scoped3A_60 : memref<!tpu.dma_semaphore, #tpu.memory_space<semaphore_mem>>) src(%dma_wait3A_76 : memref<40x128xi32, #tpu.memory_space<hbm>>) dst(%arg10 : memref<40x128xi32, #tpu.memory_space<vmem>>)
          tpu.yield
        }) : () -> ()
        %dma_start3A = arith.constant 0 : i32
        %dma_start3A_27 = arith.constant 0 : i32
        %dma_start3A_28 = tpu.memref_slice %arg9[%dma_start3A, %dma_start3A_27] : memref<40x128xi32, #tpu.memory_space<vmem>> -> memref<1x128xi32, #tpu.memory_space<vmem>>
        %dma_start3A_29 = tpu.memref_squeeze %dma_start3A_28 : memref<1x128xi32, #tpu.memory_space<vmem>> -> memref<128xi32, #tpu.memory_space<vmem>>
        %dma_start3A_30 = arith.constant 0 : i32
        %dma_start3A_31 = arith.constant 0 : i32
        %dma_start3A_32 = tpu.memref_slice %arg3[%dma_start3A_30, %dma_start3A_31] : memref<10240x128xf32, #tpu.memory_space<hbm>> -> memref<10240x128xf32, #tpu.memory_space<hbm>>
        tpu.enqueue_indirect_dma source(%dma_start3A_32 : memref<10240x128xf32, #tpu.memory_space<hbm>>) target(%arg11 : memref<128x128xf32, #tpu.memory_space<vmem>>) offsets(%dma_start3A_29 : memref<128xi32, #tpu.memory_space<vmem>>) semaphore(%arg14 : memref<!tpu.dma_semaphore, #tpu.memory_space<semaphore_mem>>)
        %dma_start3A_33 = arith.constant 1 : i32
        %dma_start3A_34 = arith.constant 0 : i32
        %dma_start3A_35 = tpu.memref_slice %arg9[%dma_start3A_33, %dma_start3A_34] : memref<40x128xi32, #tpu.memory_space<vmem>> -> memref<1x128xi32, #tpu.memory_space<vmem>>
        %dma_start3A_36 = tpu.memref_squeeze %dma_start3A_35 : memref<1x128xi32, #tpu.memory_space<vmem>> -> memref<128xi32, #tpu.memory_space<vmem>>
        %dma_start3A_37 = arith.constant 0 : i32
        %dma_start3A_38 = arith.constant 0 : i32
        %dma_start3A_39 = tpu.memref_slice %arg3[%dma_start3A_37, %dma_start3A_38] : memref<10240x128xf32, #tpu.memory_space<hbm>> -> memref<10240x128xf32, #tpu.memory_space<hbm>>
        tpu.enqueue_indirect_dma source(%dma_start3A_39 : memref<10240x128xf32, #tpu.memory_space<hbm>>) target(%arg12 : memref<128x128xf32, #tpu.memory_space<vmem>>) offsets(%dma_start3A_36 : memref<128xi32, #tpu.memory_space<vmem>>) semaphore(%arg15 : memref<!tpu.dma_semaphore, #tpu.memory_space<semaphore_mem>>)
        %scan3A_40 = arith.constant 0 : i32
        %scan3A_41 = arith.constant 0 : i32
        %scan3A_42 = arith.constant 19 : i32
        %scan3A_43 = arith.addi %scan3A_41, %scan3A_42 : i32
        %scan3A_44 = arith.constant 1 : i32
        scf.for %scan3A_60 = %scan3A_41 to %scan3A_43 step %scan3A_44  : i32 {
          %mul3A_61 = arith.constant 2 : i32
          %mul3A_62 = arith.muli %mul3A_61, %scan3A_60 : i32
          %mul3A_63 = arith.constant 2 : i32
          %mul3A_64 = arith.muli %mul3A_63, %scan3A_60 : i32
          %add3A = arith.constant 1 : i32
          %add3A_65 = arith.addi %mul3A_64, %add3A : i32
          %dma_wait3A_66 = arith.constant 0 : i32
          %dma_wait3A_67 = tpu.memref_slice %arg9[%mul3A_62, %dma_wait3A_66] : memref<40x128xi32, #tpu.memory_space<vmem>> -> memref<1x128xi32, #tpu.memory_space<vmem>>
          %dma_wait3A_68 = tpu.memref_squeeze %dma_wait3A_67 : memref<1x128xi32, #tpu.memory_space<vmem>> -> memref<128xi32, #tpu.memory_space<vmem>>
          %dma_wait3A_69 = arith.constant 0 : i32
          %dma_wait3A_70 = arith.constant 0 : i32
          %dma_wait3A_71 = tpu.memref_slice %arg3[%dma_wait3A_69, %dma_wait3A_70] : memref<10240x128xf32, #tpu.memory_space<hbm>> -> memref<10240x128xf32, #tpu.memory_space<hbm>>
          tpu.wait_indirect_dma semaphore(%arg14 : memref<!tpu.dma_semaphore, #tpu.memory_space<semaphore_mem>>) src(%dma_wait3A_71 : memref<10240x128xf32, #tpu.memory_space<hbm>>) dst(%arg11 : memref<128x128xf32, #tpu.memory_space<vmem>>)
          "tpu.region"() ({
            %run_scoped3A_94 = tpu.sem_alloc : memref<!tpu.dma_semaphore, #tpu.memory_space<semaphore_mem>>
            %dma_start3A_95 = arith.constant 0 : i32
            %dma_start3A_96 = tpu.memref_slice %arg10[%mul3A_62, %dma_start3A_95] : memref<40x128xi32, #tpu.memory_space<vmem>> -> memref<1x128xi32, #tpu.memory_space<vmem>>
            %dma_start3A_97 = tpu.memref_squeeze %dma_start3A_96 : memref<1x128xi32, #tpu.memory_space<vmem>> -> memref<128xi32, #tpu.memory_space<vmem>>
            %dma_start3A_98 = arith.constant 0 : i32
            %dma_start3A_99 = arith.constant 0 : i32
            %dma_start3A_100 = tpu.memref_slice %arg13[%dma_start3A_98, %dma_start3A_99] : memref<10240x128xf32, #tpu.memory_space<vmem_shared>> -> memref<10240x128xf32, #tpu.memory_space<vmem_shared>>
            tpu.enqueue_indirect_dma source(%arg11 : memref<128x128xf32, #tpu.memory_space<vmem>>) target(%dma_start3A_100 : memref<10240x128xf32, #tpu.memory_space<vmem_shared>>) offsets(%dma_start3A_97 : memref<128xi32, #tpu.memory_space<vmem>>) semaphore(%run_scoped3A_94 : memref<!tpu.dma_semaphore, #tpu.memory_space<semaphore_mem>>) {add = true}
            %dma_wait3A_101 = arith.constant 0 : i32
            %dma_wait3A_102 = tpu.memref_slice %arg10[%mul3A_62, %dma_wait3A_101] : memref<40x128xi32, #tpu.memory_space<vmem>> -> memref<1x128xi32, #tpu.memory_space<vmem>>
            %dma_wait3A_103 = tpu.memref_squeeze %dma_wait3A_102 : memref<1x128xi32, #tpu.memory_space<vmem>> -> memref<128xi32, #tpu.memory_space<vmem>>
            %dma_wait3A_104 = arith.constant 0 : i32
            %dma_wait3A_105 = arith.constant 0 : i32
            %dma_wait3A_106 = tpu.memref_slice %arg13[%dma_wait3A_104, %dma_wait3A_105] : memref<10240x128xf32, #tpu.memory_space<vmem_shared>> -> memref<10240x128xf32, #tpu.memory_space<vmem_shared>>
            tpu.wait_indirect_dma semaphore(%run_scoped3A_94 : memref<!tpu.dma_semaphore, #tpu.memory_space<semaphore_mem>>) src(%arg11 : memref<128x128xf32, #tpu.memory_space<vmem>>) dst(%dma_wait3A_106 : memref<10240x128xf32, #tpu.memory_space<vmem_shared>>)
            tpu.yield
          }) : () -> ()
          %add3A_72 = arith.constant 2 : i32
          %add3A_73 = arith.addi %mul3A_62, %add3A_72 : i32
          %dma_start3A_74 = arith.constant 0 : i32
          %dma_start3A_75 = tpu.memref_slice %arg9[%add3A_73, %dma_start3A_74] : memref<40x128xi32, #tpu.memory_space<vmem>> -> memref<1x128xi32, #tpu.memory_space<vmem>>
          %dma_start3A_76 = tpu.memref_squeeze %dma_start3A_75 : memref<1x128xi32, #tpu.memory_space<vmem>> -> memref<128xi32, #tpu.memory_space<vmem>>
          %dma_start3A_77 = arith.constant 0 : i32
          %dma_start3A_78 = arith.constant 0 : i32
          %dma_start3A_79 = tpu.memref_slice %arg3[%dma_start3A_77, %dma_start3A_78] : memref<10240x128xf32, #tpu.memory_space<hbm>> -> memref<10240x128xf32, #tpu.memory_space<hbm>>
          tpu.enqueue_indirect_dma source(%dma_start3A_79 : memref<10240x128xf32, #tpu.memory_space<hbm>>) target(%arg11 : memref<128x128xf32, #tpu.memory_space<vmem>>) offsets(%dma_start3A_76 : memref<128xi32, #tpu.memory_space<vmem>>) semaphore(%arg14 : memref<!tpu.dma_semaphore, #tpu.memory_space<semaphore_mem>>)
          %dma_wait3A_80 = arith.constant 0 : i32
          %dma_wait3A_81 = tpu.memref_slice %arg9[%add3A_65, %dma_wait3A_80] : memref<40x128xi32, #tpu.memory_space<vmem>> -> memref<1x128xi32, #tpu.memory_space<vmem>>
          %dma_wait3A_82 = tpu.memref_squeeze %dma_wait3A_81 : memref<1x128xi32, #tpu.memory_space<vmem>> -> memref<128xi32, #tpu.memory_space<vmem>>
          %dma_wait3A_83 = arith.constant 0 : i32
          %dma_wait3A_84 = arith.constant 0 : i32
          %dma_wait3A_85 = tpu.memref_slice %arg3[%dma_wait3A_83, %dma_wait3A_84] : memref<10240x128xf32, #tpu.memory_space<hbm>> -> memref<10240x128xf32, #tpu.memory_space<hbm>>
          tpu.wait_indirect_dma semaphore(%arg15 : memref<!tpu.dma_semaphore, #tpu.memory_space<semaphore_mem>>) src(%dma_wait3A_85 : memref<10240x128xf32, #tpu.memory_space<hbm>>) dst(%arg12 : memref<128x128xf32, #tpu.memory_space<vmem>>)
          "tpu.region"() ({
            %run_scoped3A_94 = tpu.sem_alloc : memref<!tpu.dma_semaphore, #tpu.memory_space<semaphore_mem>>
            %dma_start3A_95 = arith.constant 0 : i32
            %dma_start3A_96 = tpu.memref_slice %arg10[%add3A_65, %dma_start3A_95] : memref<40x128xi32, #tpu.memory_space<vmem>> -> memref<1x128xi32, #tpu.memory_space<vmem>>
            %dma_start3A_97 = tpu.memref_squeeze %dma_start3A_96 : memref<1x128xi32, #tpu.memory_space<vmem>> -> memref<128xi32, #tpu.memory_space<vmem>>
            %dma_start3A_98 = arith.constant 0 : i32
            %dma_start3A_99 = arith.constant 0 : i32
            %dma_start3A_100 = tpu.memref_slice %arg13[%dma_start3A_98, %dma_start3A_99] : memref<10240x128xf32, #tpu.memory_space<vmem_shared>> -> memref<10240x128xf32, #tpu.memory_space<vmem_shared>>
            tpu.enqueue_indirect_dma source(%arg12 : memref<128x128xf32, #tpu.memory_space<vmem>>) target(%dma_start3A_100 : memref<10240x128xf32, #tpu.memory_space<vmem_shared>>) offsets(%dma_start3A_97 : memref<128xi32, #tpu.memory_space<vmem>>) semaphore(%run_scoped3A_94 : memref<!tpu.dma_semaphore, #tpu.memory_space<semaphore_mem>>) {add = true}
            %dma_wait3A_101 = arith.constant 0 : i32
            %dma_wait3A_102 = tpu.memref_slice %arg10[%add3A_65, %dma_wait3A_101] : memref<40x128xi32, #tpu.memory_space<vmem>> -> memref<1x128xi32, #tpu.memory_space<vmem>>
            %dma_wait3A_103 = tpu.memref_squeeze %dma_wait3A_102 : memref<1x128xi32, #tpu.memory_space<vmem>> -> memref<128xi32, #tpu.memory_space<vmem>>
            %dma_wait3A_104 = arith.constant 0 : i32
            %dma_wait3A_105 = arith.constant 0 : i32
            %dma_wait3A_106 = tpu.memref_slice %arg13[%dma_wait3A_104, %dma_wait3A_105] : memref<10240x128xf32, #tpu.memory_space<vmem_shared>> -> memref<10240x128xf32, #tpu.memory_space<vmem_shared>>
            tpu.wait_indirect_dma semaphore(%run_scoped3A_94 : memref<!tpu.dma_semaphore, #tpu.memory_space<semaphore_mem>>) src(%arg12 : memref<128x128xf32, #tpu.memory_space<vmem>>) dst(%dma_wait3A_106 : memref<10240x128xf32, #tpu.memory_space<vmem_shared>>)
            tpu.yield
          }) : () -> ()
          %add3A_86 = arith.constant 2 : i32
          %add3A_87 = arith.addi %add3A_65, %add3A_86 : i32
          %dma_start3A_88 = arith.constant 0 : i32
          %dma_start3A_89 = tpu.memref_slice %arg9[%add3A_87, %dma_start3A_88] : memref<40x128xi32, #tpu.memory_space<vmem>> -> memref<1x128xi32, #tpu.memory_space<vmem>>
          %dma_start3A_90 = tpu.memref_squeeze %dma_start3A_89 : memref<1x128xi32, #tpu.memory_space<vmem>> -> memref<128xi32, #tpu.memory_space<vmem>>
          %dma_start3A_91 = arith.constant 0 : i32
          %dma_start3A_92 = arith.constant 0 : i32
          %dma_start3A_93 = tpu.memref_slice %arg3[%dma_start3A_91, %dma_start3A_92] : memref<10240x128xf32, #tpu.memory_space<hbm>> -> memref<10240x128xf32, #tpu.memory_space<hbm>>
          tpu.enqueue_indirect_dma source(%dma_start3A_93 : memref<10240x128xf32, #tpu.memory_space<hbm>>) target(%arg12 : memref<128x128xf32, #tpu.memory_space<vmem>>) offsets(%dma_start3A_90 : memref<128xi32, #tpu.memory_space<vmem>>) semaphore(%arg15 : memref<!tpu.dma_semaphore, #tpu.memory_space<semaphore_mem>>)
        }
        %scan3A_45 = arith.constant 19 : i32
        %dma_wait3A = arith.constant 38 : i32
        %dma_wait3A_46 = arith.constant 0 : i32
        %dma_wait3A_47 = tpu.memref_slice %arg9[%dma_wait3A, %dma_wait3A_46] : memref<40x128xi32, #tpu.memory_space<vmem>> -> memref<1x128xi32, #tpu.memory_space<vmem>>
        %dma_wait3A_48 = tpu.memref_squeeze %dma_wait3A_47 : memref<1x128xi32, #tpu.memory_space<vmem>> -> memref<128xi32, #tpu.memory_space<vmem>>
        %dma_wait3A_49 = arith.constant 0 : i32
        %dma_wait3A_50 = arith.constant 0 : i32
        %dma_wait3A_51 = tpu.memref_slice %arg3[%dma_wait3A_49, %dma_wait3A_50] : memref<10240x128xf32, #tpu.memory_space<hbm>> -> memref<10240x128xf32, #tpu.memory_space<hbm>>
        tpu.wait_indirect_dma semaphore(%arg14 : memref<!tpu.dma_semaphore, #tpu.memory_space<semaphore_mem>>) src(%dma_wait3A_51 : memref<10240x128xf32, #tpu.memory_space<hbm>>) dst(%arg11 : memref<128x128xf32, #tpu.memory_space<vmem>>)
        %run_scoped3A = arith.constant 38 : i32
        "tpu.region"() ({
          %run_scoped3A_60 = tpu.sem_alloc : memref<!tpu.dma_semaphore, #tpu.memory_space<semaphore_mem>>
          %dma_start3A_61 = arith.constant 0 : i32
          %dma_start3A_62 = tpu.memref_slice %arg10[%run_scoped3A, %dma_start3A_61] : memref<40x128xi32, #tpu.memory_space<vmem>> -> memref<1x128xi32, #tpu.memory_space<vmem>>
          %dma_start3A_63 = tpu.memref_squeeze %dma_start3A_62 : memref<1x128xi32, #tpu.memory_space<vmem>> -> memref<128xi32, #tpu.memory_space<vmem>>
          %dma_start3A_64 = arith.constant 0 : i32
          %dma_start3A_65 = arith.constant 0 : i32
          %dma_start3A_66 = tpu.memref_slice %arg13[%dma_start3A_64, %dma_start3A_65] : memref<10240x128xf32, #tpu.memory_space<vmem_shared>> -> memref<10240x128xf32, #tpu.memory_space<vmem_shared>>
          tpu.enqueue_indirect_dma source(%arg11 : memref<128x128xf32, #tpu.memory_space<vmem>>) target(%dma_start3A_66 : memref<10240x128xf32, #tpu.memory_space<vmem_shared>>) offsets(%dma_start3A_63 : memref<128xi32, #tpu.memory_space<vmem>>) semaphore(%run_scoped3A_60 : memref<!tpu.dma_semaphore, #tpu.memory_space<semaphore_mem>>) {add = true}
          %dma_wait3A_67 = arith.constant 0 : i32
          %dma_wait3A_68 = tpu.memref_slice %arg10[%run_scoped3A, %dma_wait3A_67] : memref<40x128xi32, #tpu.memory_space<vmem>> -> memref<1x128xi32, #tpu.memory_space<vmem>>
          %dma_wait3A_69 = tpu.memref_squeeze %dma_wait3A_68 : memref<1x128xi32, #tpu.memory_space<vmem>> -> memref<128xi32, #tpu.memory_space<vmem>>
          %dma_wait3A_70 = arith.constant 0 : i32
          %dma_wait3A_71 = arith.constant 0 : i32
          %dma_wait3A_72 = tpu.memref_slice %arg13[%dma_wait3A_70, %dma_wait3A_71] : memref<10240x128xf32, #tpu.memory_space<vmem_shared>> -> memref<10240x128xf32, #tpu.memory_space<vmem_shared>>
          tpu.wait_indirect_dma semaphore(%run_scoped3A_60 : memref<!tpu.dma_semaphore, #tpu.memory_space<semaphore_mem>>) src(%arg11 : memref<128x128xf32, #tpu.memory_space<vmem>>) dst(%dma_wait3A_72 : memref<10240x128xf32, #tpu.memory_space<vmem_shared>>)
          tpu.yield
        }) : () -> ()
        %dma_wait3A_52 = arith.constant 39 : i32
        %dma_wait3A_53 = arith.constant 0 : i32
        %dma_wait3A_54 = tpu.memref_slice %arg9[%dma_wait3A_52, %dma_wait3A_53] : memref<40x128xi32, #tpu.memory_space<vmem>> -> memref<1x128xi32, #tpu.memory_space<vmem>>
        %dma_wait3A_55 = tpu.memref_squeeze %dma_wait3A_54 : memref<1x128xi32, #tpu.memory_space<vmem>> -> memref<128xi32, #tpu.memory_space<vmem>>
        %dma_wait3A_56 = arith.constant 0 : i32
        %dma_wait3A_57 = arith.constant 0 : i32
        %dma_wait3A_58 = tpu.memref_slice %arg3[%dma_wait3A_56, %dma_wait3A_57] : memref<10240x128xf32, #tpu.memory_space<hbm>> -> memref<10240x128xf32, #tpu.memory_space<hbm>>
        tpu.wait_indirect_dma semaphore(%arg15 : memref<!tpu.dma_semaphore, #tpu.memory_space<semaphore_mem>>) src(%dma_wait3A_58 : memref<10240x128xf32, #tpu.memory_space<hbm>>) dst(%arg12 : memref<128x128xf32, #tpu.memory_space<vmem>>)
        %run_scoped3A_59 = arith.constant 39 : i32
        "tpu.region"() ({
          %run_scoped3A_60 = tpu.sem_alloc : memref<!tpu.dma_semaphore, #tpu.memory_space<semaphore_mem>>
          %dma_start3A_61 = arith.constant 0 : i32
          %dma_start3A_62 = tpu.memref_slice %arg10[%run_scoped3A_59, %dma_start3A_61] : memref<40x128xi32, #tpu.memory_space<vmem>> -> memref<1x128xi32, #tpu.memory_space<vmem>>
          %dma_start3A_63 = tpu.memref_squeeze %dma_start3A_62 : memref<1x128xi32, #tpu.memory_space<vmem>> -> memref<128xi32, #tpu.memory_space<vmem>>
          %dma_start3A_64 = arith.constant 0 : i32
          %dma_start3A_65 = arith.constant 0 : i32
          %dma_start3A_66 = tpu.memref_slice %arg13[%dma_start3A_64, %dma_start3A_65] : memref<10240x128xf32, #tpu.memory_space<vmem_shared>> -> memref<10240x128xf32, #tpu.memory_space<vmem_shared>>
          tpu.enqueue_indirect_dma source(%arg12 : memref<128x128xf32, #tpu.memory_space<vmem>>) target(%dma_start3A_66 : memref<10240x128xf32, #tpu.memory_space<vmem_shared>>) offsets(%dma_start3A_63 : memref<128xi32, #tpu.memory_space<vmem>>) semaphore(%run_scoped3A_60 : memref<!tpu.dma_semaphore, #tpu.memory_space<semaphore_mem>>) {add = true}
          %dma_wait3A_67 = arith.constant 0 : i32
          %dma_wait3A_68 = tpu.memref_slice %arg10[%run_scoped3A_59, %dma_wait3A_67] : memref<40x128xi32, #tpu.memory_space<vmem>> -> memref<1x128xi32, #tpu.memory_space<vmem>>
          %dma_wait3A_69 = tpu.memref_squeeze %dma_wait3A_68 : memref<1x128xi32, #tpu.memory_space<vmem>> -> memref<128xi32, #tpu.memory_space<vmem>>
          %dma_wait3A_70 = arith.constant 0 : i32
          %dma_wait3A_71 = arith.constant 0 : i32
          %dma_wait3A_72 = tpu.memref_slice %arg13[%dma_wait3A_70, %dma_wait3A_71] : memref<10240x128xf32, #tpu.memory_space<vmem_shared>> -> memref<10240x128xf32, #tpu.memory_space<vmem_shared>>
          tpu.wait_indirect_dma semaphore(%run_scoped3A_60 : memref<!tpu.dma_semaphore, #tpu.memory_space<semaphore_mem>>) src(%arg12 : memref<128x128xf32, #tpu.memory_space<vmem>>) dst(%dma_wait3A_72 : memref<10240x128xf32, #tpu.memory_space<vmem_shared>>)
          tpu.yield
        }) : () -> ()
      }
      %scan3A_25 = arith.constant 2 : i32
    } else {
    }
    %barrier3A_10 = arith.constant 0 : index
    tpu.barrier barrier_id(%barrier3A_10)
    %eq3A_11 = arith.constant 0 : i32
    %eq3A_12 = arith.cmpi eq, %arg0, %eq3A_11 : i32
    %convert_element_type3A_13 = arith.extui %eq3A_12 : i1 to i32
    %cond3A_14 = arith.constant 0 : i32
    %cond3A_15 = arith.cmpi ne, %convert_element_type3A_13, %cond3A_14 : i32
    scf.if %cond3A_15 {
      %mul3A_21 = arith.constant 640 : i32
      %mul3A_22 = arith.muli %arg1, %mul3A_21 : i32
      %mul3A_23 = arith.constant 640 : i32
      %mul3A_24 = arith.muli %arg1, %mul3A_23 : i32
      "tpu.region"() ({
        %run_scoped3A = tpu.sem_alloc : memref<!tpu.dma_semaphore, #tpu.memory_space<semaphore_mem>>
        %dma_start3A = arith.constant 0 : i32
        %dma_start3A_25 = tpu.memref_slice %arg7[%mul3A_24, %dma_start3A] : memref<10240x128xf32, #tpu.memory_space<hbm>> -> memref<640x128xf32, #tpu.memory_space<hbm>>
        %dma_start3A_26 = arith.constant 0 : i32
        %dma_start3A_27 = tpu.memref_slice %arg13[%mul3A_22, %dma_start3A_26] : memref<10240x128xf32, #tpu.memory_space<vmem_shared>> -> memref<640x128xf32, #tpu.memory_space<vmem_shared>>
        tpu.enqueue_dma source(%dma_start3A_27 : memref<640x128xf32, #tpu.memory_space<vmem_shared>>) target(%dma_start3A_25 : memref<640x128xf32, #tpu.memory_space<hbm>>) target_semaphore(%run_scoped3A : memref<!tpu.dma_semaphore, #tpu.memory_space<semaphore_mem>>)
        %dma_wait3A = arith.constant 0 : i32
        %dma_wait3A_28 = tpu.memref_slice %arg7[%mul3A_24, %dma_wait3A] : memref<10240x128xf32, #tpu.memory_space<hbm>> -> memref<640x128xf32, #tpu.memory_space<hbm>>
        %dma_wait3A_29 = arith.constant 0 : i32
        %dma_wait3A_30 = tpu.memref_slice %arg13[%mul3A_22, %dma_wait3A_29] : memref<10240x128xf32, #tpu.memory_space<vmem_shared>> -> memref<640x128xf32, #tpu.memory_space<vmem_shared>>
        tpu.wait_dma2 semaphore(%run_scoped3A : memref<!tpu.dma_semaphore, #tpu.memory_space<semaphore_mem>>) src(%dma_wait3A_30 : memref<640x128xf32, #tpu.memory_space<vmem_shared>>) dst(%dma_wait3A_28 : memref<640x128xf32, #tpu.memory_space<hbm>>)
        tpu.yield
      }) : () -> ()
    } else {
    }
    %eq3A_16 = arith.constant 1 : i32
    %eq3A_17 = arith.cmpi eq, %arg0, %eq3A_16 : i32
    %convert_element_type3A_18 = arith.extui %eq3A_17 : i1 to i32
    %cond3A_19 = arith.constant 0 : i32
    %cond3A_20 = arith.cmpi ne, %convert_element_type3A_18, %cond3A_19 : i32
    scf.if %cond3A_20 {
      %mul3A_21 = arith.constant 640 : i32
      %mul3A_22 = arith.muli %arg1, %mul3A_21 : i32
      %mul3A_23 = arith.constant 640 : i32
      %mul3A_24 = arith.muli %arg1, %mul3A_23 : i32
      "tpu.region"() ({
        %run_scoped3A = tpu.sem_alloc : memref<!tpu.dma_semaphore, #tpu.memory_space<semaphore_mem>>
        %dma_start3A = arith.constant 0 : i32
        %dma_start3A_25 = tpu.memref_slice %arg8[%mul3A_24, %dma_start3A] : memref<10240x128xf32, #tpu.memory_space<hbm>> -> memref<640x128xf32, #tpu.memory_space<hbm>>
        %dma_start3A_26 = arith.constant 0 : i32
        %dma_start3A_27 = tpu.memref_slice %arg13[%mul3A_22, %dma_start3A_26] : memref<10240x128xf32, #tpu.memory_space<vmem_shared>> -> memref<640x128xf32, #tpu.memory_space<vmem_shared>>
        tpu.enqueue_dma source(%dma_start3A_27 : memref<640x128xf32, #tpu.memory_space<vmem_shared>>) target(%dma_start3A_25 : memref<640x128xf32, #tpu.memory_space<hbm>>) target_semaphore(%run_scoped3A : memref<!tpu.dma_semaphore, #tpu.memory_space<semaphore_mem>>)
        %dma_wait3A = arith.constant 0 : i32
        %dma_wait3A_28 = tpu.memref_slice %arg8[%mul3A_24, %dma_wait3A] : memref<10240x128xf32, #tpu.memory_space<hbm>> -> memref<640x128xf32, #tpu.memory_space<hbm>>
        %dma_wait3A_29 = arith.constant 0 : i32
        %dma_wait3A_30 = tpu.memref_slice %arg13[%mul3A_22, %dma_wait3A_29] : memref<10240x128xf32, #tpu.memory_space<vmem_shared>> -> memref<640x128xf32, #tpu.memory_space<vmem_shared>>
        tpu.wait_dma2 semaphore(%run_scoped3A : memref<!tpu.dma_semaphore, #tpu.memory_space<semaphore_mem>>) src(%dma_wait3A_30 : memref<640x128xf32, #tpu.memory_space<vmem_shared>>) dst(%dma_wait3A_28 : memref<640x128xf32, #tpu.memory_space<hbm>>)
        tpu.yield
      }) : () -> ()
    } else {
    }
    return
  }
}

#map = affine_map<(d0, d1) -> (0, 0)>
#map1 = affine_map<(d0, d1) -> (0, 0, 0, 0)>
module attributes {stable_mosaic.version = 14 : i64} {
  func.func @_spmm_kernel(%arg0: i32, %arg1: i32, %arg2: memref<10240x128xf32, #tpu.memory_space<hbm>>, %arg3: memref<10240x128xf32, #tpu.memory_space<hbm>>, %arg4: memref<16x2x40x128xi32, #tpu.memory_space<hbm>>, %arg5: memref<16x2x40x128xi32, #tpu.memory_space<hbm>>, %arg6: memref<10240x128xf32, #tpu.memory_space<hbm>>, %arg7: memref<10240x128xf32, #tpu.memory_space<hbm>>, %arg8: memref<10240x128xf32, #tpu.memory_space<hbm>>, %arg9: memref<40x128xi32, #tpu.memory_space<vmem>>, %arg10: memref<40x128xi32, #tpu.memory_space<vmem>>, %arg11: memref<128x128xf32, #tpu.memory_space<vmem>>, %arg12: memref<128x128xf32, #tpu.memory_space<vmem>>, %arg13: memref<10240x128xf32, #tpu.memory_space<vmem_shared>>, %arg14: memref<!tpu.dma_semaphore, #tpu.memory_space<semaphore_mem>>, %arg15: memref<!tpu.dma_semaphore, #tpu.memory_space<semaphore_mem>>) attributes {dimension_semantics = [#tpu.dimension_semantics<core_parallel>, #tpu.dimension_semantics<subcore_parallel>], iteration_bounds = array<i64: 2, 16>, scalar_prefetch = 0 : i64, scratch_operands = 7 : i64, tpu.core_type = #tpu.core_type<sc_vector_subcore>, window_params = [{transform_indices = #map}, {transform_indices = #map}, {transform_indices = #map1}, {transform_indices = #map1}, {transform_indices = #map}, {transform_indices = #map}, {transform_indices = #map}]} {
    %mul3A = arith.constant 640 : i32
    %mul3A_0 = arith.muli %arg1, %mul3A : i32
    %mul3A_1 = arith.constant 640 : i32
    %mul3A_2 = arith.muli %arg1, %mul3A_1 : i32
    "tpu.region"() ({
      %run_scoped3A = tpu.sem_alloc : memref<!tpu.dma_semaphore, #tpu.memory_space<semaphore_mem>>
      %dma_start3A = arith.constant 0 : i32
      %dma_start3A_21 = tpu.memref_slice %arg13[%mul3A_2, %dma_start3A] : memref<10240x128xf32, #tpu.memory_space<vmem_shared>> -> memref<640x128xf32, #tpu.memory_space<vmem_shared>>
      %dma_start3A_22 = arith.constant 0 : i32
      %dma_start3A_23 = tpu.memref_slice %arg6[%mul3A_0, %dma_start3A_22] : memref<10240x128xf32, #tpu.memory_space<hbm>> -> memref<640x128xf32, #tpu.memory_space<hbm>>
      tpu.enqueue_dma source(%dma_start3A_23 : memref<640x128xf32, #tpu.memory_space<hbm>>) target(%dma_start3A_21 : memref<640x128xf32, #tpu.memory_space<vmem_shared>>) target_semaphore(%run_scoped3A : memref<!tpu.dma_semaphore, #tpu.memory_space<semaphore_mem>>)
      %dma_wait3A = arith.constant 0 : i32
      %dma_wait3A_24 = tpu.memref_slice %arg13[%mul3A_2, %dma_wait3A] : memref<10240x128xf32, #tpu.memory_space<vmem_shared>> -> memref<640x128xf32, #tpu.memory_space<vmem_shared>>
      %dma_wait3A_25 = arith.constant 0 : i32
      %dma_wait3A_26 = tpu.memref_slice %arg6[%mul3A_0, %dma_wait3A_25] : memref<10240x128xf32, #tpu.memory_space<hbm>> -> memref<640x128xf32, #tpu.memory_space<hbm>>
      tpu.wait_dma2 semaphore(%run_scoped3A : memref<!tpu.dma_semaphore, #tpu.memory_space<semaphore_mem>>) src(%dma_wait3A_26 : memref<640x128xf32, #tpu.memory_space<hbm>>) dst(%dma_wait3A_24 : memref<640x128xf32, #tpu.memory_space<vmem_shared>>)
      tpu.yield
    }) : () -> ()
    %barrier3A = arith.constant 0 : index
    tpu.barrier barrier_id(%barrier3A)
    %eq3A = arith.constant 0 : i32
    %eq3A_3 = arith.cmpi eq, %arg0, %eq3A : i32
    %convert_element_type3A = arith.extui %eq3A_3 : i1 to i32
    %cond3A = arith.constant 0 : i32
    %cond3A_4 = arith.cmpi ne, %convert_element_type3A, %cond3A : i32
    scf.if %cond3A_4 {
      %scan3A = arith.constant 0 : i32
      %scan3A_21 = arith.constant 0 : i32
      %scan3A_22 = arith.constant 2 : i32
      %scan3A_23 = arith.addi %scan3A_21, %scan3A_22 : i32
      %scan3A_24 = arith.constant 1 : i32
      scf.for %scan3A_26 = %scan3A_21 to %scan3A_23 step %scan3A_24  : i32 {
        "tpu.region"() ({
          %run_scoped3A_60 = tpu.sem_alloc : memref<!tpu.dma_semaphore, #tpu.memory_space<semaphore_mem>>
          %dma_start3A_61 = arith.constant 0 : i32
          %dma_start3A_62 = arith.constant 0 : i32
          %dma_start3A_63 = tpu.memref_slice %arg4[%arg1, %scan3A_26, %dma_start3A_61, %dma_start3A_62] : memref<16x2x40x128xi32, #tpu.memory_space<hbm>> -> memref<1x1x40x128xi32, #tpu.memory_space<hbm>>
          %dma_start3A_64 = tpu.memref_squeeze %dma_start3A_63 : memref<1x1x40x128xi32, #tpu.memory_space<hbm>> -> memref<40x128xi32, #tpu.memory_space<hbm>>
          %dma_start3A_65 = arith.constant 0 : i32
          %dma_start3A_66 = arith.constant 0 : i32
          %dma_start3A_67 = tpu.memref_slice %arg4[%arg1, %scan3A_26, %dma_start3A_65, %dma_start3A_66] : memref<16x2x40x128xi32, #tpu.memory_space<hbm>> -> memref<1x1x40x128xi32, #tpu.memory_space<hbm>>
          %dma_start3A_68 = tpu.memref_squeeze %dma_start3A_67 : memref<1x1x40x128xi32, #tpu.memory_space<hbm>> -> memref<40x128xi32, #tpu.memory_space<hbm>>
          tpu.enqueue_dma source(%dma_start3A_68 : memref<40x128xi32, #tpu.memory_space<hbm>>) target(%arg9 : memref<40x128xi32, #tpu.memory_space<vmem>>) target_semaphore(%run_scoped3A_60 : memref<!tpu.dma_semaphore, #tpu.memory_space<semaphore_mem>>)
          %dma_wait3A_69 = arith.constant 0 : i32
          %dma_wait3A_70 = arith.constant 0 : i32
          %dma_wait3A_71 = tpu.memref_slice %arg4[%arg1, %scan3A_26, %dma_wait3A_69, %dma_wait3A_70] : memref<16x2x40x128xi32, #tpu.memory_space<hbm>> -> memref<1x1x40x128xi32, #tpu.memory_space<hbm>>
          %dma_wait3A_72 = tpu.memref_squeeze %dma_wait3A_71 : memref<1x1x40x128xi32, #tpu.memory_space<hbm>> -> memref<40x128xi32, #tpu.memory_space<hbm>>
          %dma_wait3A_73 = arith.constant 0 : i32
          %dma_wait3A_74 = arith.constant 0 : i32
          %dma_wait3A_75 = tpu.memref_slice %arg4[%arg1, %scan3A_26, %dma_wait3A_73, %dma_wait3A_74] : memref<16x2x40x128xi32, #tpu.memory_space<hbm>> -> memref<1x1x40x128xi32, #tpu.memory_space<hbm>>
          %dma_wait3A_76 = tpu.memref_squeeze %dma_wait3A_75 : memref<1x1x40x128xi32, #tpu.memory_space<hbm>> -> memref<40x128xi32, #tpu.memory_space<hbm>>
          tpu.wait_dma2 semaphore(%run_scoped3A_60 : memref<!tpu.dma_semaphore, #tpu.memory_space<semaphore_mem>>) src(%dma_wait3A_76 : memref<40x128xi32, #tpu.memory_space<hbm>>) dst(%arg9 : memref<40x128xi32, #tpu.memory_space<vmem>>)
          tpu.yield
        }) : () -> ()
        "tpu.region"() ({
          %run_scoped3A_60 = tpu.sem_alloc : memref<!tpu.dma_semaphore, #tpu.memory_space<semaphore_mem>>
          %dma_start3A_61 = arith.constant 0 : i32
          %dma_start3A_62 = arith.constant 0 : i32
          %dma_start3A_63 = tpu.memref_slice %arg5[%arg1, %scan3A_26, %dma_start3A_61, %dma_start3A_62] : memref<16x2x40x128xi32, #tpu.memory_space<hbm>> -> memref<1x1x40x128xi32, #tpu.memory_space<hbm>>
          %dma_start3A_64 = tpu.memref_squeeze %dma_start3A_63 : memref<1x1x40x128xi32, #tpu.memory_space<hbm>> -> memref<40x128xi32, #tpu.memory_space<hbm>>
          %dma_start3A_65 = arith.constant 0 : i32
          %dma_start3A_66 = arith.constant 0 : i32
          %dma_start3A_67 = tpu.memref_slice %arg5[%arg1, %scan3A_26, %dma_start3A_65, %dma_start3A_66] : memref<16x2x40x128xi32, #tpu.memory_space<hbm>> -> memref<1x1x40x128xi32, #tpu.memory_space<hbm>>
          %dma_start3A_68 = tpu.memref_squeeze %dma_start3A_67 : memref<1x1x40x128xi32, #tpu.memory_space<hbm>> -> memref<40x128xi32, #tpu.memory_space<hbm>>
          tpu.enqueue_dma source(%dma_start3A_68 : memref<40x128xi32, #tpu.memory_space<hbm>>) target(%arg10 : memref<40x128xi32, #tpu.memory_space<vmem>>) target_semaphore(%run_scoped3A_60 : memref<!tpu.dma_semaphore, #tpu.memory_space<semaphore_mem>>)
          %dma_wait3A_69 = arith.constant 0 : i32
          %dma_wait3A_70 = arith.constant 0 : i32
          %dma_wait3A_71 = tpu.memref_slice %arg5[%arg1, %scan3A_26, %dma_wait3A_69, %dma_wait3A_70] : memref<16x2x40x128xi32, #tpu.memory_space<hbm>> -> memref<1x1x40x128xi32, #tpu.memory_space<hbm>>
          %dma_wait3A_72 = tpu.memref_squeeze %dma_wait3A_71 : memref<1x1x40x128xi32, #tpu.memory_space<hbm>> -> memref<40x128xi32, #tpu.memory_space<hbm>>
          %dma_wait3A_73 = arith.constant 0 : i32
          %dma_wait3A_74 = arith.constant 0 : i32
          %dma_wait3A_75 = tpu.memref_slice %arg5[%arg1, %scan3A_26, %dma_wait3A_73, %dma_wait3A_74] : memref<16x2x40x128xi32, #tpu.memory_space<hbm>> -> memref<1x1x40x128xi32, #tpu.memory_space<hbm>>
          %dma_wait3A_76 = tpu.memref_squeeze %dma_wait3A_75 : memref<1x1x40x128xi32, #tpu.memory_space<hbm>> -> memref<40x128xi32, #tpu.memory_space<hbm>>
          tpu.wait_dma2 semaphore(%run_scoped3A_60 : memref<!tpu.dma_semaphore, #tpu.memory_space<semaphore_mem>>) src(%dma_wait3A_76 : memref<40x128xi32, #tpu.memory_space<hbm>>) dst(%arg10 : memref<40x128xi32, #tpu.memory_space<vmem>>)
          tpu.yield
        }) : () -> ()
        %dma_start3A = arith.constant 0 : i32
        %dma_start3A_27 = arith.constant 0 : i32
        %dma_start3A_28 = tpu.memref_slice %arg9[%dma_start3A, %dma_start3A_27] : memref<40x128xi32, #tpu.memory_space<vmem>> -> memref<1x128xi32, #tpu.memory_space<vmem>>
        %dma_start3A_29 = tpu.memref_squeeze %dma_start3A_28 : memref<1x128xi32, #tpu.memory_space<vmem>> -> memref<128xi32, #tpu.memory_space<vmem>>
        %dma_start3A_30 = arith.constant 0 : i32
        %dma_start3A_31 = arith.constant 0 : i32
        %dma_start3A_32 = tpu.memref_slice %arg2[%dma_start3A_30, %dma_start3A_31] : memref<10240x128xf32, #tpu.memory_space<hbm>> -> memref<10240x128xf32, #tpu.memory_space<hbm>>
        tpu.enqueue_indirect_dma source(%dma_start3A_32 : memref<10240x128xf32, #tpu.memory_space<hbm>>) target(%arg11 : memref<128x128xf32, #tpu.memory_space<vmem>>) offsets(%dma_start3A_29 : memref<128xi32, #tpu.memory_space<vmem>>) semaphore(%arg14 : memref<!tpu.dma_semaphore, #tpu.memory_space<semaphore_mem>>)
        %dma_start3A_33 = arith.constant 1 : i32
        %dma_start3A_34 = arith.constant 0 : i32
        %dma_start3A_35 = tpu.memref_slice %arg9[%dma_start3A_33, %dma_start3A_34] : memref<40x128xi32, #tpu.memory_space<vmem>> -> memref<1x128xi32, #tpu.memory_space<vmem>>
        %dma_start3A_36 = tpu.memref_squeeze %dma_start3A_35 : memref<1x128xi32, #tpu.memory_space<vmem>> -> memref<128xi32, #tpu.memory_space<vmem>>
        %dma_start3A_37 = arith.constant 0 : i32
        %dma_start3A_38 = arith.constant 0 : i32
        %dma_start3A_39 = tpu.memref_slice %arg2[%dma_start3A_37, %dma_start3A_38] : memref<10240x128xf32, #tpu.memory_space<hbm>> -> memref<10240x128xf32, #tpu.memory_space<hbm>>
        tpu.enqueue_indirect_dma source(%dma_start3A_39 : memref<10240x128xf32, #tpu.memory_space<hbm>>) target(%arg12 : memref<128x128xf32, #tpu.memory_space<vmem>>) offsets(%dma_start3A_36 : memref<128xi32, #tpu.memory_space<vmem>>) semaphore(%arg15 : memref<!tpu.dma_semaphore, #tpu.memory_space<semaphore_mem>>)
        %scan3A_40 = arith.constant 0 : i32
        %scan3A_41 = arith.constant 0 : i32
        %scan3A_42 = arith.constant 19 : i32
        %scan3A_43 = arith.addi %scan3A_41, %scan3A_42 : i32
        %scan3A_44 = arith.constant 1 : i32
        scf.for %scan3A_60 = %scan3A_41 to %scan3A_43 step %scan3A_44  : i32 {
          %mul3A_61 = arith.constant 2 : i32
          %mul3A_62 = arith.muli %mul3A_61, %scan3A_60 : i32
          %mul3A_63 = arith.constant 2 : i32
          %mul3A_64 = arith.muli %mul3A_63, %scan3A_60 : i32
          %add3A = arith.constant 1 : i32
          %add3A_65 = arith.addi %mul3A_64, %add3A : i32
          %dma_wait3A_66 = arith.constant 0 : i32
          %dma_wait3A_67 = tpu.memref_slice %arg9[%mul3A_62, %dma_wait3A_66] : memref<40x128xi32, #tpu.memory_space<vmem>> -> memref<1x128xi32, #tpu.memory_space<vmem>>
          %dma_wait3A_68 = tpu.memref_squeeze %dma_wait3A_67 : memref<1x128xi32, #tpu.memory_space<vmem>> -> memref<128xi32, #tpu.memory_space<vmem>>
          %dma_wait3A_69 = arith.constant 0 : i32
          %dma_wait3A_70 = arith.constant 0 : i32
          %dma_wait3A_71 = tpu.memref_slice %arg2[%dma_wait3A_69, %dma_wait3A_70] : memref<10240x128xf32, #tpu.memory_space<hbm>> -> memref<10240x128xf32, #tpu.memory_space<hbm>>
          tpu.wait_indirect_dma semaphore(%arg14 : memref<!tpu.dma_semaphore, #tpu.memory_space<semaphore_mem>>) src(%dma_wait3A_71 : memref<10240x128xf32, #tpu.memory_space<hbm>>) dst(%arg11 : memref<128x128xf32, #tpu.memory_space<vmem>>)
          "tpu.region"() ({
            %run_scoped3A_94 = tpu.sem_alloc : memref<!tpu.dma_semaphore, #tpu.memory_space<semaphore_mem>>
            %dma_start3A_95 = arith.constant 0 : i32
            %dma_start3A_96 = tpu.memref_slice %arg10[%mul3A_62, %dma_start3A_95] : memref<40x128xi32, #tpu.memory_space<vmem>> -> memref<1x128xi32, #tpu.memory_space<vmem>>
            %dma_start3A_97 = tpu.memref_squeeze %dma_start3A_96 : memref<1x128xi32, #tpu.memory_space<vmem>> -> memref<128xi32, #tpu.memory_space<vmem>>
            %dma_start3A_98 = arith.constant 0 : i32
            %dma_start3A_99 = arith.constant 0 : i32
            %dma_start3A_100 = tpu.memref_slice %arg13[%dma_start3A_98, %dma_start3A_99] : memref<10240x128xf32, #tpu.memory_space<vmem_shared>> -> memref<10240x128xf32, #tpu.memory_space<vmem_shared>>
            tpu.enqueue_indirect_dma source(%arg11 : memref<128x128xf32, #tpu.memory_space<vmem>>) target(%dma_start3A_100 : memref<10240x128xf32, #tpu.memory_space<vmem_shared>>) offsets(%dma_start3A_97 : memref<128xi32, #tpu.memory_space<vmem>>) semaphore(%run_scoped3A_94 : memref<!tpu.dma_semaphore, #tpu.memory_space<semaphore_mem>>) {add = true}
            %dma_wait3A_101 = arith.constant 0 : i32
            %dma_wait3A_102 = tpu.memref_slice %arg10[%mul3A_62, %dma_wait3A_101] : memref<40x128xi32, #tpu.memory_space<vmem>> -> memref<1x128xi32, #tpu.memory_space<vmem>>
            %dma_wait3A_103 = tpu.memref_squeeze %dma_wait3A_102 : memref<1x128xi32, #tpu.memory_space<vmem>> -> memref<128xi32, #tpu.memory_space<vmem>>
            %dma_wait3A_104 = arith.constant 0 : i32
            %dma_wait3A_105 = arith.constant 0 : i32
            %dma_wait3A_106 = tpu.memref_slice %arg13[%dma_wait3A_104, %dma_wait3A_105] : memref<10240x128xf32, #tpu.memory_space<vmem_shared>> -> memref<10240x128xf32, #tpu.memory_space<vmem_shared>>
            tpu.wait_indirect_dma semaphore(%run_scoped3A_94 : memref<!tpu.dma_semaphore, #tpu.memory_space<semaphore_mem>>) src(%arg11 : memref<128x128xf32, #tpu.memory_space<vmem>>) dst(%dma_wait3A_106 : memref<10240x128xf32, #tpu.memory_space<vmem_shared>>)
            tpu.yield
          }) : () -> ()
          %add3A_72 = arith.constant 2 : i32
          %add3A_73 = arith.addi %mul3A_62, %add3A_72 : i32
          %dma_start3A_74 = arith.constant 0 : i32
          %dma_start3A_75 = tpu.memref_slice %arg9[%add3A_73, %dma_start3A_74] : memref<40x128xi32, #tpu.memory_space<vmem>> -> memref<1x128xi32, #tpu.memory_space<vmem>>
          %dma_start3A_76 = tpu.memref_squeeze %dma_start3A_75 : memref<1x128xi32, #tpu.memory_space<vmem>> -> memref<128xi32, #tpu.memory_space<vmem>>
          %dma_start3A_77 = arith.constant 0 : i32
          %dma_start3A_78 = arith.constant 0 : i32
          %dma_start3A_79 = tpu.memref_slice %arg2[%dma_start3A_77, %dma_start3A_78] : memref<10240x128xf32, #tpu.memory_space<hbm>> -> memref<10240x128xf32, #tpu.memory_space<hbm>>
          tpu.enqueue_indirect_dma source(%dma_start3A_79 : memref<10240x128xf32, #tpu.memory_space<hbm>>) target(%arg11 : memref<128x128xf32, #tpu.memory_space<vmem>>) offsets(%dma_start3A_76 : memref<128xi32, #tpu.memory_space<vmem>>) semaphore(%arg14 : memref<!tpu.dma_semaphore, #tpu.memory_space<semaphore_mem>>)
          %dma_wait3A_80 = arith.constant 0 : i32
          %dma_wait3A_81 = tpu.memref_slice %arg9[%add3A_65, %dma_wait3A_80] : memref<40x128xi32, #tpu.memory_space<vmem>> -> memref<1x128xi32, #tpu.memory_space<vmem>>
          %dma_wait3A_82 = tpu.memref_squeeze %dma_wait3A_81 : memref<1x128xi32, #tpu.memory_space<vmem>> -> memref<128xi32, #tpu.memory_space<vmem>>
          %dma_wait3A_83 = arith.constant 0 : i32
          %dma_wait3A_84 = arith.constant 0 : i32
          %dma_wait3A_85 = tpu.memref_slice %arg2[%dma_wait3A_83, %dma_wait3A_84] : memref<10240x128xf32, #tpu.memory_space<hbm>> -> memref<10240x128xf32, #tpu.memory_space<hbm>>
          tpu.wait_indirect_dma semaphore(%arg15 : memref<!tpu.dma_semaphore, #tpu.memory_space<semaphore_mem>>) src(%dma_wait3A_85 : memref<10240x128xf32, #tpu.memory_space<hbm>>) dst(%arg12 : memref<128x128xf32, #tpu.memory_space<vmem>>)
          "tpu.region"() ({
            %run_scoped3A_94 = tpu.sem_alloc : memref<!tpu.dma_semaphore, #tpu.memory_space<semaphore_mem>>
            %dma_start3A_95 = arith.constant 0 : i32
            %dma_start3A_96 = tpu.memref_slice %arg10[%add3A_65, %dma_start3A_95] : memref<40x128xi32, #tpu.memory_space<vmem>> -> memref<1x128xi32, #tpu.memory_space<vmem>>
            %dma_start3A_97 = tpu.memref_squeeze %dma_start3A_96 : memref<1x128xi32, #tpu.memory_space<vmem>> -> memref<128xi32, #tpu.memory_space<vmem>>
            %dma_start3A_98 = arith.constant 0 : i32
            %dma_start3A_99 = arith.constant 0 : i32
            %dma_start3A_100 = tpu.memref_slice %arg13[%dma_start3A_98, %dma_start3A_99] : memref<10240x128xf32, #tpu.memory_space<vmem_shared>> -> memref<10240x128xf32, #tpu.memory_space<vmem_shared>>
            tpu.enqueue_indirect_dma source(%arg12 : memref<128x128xf32, #tpu.memory_space<vmem>>) target(%dma_start3A_100 : memref<10240x128xf32, #tpu.memory_space<vmem_shared>>) offsets(%dma_start3A_97 : memref<128xi32, #tpu.memory_space<vmem>>) semaphore(%run_scoped3A_94 : memref<!tpu.dma_semaphore, #tpu.memory_space<semaphore_mem>>) {add = true}
            %dma_wait3A_101 = arith.constant 0 : i32
            %dma_wait3A_102 = tpu.memref_slice %arg10[%add3A_65, %dma_wait3A_101] : memref<40x128xi32, #tpu.memory_space<vmem>> -> memref<1x128xi32, #tpu.memory_space<vmem>>
            %dma_wait3A_103 = tpu.memref_squeeze %dma_wait3A_102 : memref<1x128xi32, #tpu.memory_space<vmem>> -> memref<128xi32, #tpu.memory_space<vmem>>
            %dma_wait3A_104 = arith.constant 0 : i32
            %dma_wait3A_105 = arith.constant 0 : i32
            %dma_wait3A_106 = tpu.memref_slice %arg13[%dma_wait3A_104, %dma_wait3A_105] : memref<10240x128xf32, #tpu.memory_space<vmem_shared>> -> memref<10240x128xf32, #tpu.memory_space<vmem_shared>>
            tpu.wait_indirect_dma semaphore(%run_scoped3A_94 : memref<!tpu.dma_semaphore, #tpu.memory_space<semaphore_mem>>) src(%arg12 : memref<128x128xf32, #tpu.memory_space<vmem>>) dst(%dma_wait3A_106 : memref<10240x128xf32, #tpu.memory_space<vmem_shared>>)
            tpu.yield
          }) : () -> ()
          %add3A_86 = arith.constant 2 : i32
          %add3A_87 = arith.addi %add3A_65, %add3A_86 : i32
          %dma_start3A_88 = arith.constant 0 : i32
          %dma_start3A_89 = tpu.memref_slice %arg9[%add3A_87, %dma_start3A_88] : memref<40x128xi32, #tpu.memory_space<vmem>> -> memref<1x128xi32, #tpu.memory_space<vmem>>
          %dma_start3A_90 = tpu.memref_squeeze %dma_start3A_89 : memref<1x128xi32, #tpu.memory_space<vmem>> -> memref<128xi32, #tpu.memory_space<vmem>>
          %dma_start3A_91 = arith.constant 0 : i32
          %dma_start3A_92 = arith.constant 0 : i32
          %dma_start3A_93 = tpu.memref_slice %arg2[%dma_start3A_91, %dma_start3A_92] : memref<10240x128xf32, #tpu.memory_space<hbm>> -> memref<10240x128xf32, #tpu.memory_space<hbm>>
          tpu.enqueue_indirect_dma source(%dma_start3A_93 : memref<10240x128xf32, #tpu.memory_space<hbm>>) target(%arg12 : memref<128x128xf32, #tpu.memory_space<vmem>>) offsets(%dma_start3A_90 : memref<128xi32, #tpu.memory_space<vmem>>) semaphore(%arg15 : memref<!tpu.dma_semaphore, #tpu.memory_space<semaphore_mem>>)
        }
        %scan3A_45 = arith.constant 19 : i32
        %dma_wait3A = arith.constant 38 : i32
        %dma_wait3A_46 = arith.constant 0 : i32
        %dma_wait3A_47 = tpu.memref_slice %arg9[%dma_wait3A, %dma_wait3A_46] : memref<40x128xi32, #tpu.memory_space<vmem>> -> memref<1x128xi32, #tpu.memory_space<vmem>>
        %dma_wait3A_48 = tpu.memref_squeeze %dma_wait3A_47 : memref<1x128xi32, #tpu.memory_space<vmem>> -> memref<128xi32, #tpu.memory_space<vmem>>
        %dma_wait3A_49 = arith.constant 0 : i32
        %dma_wait3A_50 = arith.constant 0 : i32
        %dma_wait3A_51 = tpu.memref_slice %arg2[%dma_wait3A_49, %dma_wait3A_50] : memref<10240x128xf32, #tpu.memory_space<hbm>> -> memref<10240x128xf32, #tpu.memory_space<hbm>>
        tpu.wait_indirect_dma semaphore(%arg14 : memref<!tpu.dma_semaphore, #tpu.memory_space<semaphore_mem>>) src(%dma_wait3A_51 : memref<10240x128xf32, #tpu.memory_space<hbm>>) dst(%arg11 : memref<128x128xf32, #tpu.memory_space<vmem>>)
        %run_scoped3A = arith.constant 38 : i32
        "tpu.region"() ({
          %run_scoped3A_60 = tpu.sem_alloc : memref<!tpu.dma_semaphore, #tpu.memory_space<semaphore_mem>>
          %dma_start3A_61 = arith.constant 0 : i32
          %dma_start3A_62 = tpu.memref_slice %arg10[%run_scoped3A, %dma_start3A_61] : memref<40x128xi32, #tpu.memory_space<vmem>> -> memref<1x128xi32, #tpu.memory_space<vmem>>
          %dma_start3A_63 = tpu.memref_squeeze %dma_start3A_62 : memref<1x128xi32, #tpu.memory_space<vmem>> -> memref<128xi32, #tpu.memory_space<vmem>>
          %dma_start3A_64 = arith.constant 0 : i32
          %dma_start3A_65 = arith.constant 0 : i32
          %dma_start3A_66 = tpu.memref_slice %arg13[%dma_start3A_64, %dma_start3A_65] : memref<10240x128xf32, #tpu.memory_space<vmem_shared>> -> memref<10240x128xf32, #tpu.memory_space<vmem_shared>>
          tpu.enqueue_indirect_dma source(%arg11 : memref<128x128xf32, #tpu.memory_space<vmem>>) target(%dma_start3A_66 : memref<10240x128xf32, #tpu.memory_space<vmem_shared>>) offsets(%dma_start3A_63 : memref<128xi32, #tpu.memory_space<vmem>>) semaphore(%run_scoped3A_60 : memref<!tpu.dma_semaphore, #tpu.memory_space<semaphore_mem>>) {add = true}
          %dma_wait3A_67 = arith.constant 0 : i32
          %dma_wait3A_68 = tpu.memref_slice %arg10[%run_scoped3A, %dma_wait3A_67] : memref<40x128xi32, #tpu.memory_space<vmem>> -> memref<1x128xi32, #tpu.memory_space<vmem>>
          %dma_wait3A_69 = tpu.memref_squeeze %dma_wait3A_68 : memref<1x128xi32, #tpu.memory_space<vmem>> -> memref<128xi32, #tpu.memory_space<vmem>>
          %dma_wait3A_70 = arith.constant 0 : i32
          %dma_wait3A_71 = arith.constant 0 : i32
          %dma_wait3A_72 = tpu.memref_slice %arg13[%dma_wait3A_70, %dma_wait3A_71] : memref<10240x128xf32, #tpu.memory_space<vmem_shared>> -> memref<10240x128xf32, #tpu.memory_space<vmem_shared>>
          tpu.wait_indirect_dma semaphore(%run_scoped3A_60 : memref<!tpu.dma_semaphore, #tpu.memory_space<semaphore_mem>>) src(%arg11 : memref<128x128xf32, #tpu.memory_space<vmem>>) dst(%dma_wait3A_72 : memref<10240x128xf32, #tpu.memory_space<vmem_shared>>)
          tpu.yield
        }) : () -> ()
        %dma_wait3A_52 = arith.constant 39 : i32
        %dma_wait3A_53 = arith.constant 0 : i32
        %dma_wait3A_54 = tpu.memref_slice %arg9[%dma_wait3A_52, %dma_wait3A_53] : memref<40x128xi32, #tpu.memory_space<vmem>> -> memref<1x128xi32, #tpu.memory_space<vmem>>
        %dma_wait3A_55 = tpu.memref_squeeze %dma_wait3A_54 : memref<1x128xi32, #tpu.memory_space<vmem>> -> memref<128xi32, #tpu.memory_space<vmem>>
        %dma_wait3A_56 = arith.constant 0 : i32
        %dma_wait3A_57 = arith.constant 0 : i32
        %dma_wait3A_58 = tpu.memref_slice %arg2[%dma_wait3A_56, %dma_wait3A_57] : memref<10240x128xf32, #tpu.memory_space<hbm>> -> memref<10240x128xf32, #tpu.memory_space<hbm>>
        tpu.wait_indirect_dma semaphore(%arg15 : memref<!tpu.dma_semaphore, #tpu.memory_space<semaphore_mem>>) src(%dma_wait3A_58 : memref<10240x128xf32, #tpu.memory_space<hbm>>) dst(%arg12 : memref<128x128xf32, #tpu.memory_space<vmem>>)
        %run_scoped3A_59 = arith.constant 39 : i32
        "tpu.region"() ({
          %run_scoped3A_60 = tpu.sem_alloc : memref<!tpu.dma_semaphore, #tpu.memory_space<semaphore_mem>>
          %dma_start3A_61 = arith.constant 0 : i32
          %dma_start3A_62 = tpu.memref_slice %arg10[%run_scoped3A_59, %dma_start3A_61] : memref<40x128xi32, #tpu.memory_space<vmem>> -> memref<1x128xi32, #tpu.memory_space<vmem>>
          %dma_start3A_63 = tpu.memref_squeeze %dma_start3A_62 : memref<1x128xi32, #tpu.memory_space<vmem>> -> memref<128xi32, #tpu.memory_space<vmem>>
          %dma_start3A_64 = arith.constant 0 : i32
          %dma_start3A_65 = arith.constant 0 : i32
          %dma_start3A_66 = tpu.memref_slice %arg13[%dma_start3A_64, %dma_start3A_65] : memref<10240x128xf32, #tpu.memory_space<vmem_shared>> -> memref<10240x128xf32, #tpu.memory_space<vmem_shared>>
          tpu.enqueue_indirect_dma source(%arg12 : memref<128x128xf32, #tpu.memory_space<vmem>>) target(%dma_start3A_66 : memref<10240x128xf32, #tpu.memory_space<vmem_shared>>) offsets(%dma_start3A_63 : memref<128xi32, #tpu.memory_space<vmem>>) semaphore(%run_scoped3A_60 : memref<!tpu.dma_semaphore, #tpu.memory_space<semaphore_mem>>) {add = true}
          %dma_wait3A_67 = arith.constant 0 : i32
          %dma_wait3A_68 = tpu.memref_slice %arg10[%run_scoped3A_59, %dma_wait3A_67] : memref<40x128xi32, #tpu.memory_space<vmem>> -> memref<1x128xi32, #tpu.memory_space<vmem>>
          %dma_wait3A_69 = tpu.memref_squeeze %dma_wait3A_68 : memref<1x128xi32, #tpu.memory_space<vmem>> -> memref<128xi32, #tpu.memory_space<vmem>>
          %dma_wait3A_70 = arith.constant 0 : i32
          %dma_wait3A_71 = arith.constant 0 : i32
          %dma_wait3A_72 = tpu.memref_slice %arg13[%dma_wait3A_70, %dma_wait3A_71] : memref<10240x128xf32, #tpu.memory_space<vmem_shared>> -> memref<10240x128xf32, #tpu.memory_space<vmem_shared>>
          tpu.wait_indirect_dma semaphore(%run_scoped3A_60 : memref<!tpu.dma_semaphore, #tpu.memory_space<semaphore_mem>>) src(%arg12 : memref<128x128xf32, #tpu.memory_space<vmem>>) dst(%dma_wait3A_72 : memref<10240x128xf32, #tpu.memory_space<vmem_shared>>)
          tpu.yield
        }) : () -> ()
      }
      %scan3A_25 = arith.constant 2 : i32
    } else {
    }
    %eq3A_5 = arith.constant 1 : i32
    %eq3A_6 = arith.cmpi eq, %arg0, %eq3A_5 : i32
    %convert_element_type3A_7 = arith.extui %eq3A_6 : i1 to i32
    %cond3A_8 = arith.constant 0 : i32
    %cond3A_9 = arith.cmpi ne, %convert_element_type3A_7, %cond3A_8 : i32
    scf.if %cond3A_9 {
      %scan3A = arith.constant 0 : i32
      %scan3A_21 = arith.constant 0 : i32
      %scan3A_22 = arith.constant 2 : i32
      %scan3A_23 = arith.addi %scan3A_21, %scan3A_22 : i32
      %scan3A_24 = arith.constant 1 : i32
      scf.for %scan3A_26 = %scan3A_21 to %scan3A_23 step %scan3A_24  : i32 {
        "tpu.region"() ({
          %run_scoped3A_60 = tpu.sem_alloc : memref<!tpu.dma_semaphore, #tpu.memory_space<semaphore_mem>>
          %dma_start3A_61 = arith.constant 0 : i32
          %dma_start3A_62 = arith.constant 0 : i32
          %dma_start3A_63 = tpu.memref_slice %arg4[%arg1, %scan3A_26, %dma_start3A_61, %dma_start3A_62] : memref<16x2x40x128xi32, #tpu.memory_space<hbm>> -> memref<1x1x40x128xi32, #tpu.memory_space<hbm>>
          %dma_start3A_64 = tpu.memref_squeeze %dma_start3A_63 : memref<1x1x40x128xi32, #tpu.memory_space<hbm>> -> memref<40x128xi32, #tpu.memory_space<hbm>>
          %dma_start3A_65 = arith.constant 0 : i32
          %dma_start3A_66 = arith.constant 0 : i32
          %dma_start3A_67 = tpu.memref_slice %arg4[%arg1, %scan3A_26, %dma_start3A_65, %dma_start3A_66] : memref<16x2x40x128xi32, #tpu.memory_space<hbm>> -> memref<1x1x40x128xi32, #tpu.memory_space<hbm>>
          %dma_start3A_68 = tpu.memref_squeeze %dma_start3A_67 : memref<1x1x40x128xi32, #tpu.memory_space<hbm>> -> memref<40x128xi32, #tpu.memory_space<hbm>>
          tpu.enqueue_dma source(%dma_start3A_68 : memref<40x128xi32, #tpu.memory_space<hbm>>) target(%arg9 : memref<40x128xi32, #tpu.memory_space<vmem>>) target_semaphore(%run_scoped3A_60 : memref<!tpu.dma_semaphore, #tpu.memory_space<semaphore_mem>>)
          %dma_wait3A_69 = arith.constant 0 : i32
          %dma_wait3A_70 = arith.constant 0 : i32
          %dma_wait3A_71 = tpu.memref_slice %arg4[%arg1, %scan3A_26, %dma_wait3A_69, %dma_wait3A_70] : memref<16x2x40x128xi32, #tpu.memory_space<hbm>> -> memref<1x1x40x128xi32, #tpu.memory_space<hbm>>
          %dma_wait3A_72 = tpu.memref_squeeze %dma_wait3A_71 : memref<1x1x40x128xi32, #tpu.memory_space<hbm>> -> memref<40x128xi32, #tpu.memory_space<hbm>>
          %dma_wait3A_73 = arith.constant 0 : i32
          %dma_wait3A_74 = arith.constant 0 : i32
          %dma_wait3A_75 = tpu.memref_slice %arg4[%arg1, %scan3A_26, %dma_wait3A_73, %dma_wait3A_74] : memref<16x2x40x128xi32, #tpu.memory_space<hbm>> -> memref<1x1x40x128xi32, #tpu.memory_space<hbm>>
          %dma_wait3A_76 = tpu.memref_squeeze %dma_wait3A_75 : memref<1x1x40x128xi32, #tpu.memory_space<hbm>> -> memref<40x128xi32, #tpu.memory_space<hbm>>
          tpu.wait_dma2 semaphore(%run_scoped3A_60 : memref<!tpu.dma_semaphore, #tpu.memory_space<semaphore_mem>>) src(%dma_wait3A_76 : memref<40x128xi32, #tpu.memory_space<hbm>>) dst(%arg9 : memref<40x128xi32, #tpu.memory_space<vmem>>)
          tpu.yield
        }) : () -> ()
        "tpu.region"() ({
          %run_scoped3A_60 = tpu.sem_alloc : memref<!tpu.dma_semaphore, #tpu.memory_space<semaphore_mem>>
          %dma_start3A_61 = arith.constant 0 : i32
          %dma_start3A_62 = arith.constant 0 : i32
          %dma_start3A_63 = tpu.memref_slice %arg5[%arg1, %scan3A_26, %dma_start3A_61, %dma_start3A_62] : memref<16x2x40x128xi32, #tpu.memory_space<hbm>> -> memref<1x1x40x128xi32, #tpu.memory_space<hbm>>
          %dma_start3A_64 = tpu.memref_squeeze %dma_start3A_63 : memref<1x1x40x128xi32, #tpu.memory_space<hbm>> -> memref<40x128xi32, #tpu.memory_space<hbm>>
          %dma_start3A_65 = arith.constant 0 : i32
          %dma_start3A_66 = arith.constant 0 : i32
          %dma_start3A_67 = tpu.memref_slice %arg5[%arg1, %scan3A_26, %dma_start3A_65, %dma_start3A_66] : memref<16x2x40x128xi32, #tpu.memory_space<hbm>> -> memref<1x1x40x128xi32, #tpu.memory_space<hbm>>
          %dma_start3A_68 = tpu.memref_squeeze %dma_start3A_67 : memref<1x1x40x128xi32, #tpu.memory_space<hbm>> -> memref<40x128xi32, #tpu.memory_space<hbm>>
          tpu.enqueue_dma source(%dma_start3A_68 : memref<40x128xi32, #tpu.memory_space<hbm>>) target(%arg10 : memref<40x128xi32, #tpu.memory_space<vmem>>) target_semaphore(%run_scoped3A_60 : memref<!tpu.dma_semaphore, #tpu.memory_space<semaphore_mem>>)
          %dma_wait3A_69 = arith.constant 0 : i32
          %dma_wait3A_70 = arith.constant 0 : i32
          %dma_wait3A_71 = tpu.memref_slice %arg5[%arg1, %scan3A_26, %dma_wait3A_69, %dma_wait3A_70] : memref<16x2x40x128xi32, #tpu.memory_space<hbm>> -> memref<1x1x40x128xi32, #tpu.memory_space<hbm>>
          %dma_wait3A_72 = tpu.memref_squeeze %dma_wait3A_71 : memref<1x1x40x128xi32, #tpu.memory_space<hbm>> -> memref<40x128xi32, #tpu.memory_space<hbm>>
          %dma_wait3A_73 = arith.constant 0 : i32
          %dma_wait3A_74 = arith.constant 0 : i32
          %dma_wait3A_75 = tpu.memref_slice %arg5[%arg1, %scan3A_26, %dma_wait3A_73, %dma_wait3A_74] : memref<16x2x40x128xi32, #tpu.memory_space<hbm>> -> memref<1x1x40x128xi32, #tpu.memory_space<hbm>>
          %dma_wait3A_76 = tpu.memref_squeeze %dma_wait3A_75 : memref<1x1x40x128xi32, #tpu.memory_space<hbm>> -> memref<40x128xi32, #tpu.memory_space<hbm>>
          tpu.wait_dma2 semaphore(%run_scoped3A_60 : memref<!tpu.dma_semaphore, #tpu.memory_space<semaphore_mem>>) src(%dma_wait3A_76 : memref<40x128xi32, #tpu.memory_space<hbm>>) dst(%arg10 : memref<40x128xi32, #tpu.memory_space<vmem>>)
          tpu.yield
        }) : () -> ()
        %dma_start3A = arith.constant 0 : i32
        %dma_start3A_27 = arith.constant 0 : i32
        %dma_start3A_28 = tpu.memref_slice %arg9[%dma_start3A, %dma_start3A_27] : memref<40x128xi32, #tpu.memory_space<vmem>> -> memref<1x128xi32, #tpu.memory_space<vmem>>
        %dma_start3A_29 = tpu.memref_squeeze %dma_start3A_28 : memref<1x128xi32, #tpu.memory_space<vmem>> -> memref<128xi32, #tpu.memory_space<vmem>>
        %dma_start3A_30 = arith.constant 0 : i32
        %dma_start3A_31 = arith.constant 0 : i32
        %dma_start3A_32 = tpu.memref_slice %arg3[%dma_start3A_30, %dma_start3A_31] : memref<10240x128xf32, #tpu.memory_space<hbm>> -> memref<10240x128xf32, #tpu.memory_space<hbm>>
        tpu.enqueue_indirect_dma source(%dma_start3A_32 : memref<10240x128xf32, #tpu.memory_space<hbm>>) target(%arg11 : memref<128x128xf32, #tpu.memory_space<vmem>>) offsets(%dma_start3A_29 : memref<128xi32, #tpu.memory_space<vmem>>) semaphore(%arg14 : memref<!tpu.dma_semaphore, #tpu.memory_space<semaphore_mem>>)
        %dma_start3A_33 = arith.constant 1 : i32
        %dma_start3A_34 = arith.constant 0 : i32
        %dma_start3A_35 = tpu.memref_slice %arg9[%dma_start3A_33, %dma_start3A_34] : memref<40x128xi32, #tpu.memory_space<vmem>> -> memref<1x128xi32, #tpu.memory_space<vmem>>
        %dma_start3A_36 = tpu.memref_squeeze %dma_start3A_35 : memref<1x128xi32, #tpu.memory_space<vmem>> -> memref<128xi32, #tpu.memory_space<vmem>>
        %dma_start3A_37 = arith.constant 0 : i32
        %dma_start3A_38 = arith.constant 0 : i32
        %dma_start3A_39 = tpu.memref_slice %arg3[%dma_start3A_37, %dma_start3A_38] : memref<10240x128xf32, #tpu.memory_space<hbm>> -> memref<10240x128xf32, #tpu.memory_space<hbm>>
        tpu.enqueue_indirect_dma source(%dma_start3A_39 : memref<10240x128xf32, #tpu.memory_space<hbm>>) target(%arg12 : memref<128x128xf32, #tpu.memory_space<vmem>>) offsets(%dma_start3A_36 : memref<128xi32, #tpu.memory_space<vmem>>) semaphore(%arg15 : memref<!tpu.dma_semaphore, #tpu.memory_space<semaphore_mem>>)
        %scan3A_40 = arith.constant 0 : i32
        %scan3A_41 = arith.constant 0 : i32
        %scan3A_42 = arith.constant 19 : i32
        %scan3A_43 = arith.addi %scan3A_41, %scan3A_42 : i32
        %scan3A_44 = arith.constant 1 : i32
        scf.for %scan3A_60 = %scan3A_41 to %scan3A_43 step %scan3A_44  : i32 {
          %mul3A_61 = arith.constant 2 : i32
          %mul3A_62 = arith.muli %mul3A_61, %scan3A_60 : i32
          %mul3A_63 = arith.constant 2 : i32
          %mul3A_64 = arith.muli %mul3A_63, %scan3A_60 : i32
          %add3A = arith.constant 1 : i32
          %add3A_65 = arith.addi %mul3A_64, %add3A : i32
          %dma_wait3A_66 = arith.constant 0 : i32
          %dma_wait3A_67 = tpu.memref_slice %arg9[%mul3A_62, %dma_wait3A_66] : memref<40x128xi32, #tpu.memory_space<vmem>> -> memref<1x128xi32, #tpu.memory_space<vmem>>
          %dma_wait3A_68 = tpu.memref_squeeze %dma_wait3A_67 : memref<1x128xi32, #tpu.memory_space<vmem>> -> memref<128xi32, #tpu.memory_space<vmem>>
          %dma_wait3A_69 = arith.constant 0 : i32
          %dma_wait3A_70 = arith.constant 0 : i32
          %dma_wait3A_71 = tpu.memref_slice %arg3[%dma_wait3A_69, %dma_wait3A_70] : memref<10240x128xf32, #tpu.memory_space<hbm>> -> memref<10240x128xf32, #tpu.memory_space<hbm>>
          tpu.wait_indirect_dma semaphore(%arg14 : memref<!tpu.dma_semaphore, #tpu.memory_space<semaphore_mem>>) src(%dma_wait3A_71 : memref<10240x128xf32, #tpu.memory_space<hbm>>) dst(%arg11 : memref<128x128xf32, #tpu.memory_space<vmem>>)
          "tpu.region"() ({
            %run_scoped3A_94 = tpu.sem_alloc : memref<!tpu.dma_semaphore, #tpu.memory_space<semaphore_mem>>
            %dma_start3A_95 = arith.constant 0 : i32
            %dma_start3A_96 = tpu.memref_slice %arg10[%mul3A_62, %dma_start3A_95] : memref<40x128xi32, #tpu.memory_space<vmem>> -> memref<1x128xi32, #tpu.memory_space<vmem>>
            %dma_start3A_97 = tpu.memref_squeeze %dma_start3A_96 : memref<1x128xi32, #tpu.memory_space<vmem>> -> memref<128xi32, #tpu.memory_space<vmem>>
            %dma_start3A_98 = arith.constant 0 : i32
            %dma_start3A_99 = arith.constant 0 : i32
            %dma_start3A_100 = tpu.memref_slice %arg13[%dma_start3A_98, %dma_start3A_99] : memref<10240x128xf32, #tpu.memory_space<vmem_shared>> -> memref<10240x128xf32, #tpu.memory_space<vmem_shared>>
            tpu.enqueue_indirect_dma source(%arg11 : memref<128x128xf32, #tpu.memory_space<vmem>>) target(%dma_start3A_100 : memref<10240x128xf32, #tpu.memory_space<vmem_shared>>) offsets(%dma_start3A_97 : memref<128xi32, #tpu.memory_space<vmem>>) semaphore(%run_scoped3A_94 : memref<!tpu.dma_semaphore, #tpu.memory_space<semaphore_mem>>) {add = true}
            %dma_wait3A_101 = arith.constant 0 : i32
            %dma_wait3A_102 = tpu.memref_slice %arg10[%mul3A_62, %dma_wait3A_101] : memref<40x128xi32, #tpu.memory_space<vmem>> -> memref<1x128xi32, #tpu.memory_space<vmem>>
            %dma_wait3A_103 = tpu.memref_squeeze %dma_wait3A_102 : memref<1x128xi32, #tpu.memory_space<vmem>> -> memref<128xi32, #tpu.memory_space<vmem>>
            %dma_wait3A_104 = arith.constant 0 : i32
            %dma_wait3A_105 = arith.constant 0 : i32
            %dma_wait3A_106 = tpu.memref_slice %arg13[%dma_wait3A_104, %dma_wait3A_105] : memref<10240x128xf32, #tpu.memory_space<vmem_shared>> -> memref<10240x128xf32, #tpu.memory_space<vmem_shared>>
            tpu.wait_indirect_dma semaphore(%run_scoped3A_94 : memref<!tpu.dma_semaphore, #tpu.memory_space<semaphore_mem>>) src(%arg11 : memref<128x128xf32, #tpu.memory_space<vmem>>) dst(%dma_wait3A_106 : memref<10240x128xf32, #tpu.memory_space<vmem_shared>>)
            tpu.yield
          }) : () -> ()
          %add3A_72 = arith.constant 2 : i32
          %add3A_73 = arith.addi %mul3A_62, %add3A_72 : i32
          %dma_start3A_74 = arith.constant 0 : i32
          %dma_start3A_75 = tpu.memref_slice %arg9[%add3A_73, %dma_start3A_74] : memref<40x128xi32, #tpu.memory_space<vmem>> -> memref<1x128xi32, #tpu.memory_space<vmem>>
          %dma_start3A_76 = tpu.memref_squeeze %dma_start3A_75 : memref<1x128xi32, #tpu.memory_space<vmem>> -> memref<128xi32, #tpu.memory_space<vmem>>
          %dma_start3A_77 = arith.constant 0 : i32
          %dma_start3A_78 = arith.constant 0 : i32
          %dma_start3A_79 = tpu.memref_slice %arg3[%dma_start3A_77, %dma_start3A_78] : memref<10240x128xf32, #tpu.memory_space<hbm>> -> memref<10240x128xf32, #tpu.memory_space<hbm>>
          tpu.enqueue_indirect_dma source(%dma_start3A_79 : memref<10240x128xf32, #tpu.memory_space<hbm>>) target(%arg11 : memref<128x128xf32, #tpu.memory_space<vmem>>) offsets(%dma_start3A_76 : memref<128xi32, #tpu.memory_space<vmem>>) semaphore(%arg14 : memref<!tpu.dma_semaphore, #tpu.memory_space<semaphore_mem>>)
          %dma_wait3A_80 = arith.constant 0 : i32
          %dma_wait3A_81 = tpu.memref_slice %arg9[%add3A_65, %dma_wait3A_80] : memref<40x128xi32, #tpu.memory_space<vmem>> -> memref<1x128xi32, #tpu.memory_space<vmem>>
          %dma_wait3A_82 = tpu.memref_squeeze %dma_wait3A_81 : memref<1x128xi32, #tpu.memory_space<vmem>> -> memref<128xi32, #tpu.memory_space<vmem>>
          %dma_wait3A_83 = arith.constant 0 : i32
          %dma_wait3A_84 = arith.constant 0 : i32
          %dma_wait3A_85 = tpu.memref_slice %arg3[%dma_wait3A_83, %dma_wait3A_84] : memref<10240x128xf32, #tpu.memory_space<hbm>> -> memref<10240x128xf32, #tpu.memory_space<hbm>>
          tpu.wait_indirect_dma semaphore(%arg15 : memref<!tpu.dma_semaphore, #tpu.memory_space<semaphore_mem>>) src(%dma_wait3A_85 : memref<10240x128xf32, #tpu.memory_space<hbm>>) dst(%arg12 : memref<128x128xf32, #tpu.memory_space<vmem>>)
          "tpu.region"() ({
            %run_scoped3A_94 = tpu.sem_alloc : memref<!tpu.dma_semaphore, #tpu.memory_space<semaphore_mem>>
            %dma_start3A_95 = arith.constant 0 : i32
            %dma_start3A_96 = tpu.memref_slice %arg10[%add3A_65, %dma_start3A_95] : memref<40x128xi32, #tpu.memory_space<vmem>> -> memref<1x128xi32, #tpu.memory_space<vmem>>
            %dma_start3A_97 = tpu.memref_squeeze %dma_start3A_96 : memref<1x128xi32, #tpu.memory_space<vmem>> -> memref<128xi32, #tpu.memory_space<vmem>>
            %dma_start3A_98 = arith.constant 0 : i32
            %dma_start3A_99 = arith.constant 0 : i32
            %dma_start3A_100 = tpu.memref_slice %arg13[%dma_start3A_98, %dma_start3A_99] : memref<10240x128xf32, #tpu.memory_space<vmem_shared>> -> memref<10240x128xf32, #tpu.memory_space<vmem_shared>>
            tpu.enqueue_indirect_dma source(%arg12 : memref<128x128xf32, #tpu.memory_space<vmem>>) target(%dma_start3A_100 : memref<10240x128xf32, #tpu.memory_space<vmem_shared>>) offsets(%dma_start3A_97 : memref<128xi32, #tpu.memory_space<vmem>>) semaphore(%run_scoped3A_94 : memref<!tpu.dma_semaphore, #tpu.memory_space<semaphore_mem>>) {add = true}
            %dma_wait3A_101 = arith.constant 0 : i32
            %dma_wait3A_102 = tpu.memref_slice %arg10[%add3A_65, %dma_wait3A_101] : memref<40x128xi32, #tpu.memory_space<vmem>> -> memref<1x128xi32, #tpu.memory_space<vmem>>
            %dma_wait3A_103 = tpu.memref_squeeze %dma_wait3A_102 : memref<1x128xi32, #tpu.memory_space<vmem>> -> memref<128xi32, #tpu.memory_space<vmem>>
            %dma_wait3A_104 = arith.constant 0 : i32
            %dma_wait3A_105 = arith.constant 0 : i32
            %dma_wait3A_106 = tpu.memref_slice %arg13[%dma_wait3A_104, %dma_wait3A_105] : memref<10240x128xf32, #tpu.memory_space<vmem_shared>> -> memref<10240x128xf32, #tpu.memory_space<vmem_shared>>
            tpu.wait_indirect_dma semaphore(%run_scoped3A_94 : memref<!tpu.dma_semaphore, #tpu.memory_space<semaphore_mem>>) src(%arg12 : memref<128x128xf32, #tpu.memory_space<vmem>>) dst(%dma_wait3A_106 : memref<10240x128xf32, #tpu.memory_space<vmem_shared>>)
            tpu.yield
          }) : () -> ()
          %add3A_86 = arith.constant 2 : i32
          %add3A_87 = arith.addi %add3A_65, %add3A_86 : i32
          %dma_start3A_88 = arith.constant 0 : i32
          %dma_start3A_89 = tpu.memref_slice %arg9[%add3A_87, %dma_start3A_88] : memref<40x128xi32, #tpu.memory_space<vmem>> -> memref<1x128xi32, #tpu.memory_space<vmem>>
          %dma_start3A_90 = tpu.memref_squeeze %dma_start3A_89 : memref<1x128xi32, #tpu.memory_space<vmem>> -> memref<128xi32, #tpu.memory_space<vmem>>
          %dma_start3A_91 = arith.constant 0 : i32
          %dma_start3A_92 = arith.constant 0 : i32
          %dma_start3A_93 = tpu.memref_slice %arg3[%dma_start3A_91, %dma_start3A_92] : memref<10240x128xf32, #tpu.memory_space<hbm>> -> memref<10240x128xf32, #tpu.memory_space<hbm>>
          tpu.enqueue_indirect_dma source(%dma_start3A_93 : memref<10240x128xf32, #tpu.memory_space<hbm>>) target(%arg12 : memref<128x128xf32, #tpu.memory_space<vmem>>) offsets(%dma_start3A_90 : memref<128xi32, #tpu.memory_space<vmem>>) semaphore(%arg15 : memref<!tpu.dma_semaphore, #tpu.memory_space<semaphore_mem>>)
        }
        %scan3A_45 = arith.constant 19 : i32
        %dma_wait3A = arith.constant 38 : i32
        %dma_wait3A_46 = arith.constant 0 : i32
        %dma_wait3A_47 = tpu.memref_slice %arg9[%dma_wait3A, %dma_wait3A_46] : memref<40x128xi32, #tpu.memory_space<vmem>> -> memref<1x128xi32, #tpu.memory_space<vmem>>
        %dma_wait3A_48 = tpu.memref_squeeze %dma_wait3A_47 : memref<1x128xi32, #tpu.memory_space<vmem>> -> memref<128xi32, #tpu.memory_space<vmem>>
        %dma_wait3A_49 = arith.constant 0 : i32
        %dma_wait3A_50 = arith.constant 0 : i32
        %dma_wait3A_51 = tpu.memref_slice %arg3[%dma_wait3A_49, %dma_wait3A_50] : memref<10240x128xf32, #tpu.memory_space<hbm>> -> memref<10240x128xf32, #tpu.memory_space<hbm>>
        tpu.wait_indirect_dma semaphore(%arg14 : memref<!tpu.dma_semaphore, #tpu.memory_space<semaphore_mem>>) src(%dma_wait3A_51 : memref<10240x128xf32, #tpu.memory_space<hbm>>) dst(%arg11 : memref<128x128xf32, #tpu.memory_space<vmem>>)
        %run_scoped3A = arith.constant 38 : i32
        "tpu.region"() ({
          %run_scoped3A_60 = tpu.sem_alloc : memref<!tpu.dma_semaphore, #tpu.memory_space<semaphore_mem>>
          %dma_start3A_61 = arith.constant 0 : i32
          %dma_start3A_62 = tpu.memref_slice %arg10[%run_scoped3A, %dma_start3A_61] : memref<40x128xi32, #tpu.memory_space<vmem>> -> memref<1x128xi32, #tpu.memory_space<vmem>>
          %dma_start3A_63 = tpu.memref_squeeze %dma_start3A_62 : memref<1x128xi32, #tpu.memory_space<vmem>> -> memref<128xi32, #tpu.memory_space<vmem>>
          %dma_start3A_64 = arith.constant 0 : i32
          %dma_start3A_65 = arith.constant 0 : i32
          %dma_start3A_66 = tpu.memref_slice %arg13[%dma_start3A_64, %dma_start3A_65] : memref<10240x128xf32, #tpu.memory_space<vmem_shared>> -> memref<10240x128xf32, #tpu.memory_space<vmem_shared>>
          tpu.enqueue_indirect_dma source(%arg11 : memref<128x128xf32, #tpu.memory_space<vmem>>) target(%dma_start3A_66 : memref<10240x128xf32, #tpu.memory_space<vmem_shared>>) offsets(%dma_start3A_63 : memref<128xi32, #tpu.memory_space<vmem>>) semaphore(%run_scoped3A_60 : memref<!tpu.dma_semaphore, #tpu.memory_space<semaphore_mem>>) {add = true}
          %dma_wait3A_67 = arith.constant 0 : i32
          %dma_wait3A_68 = tpu.memref_slice %arg10[%run_scoped3A, %dma_wait3A_67] : memref<40x128xi32, #tpu.memory_space<vmem>> -> memref<1x128xi32, #tpu.memory_space<vmem>>
          %dma_wait3A_69 = tpu.memref_squeeze %dma_wait3A_68 : memref<1x128xi32, #tpu.memory_space<vmem>> -> memref<128xi32, #tpu.memory_space<vmem>>
          %dma_wait3A_70 = arith.constant 0 : i32
          %dma_wait3A_71 = arith.constant 0 : i32
          %dma_wait3A_72 = tpu.memref_slice %arg13[%dma_wait3A_70, %dma_wait3A_71] : memref<10240x128xf32, #tpu.memory_space<vmem_shared>> -> memref<10240x128xf32, #tpu.memory_space<vmem_shared>>
          tpu.wait_indirect_dma semaphore(%run_scoped3A_60 : memref<!tpu.dma_semaphore, #tpu.memory_space<semaphore_mem>>) src(%arg11 : memref<128x128xf32, #tpu.memory_space<vmem>>) dst(%dma_wait3A_72 : memref<10240x128xf32, #tpu.memory_space<vmem_shared>>)
          tpu.yield
        }) : () -> ()
        %dma_wait3A_52 = arith.constant 39 : i32
        %dma_wait3A_53 = arith.constant 0 : i32
        %dma_wait3A_54 = tpu.memref_slice %arg9[%dma_wait3A_52, %dma_wait3A_53] : memref<40x128xi32, #tpu.memory_space<vmem>> -> memref<1x128xi32, #tpu.memory_space<vmem>>
        %dma_wait3A_55 = tpu.memref_squeeze %dma_wait3A_54 : memref<1x128xi32, #tpu.memory_space<vmem>> -> memref<128xi32, #tpu.memory_space<vmem>>
        %dma_wait3A_56 = arith.constant 0 : i32
        %dma_wait3A_57 = arith.constant 0 : i32
        %dma_wait3A_58 = tpu.memref_slice %arg3[%dma_wait3A_56, %dma_wait3A_57] : memref<10240x128xf32, #tpu.memory_space<hbm>> -> memref<10240x128xf32, #tpu.memory_space<hbm>>
        tpu.wait_indirect_dma semaphore(%arg15 : memref<!tpu.dma_semaphore, #tpu.memory_space<semaphore_mem>>) src(%dma_wait3A_58 : memref<10240x128xf32, #tpu.memory_space<hbm>>) dst(%arg12 : memref<128x128xf32, #tpu.memory_space<vmem>>)
        %run_scoped3A_59 = arith.constant 39 : i32
        "tpu.region"() ({
          %run_scoped3A_60 = tpu.sem_alloc : memref<!tpu.dma_semaphore, #tpu.memory_space<semaphore_mem>>
          %dma_start3A_61 = arith.constant 0 : i32
          %dma_start3A_62 = tpu.memref_slice %arg10[%run_scoped3A_59, %dma_start3A_61] : memref<40x128xi32, #tpu.memory_space<vmem>> -> memref<1x128xi32, #tpu.memory_space<vmem>>
          %dma_start3A_63 = tpu.memref_squeeze %dma_start3A_62 : memref<1x128xi32, #tpu.memory_space<vmem>> -> memref<128xi32, #tpu.memory_space<vmem>>
          %dma_start3A_64 = arith.constant 0 : i32
          %dma_start3A_65 = arith.constant 0 : i32
          %dma_start3A_66 = tpu.memref_slice %arg13[%dma_start3A_64, %dma_start3A_65] : memref<10240x128xf32, #tpu.memory_space<vmem_shared>> -> memref<10240x128xf32, #tpu.memory_space<vmem_shared>>
          tpu.enqueue_indirect_dma source(%arg12 : memref<128x128xf32, #tpu.memory_space<vmem>>) target(%dma_start3A_66 : memref<10240x128xf32, #tpu.memory_space<vmem_shared>>) offsets(%dma_start3A_63 : memref<128xi32, #tpu.memory_space<vmem>>) semaphore(%run_scoped3A_60 : memref<!tpu.dma_semaphore, #tpu.memory_space<semaphore_mem>>) {add = true}
          %dma_wait3A_67 = arith.constant 0 : i32
          %dma_wait3A_68 = tpu.memref_slice %arg10[%run_scoped3A_59, %dma_wait3A_67] : memref<40x128xi32, #tpu.memory_space<vmem>> -> memref<1x128xi32, #tpu.memory_space<vmem>>
          %dma_wait3A_69 = tpu.memref_squeeze %dma_wait3A_68 : memref<1x128xi32, #tpu.memory_space<vmem>> -> memref<128xi32, #tpu.memory_space<vmem>>
          %dma_wait3A_70 = arith.constant 0 : i32
          %dma_wait3A_71 = arith.constant 0 : i32
          %dma_wait3A_72 = tpu.memref_slice %arg13[%dma_wait3A_70, %dma_wait3A_71] : memref<10240x128xf32, #tpu.memory_space<vmem_shared>> -> memref<10240x128xf32, #tpu.memory_space<vmem_shared>>
          tpu.wait_indirect_dma semaphore(%run_scoped3A_60 : memref<!tpu.dma_semaphore, #tpu.memory_space<semaphore_mem>>) src(%arg12 : memref<128x128xf32, #tpu.memory_space<vmem>>) dst(%dma_wait3A_72 : memref<10240x128xf32, #tpu.memory_space<vmem_shared>>)
          tpu.yield
        }) : () -> ()
      }
      %scan3A_25 = arith.constant 2 : i32
    } else {
    }
    %barrier3A_10 = arith.constant 0 : index
    tpu.barrier barrier_id(%barrier3A_10)
    %eq3A_11 = arith.constant 0 : i32
    %eq3A_12 = arith.cmpi eq, %arg0, %eq3A_11 : i32
    %convert_element_type3A_13 = arith.extui %eq3A_12 : i1 to i32
    %cond3A_14 = arith.constant 0 : i32
    %cond3A_15 = arith.cmpi ne, %convert_element_type3A_13, %cond3A_14 : i32
    scf.if %cond3A_15 {
      %mul3A_21 = arith.constant 640 : i32
      %mul3A_22 = arith.muli %arg1, %mul3A_21 : i32
      %mul3A_23 = arith.constant 640 : i32
      %mul3A_24 = arith.muli %arg1, %mul3A_23 : i32
      "tpu.region"() ({
        %run_scoped3A = tpu.sem_alloc : memref<!tpu.dma_semaphore, #tpu.memory_space<semaphore_mem>>
        %dma_start3A = arith.constant 0 : i32
        %dma_start3A_25 = tpu.memref_slice %arg7[%mul3A_24, %dma_start3A] : memref<10240x128xf32, #tpu.memory_space<hbm>> -> memref<640x128xf32, #tpu.memory_space<hbm>>
        %dma_start3A_26 = arith.constant 0 : i32
        %dma_start3A_27 = tpu.memref_slice %arg13[%mul3A_22, %dma_start3A_26] : memref<10240x128xf32, #tpu.memory_space<vmem_shared>> -> memref<640x128xf32, #tpu.memory_space<vmem_shared>>
        tpu.enqueue_dma source(%dma_start3A_27 : memref<640x128xf32, #tpu.memory_space<vmem_shared>>) target(%dma_start3A_25 : memref<640x128xf32, #tpu.memory_space<hbm>>) target_semaphore(%run_scoped3A : memref<!tpu.dma_semaphore, #tpu.memory_space<semaphore_mem>>)
        %dma_wait3A = arith.constant 0 : i32
        %dma_wait3A_28 = tpu.memref_slice %arg7[%mul3A_24, %dma_wait3A] : memref<10240x128xf32, #tpu.memory_space<hbm>> -> memref<640x128xf32, #tpu.memory_space<hbm>>
        %dma_wait3A_29 = arith.constant 0 : i32
        %dma_wait3A_30 = tpu.memref_slice %arg13[%mul3A_22, %dma_wait3A_29] : memref<10240x128xf32, #tpu.memory_space<vmem_shared>> -> memref<640x128xf32, #tpu.memory_space<vmem_shared>>
        tpu.wait_dma2 semaphore(%run_scoped3A : memref<!tpu.dma_semaphore, #tpu.memory_space<semaphore_mem>>) src(%dma_wait3A_30 : memref<640x128xf32, #tpu.memory_space<vmem_shared>>) dst(%dma_wait3A_28 : memref<640x128xf32, #tpu.memory_space<hbm>>)
        tpu.yield
      }) : () -> ()
    } else {
    }
    %eq3A_16 = arith.constant 1 : i32
    %eq3A_17 = arith.cmpi eq, %arg0, %eq3A_16 : i32
    %convert_element_type3A_18 = arith.extui %eq3A_17 : i1 to i32
    %cond3A_19 = arith.constant 0 : i32
    %cond3A_20 = arith.cmpi ne, %convert_element_type3A_18, %cond3A_19 : i32
    scf.if %cond3A_20 {
      %mul3A_21 = arith.constant 640 : i32
      %mul3A_22 = arith.muli %arg1, %mul3A_21 : i32
      %mul3A_23 = arith.constant 640 : i32
      %mul3A_24 = arith.muli %arg1, %mul3A_23 : i32
      "tpu.region"() ({
        %run_scoped3A = tpu.sem_alloc : memref<!tpu.dma_semaphore, #tpu.memory_space<semaphore_mem>>
        %dma_start3A = arith.constant 0 : i32
        %dma_start3A_25 = tpu.memref_slice %arg8[%mul3A_24, %dma_start3A] : memref<10240x128xf32, #tpu.memory_space<hbm>> -> memref<640x128xf32, #tpu.memory_space<hbm>>
        %dma_start3A_26 = arith.constant 0 : i32
        %dma_start3A_27 = tpu.memref_slice %arg13[%mul3A_22, %dma_start3A_26] : memref<10240x128xf32, #tpu.memory_space<vmem_shared>> -> memref<640x128xf32, #tpu.memory_space<vmem_shared>>
        tpu.enqueue_dma source(%dma_start3A_27 : memref<640x128xf32, #tpu.memory_space<vmem_shared>>) target(%dma_start3A_25 : memref<640x128xf32, #tpu.memory_space<hbm>>) target_semaphore(%run_scoped3A : memref<!tpu.dma_semaphore, #tpu.memory_space<semaphore_mem>>)
        %dma_wait3A = arith.constant 0 : i32
        %dma_wait3A_28 = tpu.memref_slice %arg8[%mul3A_24, %dma_wait3A] : memref<10240x128xf32, #tpu.memory_space<hbm>> -> memref<640x128xf32, #tpu.memory_space<hbm>>
        %dma_wait3A_29 = arith.constant 0 : i32
        %dma_wait3A_30 = tpu.memref_slice %arg13[%mul3A_22, %dma_wait3A_29] : memref<10240x128xf32, #tpu.memory_space<vmem_shared>> -> memref<640x128xf32, #tpu.memory_space<vmem_shared>>
        tpu.wait_dma2 semaphore(%run_scoped3A : memref<!tpu.dma_semaphore, #tpu.memory_space<semaphore_mem>>) src(%dma_wait3A_30 : memref<640x128xf32, #tpu.memory_space<vmem_shared>>) dst(%dma_wait3A_28 : memref<640x128xf32, #tpu.memory_space<hbm>>)
        tpu.yield
      }) : () -> ()
    } else {
    }
    return
  }
}

module attributes {stable_mosaic.version = 14 : i64} {
  func.func @_tc_mid_body(%arg0: i32, %arg1: memref<1024x128xf32, #tpu.memory_space<vmem>>, %arg2: memref<1024x128xf32, #tpu.memory_space<vmem>>, %arg3: memref<1024x1xf32, #tpu.memory_space<vmem>>, %arg4: memref<1x256xf32, #tpu.memory_space<vmem>>, %arg5: memref<256x256xf32, #tpu.memory_space<vmem>>, %arg6: memref<1024x1xf32, #tpu.memory_space<vmem>>, %arg7: memref<1024x128xf32, #tpu.memory_space<vmem>>, %arg8: memref<1024x128xf32, #tpu.memory_space<vmem>>) attributes {dimension_semantics = [#tpu.dimension_semantics<arbitrary>], iteration_bounds = array<i64: 10>, scalar_prefetch = 0 : i64, scratch_operands = 0 : i64, tpu.core_type = #tpu.core_type<tc>, window_params = [{transform_indices = @transform_0, window_bounds = array<i64: 1024, 128>}, {transform_indices = @transform_1, window_bounds = array<i64: 1024, 128>}, {transform_indices = @transform_2, window_bounds = array<i64: 1024, 1>}, {pipeline_mode = #tpu.pipeline_mode<synchronous>, transform_indices = @transform_3, window_bounds = array<i64: 1, 256>}, {pipeline_mode = #tpu.pipeline_mode<synchronous>, transform_indices = @transform_4, window_bounds = array<i64: 256, 256>}, {transform_indices = @transform_5, window_bounds = array<i64: 1024, 1>}, {transform_indices = @transform_6, window_bounds = array<i64: 1024, 128>}, {transform_indices = @transform_7, window_bounds = array<i64: 1024, 128>}]} {
    %get3A = arith.constant 0 : index
    %get3A_0 = arith.constant 0 : index
    %get3A_1 = vector.load %arg1[%get3A, %get3A_0] : memref<1024x128xf32, #tpu.memory_space<vmem>>, vector<1024x128xf32>
    %get3A_2 = arith.constant 0 : index
    %get3A_3 = arith.constant 0 : index
    %get3A_4 = vector.load %arg2[%get3A_2, %get3A_3] : memref<1024x128xf32, #tpu.memory_space<vmem>>, vector<1024x128xf32>
    %concatenate3A = tpu.concatenate %get3A_1, %get3A_4 in 1 : vector<1024x128xf32>, vector<1024x128xf32> -> vector<1024x256xf32>
    %get3A_5 = arith.constant 0 : index
    %get3A_6 = arith.constant 0 : index
    %get3A_7 = vector.load %arg3[%get3A_5, %get3A_6] : memref<1024x1xf32, #tpu.memory_space<vmem>>, vector<1024x1xf32>
    %max3A = arith.constant 1.000000e+00 : f32
    %max3A_8 = vector.broadcast %max3A : f32 to vector<1024x1xf32>
    %max3A_9 = arith.maximumf %get3A_7, %max3A_8 : vector<1024x1xf32>
    %rsqrt3A = math.rsqrt %max3A_9 : vector<1024x1xf32>
    %mul3A = vector.broadcast %rsqrt3A : vector<1024x1xf32> to vector<1024x256xf32>
    %mul3A_10 = arith.mulf %concatenate3A, %mul3A : vector<1024x256xf32>
    %get3A_11 = arith.constant 0 : index
    %get3A_12 = arith.constant 0 : index
    %get3A_13 = vector.load %arg4[%get3A_11, %get3A_12] : memref<1x256xf32, #tpu.memory_space<vmem>>, vector<1x256xf32>
    %add3A = vector.broadcast %get3A_13 : vector<1x256xf32> to vector<1024x256xf32>
    %add3A_14 = arith.addf %mul3A_10, %add3A : vector<1024x256xf32>
    %max3A_15 = arith.constant 0.000000e+00 : f32
    %max3A_16 = vector.broadcast %max3A_15 : f32 to vector<1024x256xf32>
    %max3A_17 = arith.maximumf %add3A_14, %max3A_16 : vector<1024x256xf32>
    %get3A_18 = arith.constant 0 : index
    %get3A_19 = arith.constant 0 : index
    %get3A_20 = vector.load %arg5[%get3A_18, %get3A_19] : memref<256x256xf32, #tpu.memory_space<vmem>>, vector<256x256xf32>
    %dot_general3A = arith.constant dense<0.000000e+00> : vector<1024x256xf32>
    %dot_general3A_21 = tpu.matmul %max3A_17, %get3A_20, %dot_general3A {dimension_numbers = #tpu.dot_dimension_numbers<[1], [0], [0], [1], [0, 0, 1, 1], [], []>, transpose_lhs_hint = false} : vector<1024x256xf32>, vector<256x256xf32>, vector<1024x256xf32> -> vector<1024x256xf32>
    %get3A_22 = arith.constant 0 : index
    %get3A_23 = arith.constant 0 : index
    %get3A_24 = vector.load %arg6[%get3A_22, %get3A_23] : memref<1024x1xf32, #tpu.memory_space<vmem>>, vector<1024x1xf32>
    %max3A_25 = arith.constant 1.000000e+00 : f32
    %max3A_26 = vector.broadcast %max3A_25 : f32 to vector<1024x1xf32>
    %max3A_27 = arith.maximumf %get3A_24, %max3A_26 : vector<1024x1xf32>
    %rsqrt3A_28 = math.rsqrt %max3A_27 : vector<1024x1xf32>
    %mul3A_29 = vector.broadcast %rsqrt3A_28 : vector<1024x1xf32> to vector<1024x256xf32>
    %mul3A_30 = arith.mulf %dot_general3A_21, %mul3A_29 : vector<1024x256xf32>
    %slice3A = vector.extract_strided_slice %mul3A_30 {offsets = [0, 0], sizes = [1024, 128], strides = [1, 1]} : vector<1024x256xf32> to vector<1024x128xf32>
    %swap3A = arith.constant 0 : index
    %swap3A_31 = arith.constant 0 : index
    %swap3A_32 = vector.load %arg7[%swap3A, %swap3A_31] : memref<1024x128xf32, #tpu.memory_space<vmem>>, vector<1024x128xf32>
    tpu.vector_store %arg7[%swap3A, %swap3A_31], %slice3A {strides = array<i32>} : memref<1024x128xf32, #tpu.memory_space<vmem>>, vector<1024x128xf32>,
    %slice3A_33 = vector.extract_strided_slice %mul3A_30 {offsets = [0, 128], sizes = [1024, 128], strides = [1, 1]} : vector<1024x256xf32> to vector<1024x128xf32>
    %swap3A_34 = arith.constant 0 : index
    %swap3A_35 = arith.constant 0 : index
    %swap3A_36 = vector.load %arg8[%swap3A_34, %swap3A_35] : memref<1024x128xf32, #tpu.memory_space<vmem>>, vector<1024x128xf32>
    tpu.vector_store %arg8[%swap3A_34, %swap3A_35], %slice3A_33 {strides = array<i32>} : memref<1024x128xf32, #tpu.memory_space<vmem>>, vector<1024x128xf32>,
    return
  }
  func.func @transform_0(%arg0: i32) -> (i32, i32) {
    %c0_i32 = arith.constant 0 : i32
    %c0_i32_0 = arith.constant 0 : i32
    return %arg0, %c0_i32 : i32, i32
  }
  func.func @transform_1(%arg0: i32) -> (i32, i32) {
    %c0_i32 = arith.constant 0 : i32
    %c0_i32_0 = arith.constant 0 : i32
    return %arg0, %c0_i32 : i32, i32
  }
  func.func @transform_2(%arg0: i32) -> (i32, i32) {
    %c0_i32 = arith.constant 0 : i32
    %c0_i32_0 = arith.constant 0 : i32
    return %arg0, %c0_i32 : i32, i32
  }
  func.func @transform_3(%arg0: i32) -> (i32, i32) {
    %c0_i32 = arith.constant 0 : i32
    %c0_i32_0 = arith.constant 0 : i32
    %c0_i32_1 = arith.constant 0 : i32
    return %c0_i32, %c0_i32_0 : i32, i32
  }
  func.func @transform_4(%arg0: i32) -> (i32, i32) {
    %c0_i32 = arith.constant 0 : i32
    %c0_i32_0 = arith.constant 0 : i32
    %c0_i32_1 = arith.constant 0 : i32
    return %c0_i32, %c0_i32_0 : i32, i32
  }
  func.func @transform_5(%arg0: i32) -> (i32, i32) {
    %c0_i32 = arith.constant 0 : i32
    %c0_i32_0 = arith.constant 0 : i32
    return %arg0, %c0_i32 : i32, i32
  }
  func.func @transform_6(%arg0: i32) -> (i32, i32) {
    %c0_i32 = arith.constant 0 : i32
    %c0_i32_0 = arith.constant 0 : i32
    return %arg0, %c0_i32 : i32, i32
  }
  func.func @transform_7(%arg0: i32) -> (i32, i32) {
    %c0_i32 = arith.constant 0 : i32
    %c0_i32_0 = arith.constant 0 : i32
    return %arg0, %c0_i32 : i32, i32
  }
}

module attributes {stable_mosaic.version = 14 : i64} {
  func.func @_tc_first_body(%arg0: i32, %arg1: memref<1024x256xf32, #tpu.memory_space<vmem>>, %arg2: memref<256x256xf32, #tpu.memory_space<vmem>>, %arg3: memref<1024x1xf32, #tpu.memory_space<vmem>>, %arg4: memref<1024x128xf32, #tpu.memory_space<vmem>>, %arg5: memref<1024x128xf32, #tpu.memory_space<vmem>>) attributes {dimension_semantics = [#tpu.dimension_semantics<arbitrary>], iteration_bounds = array<i64: 10>, scalar_prefetch = 0 : i64, scratch_operands = 0 : i64, tpu.core_type = #tpu.core_type<tc>, window_params = [{transform_indices = @transform_0, window_bounds = array<i64: 1024, 256>}, {pipeline_mode = #tpu.pipeline_mode<synchronous>, transform_indices = @transform_1, window_bounds = array<i64: 256, 256>}, {transform_indices = @transform_2, window_bounds = array<i64: 1024, 1>}, {transform_indices = @transform_3, window_bounds = array<i64: 1024, 128>}, {transform_indices = @transform_4, window_bounds = array<i64: 1024, 128>}]} {
    %get3A = arith.constant 0 : index
    %get3A_0 = arith.constant 0 : index
    %get3A_1 = vector.load %arg1[%get3A, %get3A_0] : memref<1024x256xf32, #tpu.memory_space<vmem>>, vector<1024x256xf32>
    %get3A_2 = arith.constant 0 : index
    %get3A_3 = arith.constant 0 : index
    %get3A_4 = vector.load %arg2[%get3A_2, %get3A_3] : memref<256x256xf32, #tpu.memory_space<vmem>>, vector<256x256xf32>
    %dot_general3A = arith.constant dense<0.000000e+00> : vector<1024x256xf32>
    %dot_general3A_5 = tpu.matmul %get3A_1, %get3A_4, %dot_general3A {dimension_numbers = #tpu.dot_dimension_numbers<[1], [0], [0], [1], [0, 0, 1, 1], [], []>, transpose_lhs_hint = false} : vector<1024x256xf32>, vector<256x256xf32>, vector<1024x256xf32> -> vector<1024x256xf32>
    %get3A_6 = arith.constant 0 : index
    %get3A_7 = arith.constant 0 : index
    %get3A_8 = vector.load %arg3[%get3A_6, %get3A_7] : memref<1024x1xf32, #tpu.memory_space<vmem>>, vector<1024x1xf32>
    %max3A = arith.constant 1.000000e+00 : f32
    %max3A_9 = vector.broadcast %max3A : f32 to vector<1024x1xf32>
    %max3A_10 = arith.maximumf %get3A_8, %max3A_9 : vector<1024x1xf32>
    %rsqrt3A = math.rsqrt %max3A_10 : vector<1024x1xf32>
    %mul3A = vector.broadcast %rsqrt3A : vector<1024x1xf32> to vector<1024x256xf32>
    %mul3A_11 = arith.mulf %dot_general3A_5, %mul3A : vector<1024x256xf32>
    %slice3A = vector.extract_strided_slice %mul3A_11 {offsets = [0, 0], sizes = [1024, 128], strides = [1, 1]} : vector<1024x256xf32> to vector<1024x128xf32>
    %swap3A = arith.constant 0 : index
    %swap3A_12 = arith.constant 0 : index
    %swap3A_13 = vector.load %arg4[%swap3A, %swap3A_12] : memref<1024x128xf32, #tpu.memory_space<vmem>>, vector<1024x128xf32>
    tpu.vector_store %arg4[%swap3A, %swap3A_12], %slice3A {strides = array<i32>} : memref<1024x128xf32, #tpu.memory_space<vmem>>, vector<1024x128xf32>,
    %slice3A_14 = vector.extract_strided_slice %mul3A_11 {offsets = [0, 128], sizes = [1024, 128], strides = [1, 1]} : vector<1024x256xf32> to vector<1024x128xf32>
    %swap3A_15 = arith.constant 0 : index
    %swap3A_16 = arith.constant 0 : index
    %swap3A_17 = vector.load %arg5[%swap3A_15, %swap3A_16] : memref<1024x128xf32, #tpu.memory_space<vmem>>, vector<1024x128xf32>
    tpu.vector_store %arg5[%swap3A_15, %swap3A_16], %slice3A_14 {strides = array<i32>} : memref<1024x128xf32, #tpu.memory_space<vmem>>, vector<1024x128xf32>,
    return
  }
  func.func @transform_0(%arg0: i32) -> (i32, i32) {
    %c0_i32 = arith.constant 0 : i32
    %c0_i32_0 = arith.constant 0 : i32
    return %arg0, %c0_i32 : i32, i32
  }
  func.func @transform_1(%arg0: i32) -> (i32, i32) {
    %c0_i32 = arith.constant 0 : i32
    %c0_i32_0 = arith.constant 0 : i32
    %c0_i32_1 = arith.constant 0 : i32
    return %c0_i32, %c0_i32_0 : i32, i32
  }
  func.func @transform_2(%arg0: i32) -> (i32, i32) {
    %c0_i32 = arith.constant 0 : i32
    %c0_i32_0 = arith.constant 0 : i32
    return %arg0, %c0_i32 : i32, i32
  }
  func.func @transform_3(%arg0: i32) -> (i32, i32) {
    %c0_i32 = arith.constant 0 : i32
    %c0_i32_0 = arith.constant 0 : i32
    return %arg0, %c0_i32 : i32, i32
  }
  func.func @transform_4(%arg0: i32) -> (i32, i32) {
    %c0_i32 = arith.constant 0 : i32
    %c0_i32_0 = arith.constant 0 : i32
    return %arg0, %c0_i32 : i32, i32
  }
}

module attributes {stable_mosaic.version = 14 : i64} {
  func.func @_tc_final_body(%arg0: i32, %arg1: memref<1000x128xf32, #tpu.memory_space<vmem>>, %arg2: memref<1000x128xf32, #tpu.memory_space<vmem>>, %arg3: memref<1000x1xf32, #tpu.memory_space<vmem>>, %arg4: memref<1x256xf32, #tpu.memory_space<vmem>>, %arg5: memref<1000x256xf32, #tpu.memory_space<vmem>>) attributes {dimension_semantics = [#tpu.dimension_semantics<arbitrary>], iteration_bounds = array<i64: 10>, scalar_prefetch = 0 : i64, scratch_operands = 0 : i64, tpu.core_type = #tpu.core_type<tc>, window_params = [{transform_indices = @transform_0, window_bounds = array<i64: 1000, 128>}, {transform_indices = @transform_1, window_bounds = array<i64: 1000, 128>}, {transform_indices = @transform_2, window_bounds = array<i64: 1000, 1>}, {pipeline_mode = #tpu.pipeline_mode<synchronous>, transform_indices = @transform_3, window_bounds = array<i64: 1, 256>}, {transform_indices = @transform_4, window_bounds = array<i64: 1000, 256>}]} {
    %get3A = arith.constant 0 : index
    %get3A_0 = arith.constant 0 : index
    %get3A_1 = vector.load %arg1[%get3A, %get3A_0] : memref<1000x128xf32, #tpu.memory_space<vmem>>, vector<1000x128xf32>
    %get3A_2 = arith.constant 0 : index
    %get3A_3 = arith.constant 0 : index
    %get3A_4 = vector.load %arg2[%get3A_2, %get3A_3] : memref<1000x128xf32, #tpu.memory_space<vmem>>, vector<1000x128xf32>
    %concatenate3A = tpu.concatenate %get3A_1, %get3A_4 in 1 : vector<1000x128xf32>, vector<1000x128xf32> -> vector<1000x256xf32>
    %get3A_5 = arith.constant 0 : index
    %get3A_6 = arith.constant 0 : index
    %get3A_7 = vector.load %arg3[%get3A_5, %get3A_6] : memref<1000x1xf32, #tpu.memory_space<vmem>>, vector<1000x1xf32>
    %max3A = arith.constant 1.000000e+00 : f32
    %max3A_8 = vector.broadcast %max3A : f32 to vector<1000x1xf32>
    %max3A_9 = arith.maximumf %get3A_7, %max3A_8 : vector<1000x1xf32>
    %rsqrt3A = math.rsqrt %max3A_9 : vector<1000x1xf32>
    %mul3A = vector.broadcast %rsqrt3A : vector<1000x1xf32> to vector<1000x256xf32>
    %mul3A_10 = arith.mulf %concatenate3A, %mul3A : vector<1000x256xf32>
    %get3A_11 = arith.constant 0 : index
    %get3A_12 = arith.constant 0 : index
    %get3A_13 = vector.load %arg4[%get3A_11, %get3A_12] : memref<1x256xf32, #tpu.memory_space<vmem>>, vector<1x256xf32>
    %add3A = vector.broadcast %get3A_13 : vector<1x256xf32> to vector<1000x256xf32>
    %add3A_14 = arith.addf %mul3A_10, %add3A : vector<1000x256xf32>
    %swap3A = arith.constant 0 : index
    %swap3A_15 = arith.constant 0 : index
    %swap3A_16 = vector.load %arg5[%swap3A, %swap3A_15] : memref<1000x256xf32, #tpu.memory_space<vmem>>, vector<1000x256xf32>
    tpu.vector_store %arg5[%swap3A, %swap3A_15], %add3A_14 {strides = array<i32>} : memref<1000x256xf32, #tpu.memory_space<vmem>>, vector<1000x256xf32>,
    return
  }
  func.func @transform_0(%arg0: i32) -> (i32, i32) {
    %c0_i32 = arith.constant 0 : i32
    %c0_i32_0 = arith.constant 0 : i32
    return %arg0, %c0_i32 : i32, i32
  }
  func.func @transform_1(%arg0: i32) -> (i32, i32) {
    %c0_i32 = arith.constant 0 : i32
    %c0_i32_0 = arith.constant 0 : i32
    return %arg0, %c0_i32 : i32, i32
  }
  func.func @transform_2(%arg0: i32) -> (i32, i32) {
    %c0_i32 = arith.constant 0 : i32
    %c0_i32_0 = arith.constant 0 : i32
    return %arg0, %c0_i32 : i32, i32
  }
  func.func @transform_3(%arg0: i32) -> (i32, i32) {
    %c0_i32 = arith.constant 0 : i32
    %c0_i32_0 = arith.constant 0 : i32
    %c0_i32_1 = arith.constant 0 : i32
    return %c0_i32, %c0_i32_0 : i32, i32
  }
  func.func @transform_4(%arg0: i32) -> (i32, i32) {
    %c0_i32 = arith.constant 0 : i32
    %c0_i32_0 = arith.constant 0 : i32
    return %arg0, %c0_i32 : i32, i32
  }
}

</mosaic_0001>

<sc_bundles>
// kernel: kernel.10.cloned.1.call-start
scs
__scs_entry_jumppad:
0x0: {  	(pc) =	sbr.rel $0x88, $3  }
0x1: {  	(tag) =	ssettag $0x0;
	lr =	simm.s32 $0x1  }
0x2: {  	[smem:$0x3F99] =	sst lr;
	_ =	strace $0xD0000000  }
0x3: {  	_ = 	snop  }
0x4: {  	_ = 	snop  }
0x5: {  	_ = 	snop  }
0x6: {  	_ = 	snop  }
0x7: {  	_ = 	snop  }
__scs_overlays_trampoline_lowered:
0x8: {  	[smem:$0x3FA8] =	sst s0  }
0x9: {  	[smem:$0x3FA9] =	sst s1  }
0xa: {  	[smem:$0x3FAA] =	sst s2  }
0xb: {  	[smem:$0x3FAB] =	sst s3  }
0xc: {  	[smem:$0x3FAC] =	sst s4  }
0xd: {  	[smem:$0x3FAD] =	sst s5  }
0xe: {  	[smem:$0x3FAE] =	sst s6  }
0xf: {  	[smem:$0x3FAF] =	sst s7  }
0x10: {  	[smem:$0x3FB0] =	sst s8  }
0x11: {  	[smem:$0x3FB1] =	sst s9;
	s0 =	simm.s32 @!p0 $0x0  }
0x12: {  	s1 =	sld [smem:$0x3F97];
	s0 =	simm.s32 @p0 $0x1  }
0x13: {  	[smem:$0x3FB2] =	sst s0;
	s0 =	simm.s32 @!p1 $0x0  }
0x14: {  	s2 =	sld [smem:$0x3F96];
	s0 =	simm.s32 @p1 $0x1  }
0x15: {  	[smem:$0x3FB3] =	sst s0;
	s0 =	simm.s32 @!p2 $0x0  }
0x16: {  	s3 =	sld [smem:$0x3FDB];
	s0 =	simm.s32 @p2 $0x1  }
0x17: {  	s4 =	simm.s32 $0x1BF5;
	[smem:$0x3FB5] =	sst s0  }
0x18: {  	s0 =	sld [smem:$0x3F98];
	_ =	swait.ge [sflag:s4], $0x0  }
0x19: {  	s7 =	sld [smem:$0x3F99]  }
0x1a: {  	s8 =	sadd.s32 $0xFFFFE003, lr  }
0x1b: {  	s9 =	sadd.s32 $0xFFFFFEF7, lr;
	s5 =	simm.s32 $0xFFFFFFFF;
	p2 =	slt.u32 s8, $0xFFFFF086  }
0x1c: {  	p1 =	slt.u32 s9, $0xF7A;
	s5 =	simm.s32 @!p2 $0x0  }
0x1d: {  	s5 =	simm.s32 @p1 $0x1;
	p0 =	seq.s32 s7, s2  }
0x1e: {  	s7 =	smul.u32 @!p0 $0xF7A, s2;
	p2 =	seq.s32 @!p0 s5, $0x0  }
0x1f: {  	s9 =	smul.u32 $0xF7A, s1;
	s8 =	simm.s32 @!p0 $0x1BF5;
	p2 =	por !p2, p0  }
0x20: {  	[sflag:s8] =	ssyncset.s32 @!p0 $0xFFFFF086;
	s6 =	sadd.s32 @!p0 s3, s7;
	s7 =	simm.s32 @!p0 $0x108  }
0x21: {  	s3 =	sadd.s32 s3, s9;
	s6 =	sadd.s32 @!p0 $0x88, s6;
	s7 =	simm.s32 @p2 $0x1082  }
0x22: {  	[simem:s7], [sflag:s8] =	dma.local @!p0 [hbm:s6], $0xF7A  }
0x23: {  	s9 =	sor.u32 $0xD0000000, s2;
	s6 =	simm.s32 $0x108;
	_ =	swait.ge @!p0 [sflag:s8], $0x0  }
0x24: {  	s3 =	sadd.s32 $0x88, s3;
	s6 =	simm.s32 @!p1 $0x1082;
	[sflag:s4] =	ssyncset.s32 $0xFFFFF086  }
0x25: {  	[simem:s6], [sflag:s4] =	dma.local [hbm:s3], $0xF7A  }
0x26: {  	[smem:$0x3F99] =	sst s1;
	(tag) =	ssettag s2;
	_ =	strace s9  }
0x27: {  	s1 =	sld [smem:$0x3FA9]  }
0x28: {  	s2 =	sld [smem:$0x3FAA]  }
0x29: {  	s4 =	sld [smem:$0x3FAC]  }
0x2a: {  	p0 =	seq.s32 s5, $0x0;
	s5 =	sld [smem:$0x3FAD]  }
0x2b: {  	s6 =	sld [smem:$0x3FAE]  }
0x2c: {  	s7 =	sld [smem:$0x3FAF]  }
0x2d: {  	s3 =	simm.s32 $0x108;
	s8 =	sld [smem:$0x3FB0]  }
0x2e: {  	s3 =	simm.s32 @!p0 $0x1082;
	s9 =	sld [smem:$0x3FB1]  }
0x2f: {  	lr =	sadd.s32 s0, s3;
	s0 =	sld [smem:$0x3FA8]  }
0x30: {  	s3 =	sld [smem:$0x3FAB]  }
0x31: {  	[smem:$0x3FB4] =	sst s10  }
0x32: {  	s10 =	sld [smem:$0x3FB2];
	_ =	sdelay $0x3  }
0x33: {  	p0 =	seq.s32 s10, $0x1;
	s10 =	sld [smem:$0x3FB4];
	_ =	sdelay $0x3  }
0x34: {  	[smem:$0x3FB4] =	sst s10  }
0x35: {  	s10 =	sld [smem:$0x3FB3];
	_ =	sdelay $0x3  }
0x36: {  	p1 =	seq.s32 s10, $0x1;
	s10 =	sld [smem:$0x3FB4];
	_ =	sdelay $0x3  }
0x37: {  	[smem:$0x3FB4] =	sst s10  }
0x38: {  	s10 =	sld [smem:$0x3FB5]  }
0x39: {  	_ = 	snop;
	(pc) =	sbr.ind lr, $3  }
0x3a: {  	_ = 	snop  }
0x3b: {  	_ = 	snop  }
0x3c: {  	p2 =	seq.s32 s10, $0x1;
	s10 =	sld [smem:$0x3FB4]  }
0x3d: {  	_ =	shalt  }
0x3e: {  	_ =	shalt  }
0x3f: {  	_ =	shalt  }
0x40: {  	_ =	shalt  }
0x41: {  	_ =	shalt  }
0x42: {  	_ =	shalt  }
0x43: {  	_ =	shalt  }
0x44: {  	_ =	shalt  }
0x45: {  	_ =	shalt  }
0x46: {  	_ =	shalt  }
0x47: {  	_ =	shalt  }
0x48: {  	_ =	shalt  }
0x49: {  	_ =	shalt  }
0x4a: {  	_ =	shalt  }
0x4b: {  	_ =	shalt  }
0x4c: {  	_ =	shalt  }
0x4d: {  	_ =	shalt  }
0x4e: {  	_ =	shalt  }
0x4f: {  	_ =	shalt  }
0x50: {  	_ =	shalt  }
0x51: {  	_ =	shalt  }
0x52: {  	_ =	shalt  }
0x53: {  	_ =	shalt  }
0x54: {  	_ =	shalt  }
0x55: {  	_ =	shalt  }
0x56: {  	_ =	shalt  }
0x57: {  	_ =	shalt  }
0x58: {  	_ =	shalt  }
0x59: {  	_ =	shalt  }
0x5a: {  	_ =	shalt  }
0x5b: {  	_ =	shalt  }
0x5c: {  	_ =	shalt  }
0x5d: {  	_ =	shalt  }
0x5e: {  	_ =	shalt  }
0x5f: {  	_ =	shalt  }
0x60: {  	_ =	shalt  }
0x61: {  	_ =	shalt  }
0x62: {  	_ =	shalt  }
0x63: {  	_ =	shalt  }
0x64: {  	_ =	shalt  }
0x65: {  	_ =	shalt  }
0x66: {  	_ =	shalt  }
0x67: {  	_ =	shalt  }
0x68: {  	_ =	shalt  }
0x69: {  	_ =	shalt  }
0x6a: {  	_ =	shalt  }
0x6b: {  	_ =	shalt  }
0x6c: {  	_ =	shalt  }
0x6d: {  	_ =	shalt  }
0x6e: {  	_ =	shalt  }
0x6f: {  	_ =	shalt  }
0x70: {  	_ =	shalt  }
0x71: {  	_ =	shalt  }
0x72: {  	_ =	shalt  }
0x73: {  	_ =	shalt  }
0x74: {  	_ =	shalt  }
0x75: {  	_ =	shalt  }
0x76: {  	_ =	shalt  }
0x77: {  	_ =	shalt  }
0x78: {  	_ =	shalt  }
0x79: {  	_ =	shalt  }
0x7a: {  	_ =	shalt  }
0x7b: {  	_ =	shalt  }
0x7c: {  	_ =	shalt  }
0x7d: {  	_ =	shalt  }
0x7e: {  	_ =	shalt  }
0x7f: {  	_ =	shalt  }
0x80: {  	_ =	shalt  }
0x81: {  	_ =	shalt  }
0x82: {  	_ =	shalt  }
0x83: {  	_ =	shalt  }
0x84: {  	_ =	shalt  }
0x85: {  	_ =	shalt  }
0x86: {  	_ =	shalt  }
0x87: {  	_ =	shalt  }
.Lfunc_end0:
.L_simem_size_0:
called_computation_lowered:
.L_overlay_start_0:
0x88: {  	s2 =	sld [smem:$0x3FD9]  }
0x89: {  	s3 =	sld [smem:$0x3FFE];
	_ =	sdelay $0x1  }
0x8a: {  	s1 =	srdreg.scid  }
0x8b: {  	s0 =	sand.u32 $0x1, s1  }
0x8c: {  	s17 =	sshll.u32 s0, $0xA;
	s2 =	sadd.s32 s3, s2  }
0x8d: {  	s2 =	sadd.s32 s2, s17  }
0x8e: {  	[smem:$0x3FC0] =	sst s2  }
0x8f: {  	_ = 	snop  }
0x90: {  	s2 =	sld [smem:$0x3FD0];
	(tm) =	ssettm $0x1  }
0x91: {  	s18 =	sld [smem:$0x3FFB];
	_ =	sdelay $0x3  }
0x92: {  	_ =	strace s18  }
0x93: {  	s3 =	sld [smem:$0x3FFC];
	_ =	sdelay $0x3  }
0x94: {  	_ =	strace s3  }
0x95: {  	s3 =	sld [smem:$0x3FFD];
	_ =	sdelay $0x3  }
0x96: {  	_ =	strace s3  }
0x97: {  	_ =	strace $0x8FFFFFFF  }
0x98: {  	s19 =	sld [smem:$0x3FDB];
	_ =	sdelay $0x1  }
0x99: {  	s4 =	simm.s32 $_scs_section_size  }
0x9a: {  	s5 =	simm.s32 $_size__tile_overlayer_lowered;
	s6 =	simm.s32 $_tile_overlayer_lowered  }
0x9b: {  	s22 =	simm.s32 $0x1BFF;
	s21 =	sshll.u32 s6, $0x1;
	s3 =	sadd.s32 s4, s19  }
0x9c: {  	s7 =	simm.s32 $0x0;
	s20 =	sshll.u32 s5, $0x1;
	s5 =	sadd.s32 s21, s3  }
0x9d: {  	[timem:s7], [sflag:s22] =	dma.local [hbm:s5], s20  }
0x9e: {  	_ =	swait.ge [sflag:s22], s20  }
0x9f: {  	s4 =	ssub.s32 $0x0, s20;
	[sflag:s22] =	ssyncset.done $0x0  }
0xa0: {  	[sflag:s22] =	ssyncadd.s32 s4;
	_ =	sdelay $0x1  }
0xa1: {  	s23 =	simm.s32 $0x1B8B  }
0xa2: {  	_ =	swait.ge [sflag:s23], $0x1  }
0xa3: {  	[sflag:s23] =	ssyncset.done $0x0  }
0xa4: {  	s25 =	simm.s32 $0x1B8E;
	s24 =	sld [smem:$0x3FFE];
	[sflag:s23] =	ssyncadd.s32 $0xFFFFFFFF  }
0xa5: {  	s26 =	simm.s32 $execute0_lowered;
	[smem:$0x3FD2] =	sst s25  }
0xa6: {  	s5 =	sshll.u32 s26, $0x1;
	_ =	strace $0x80000046;
	[dreg:$0x1] =	wrdreg $0xFFFFFFFF  }
0xa7: {  	s28 =	simm.s32 $_size_execute0_lowered;
	s3 =	sadd.s32 s3, s5;
	[dreg:$0x0] =	wrdreg $0x0  }
0xa8: {  	s5 =	sshll.u32 s28, $0x1;
	[dreg:$0x2] =	wrdreg s3  }
0xa9: {  	[dreg:$0x3] =	wrdreg s5  }
0xaa: {  	[dreg:$0x4] =	wrdreg $0xC0  }
0xab: {  	_ =	task [dreg:s7], $0x5FFFF  }
0xac: {  	[dreg:$0x1] =	wrdreg $0xFFFFFFFF  }
0xad: {  	[dreg:$0x0] =	wrdreg $0x60  }
0xae: {  	[dreg:$0x2] =	wrdreg s24  }
0xaf: {  	[dreg:$0x3] =	wrdreg s2  }
0xb0: {  	[dreg:$0x4] =	wrdreg $0x54000  }
0xb1: {  	[dreg:$0x5] =	wrdreg $0x9  }
0xb2: {  	_ =	task.clear_ibuf [dreg:s7], $0x6FFFF;
	_ =	strace $0x90000046  }
0xb3: {  	s29 =	simm.s32 $0x9;
	_ =	strace $0x80000048  }
0xb4: {  	_ =	swait.ge [sflag:s29], $0x1  }
0xb5: {  	[sflag:s29] =	ssyncadd.s32 $0xFFFFFFFF  }
0xb6: {  	_ =	strace $0x90000048  }
0xb7: {  	_ =	sfence  }
0xb8: {  	s30 =	sld [smem:$0x0];
	_ =	sdelay $0x2  }
0xb9: {  	s31 =	sshll.u32 s1, $0xD;
	s1 =	sshrl.u32 s1, $0x2  }
0xba: {  	s3 =	sand.u32 $0x4000, s31;
	s1 =	sadd.s32 s1, s30  }
0xbb: {  	s0 =	sor.u32 s3, s0;
	s1 =	sshll.u32 s1, $0x11  }
0xbc: {  	s0 =	sor.u32 s1, s0  }
0xbd: {  	s0 =	sadd.s32 $0x8F2B, s0  }
0xbe: {  	[sflag:s0] =	ssyncadd.remote.s32 $0x1  }
0xbf: {  	_ =	sfence.sel $0xFFFF  }
0xc0: {  	[dreg:$0x0] =	wrdreg $0xFFFFFFFF;
	(pc) =	sbr.abs _section_cstart, $3  }
0xc1: {  	[dreg:$0x1] =	wrdreg $0xFFFFFFFF  }
0xc2: {  	_ =	task.clear_ibuf [dreg:s7], $0x2FFFF;
	_ =	strace $0x9FFFFFFF  }
0xc3: {  	(tm) =	ssettm $0x7FFFFFFF  }
tec
execute0_lowered:
.L_overlay_start_1:
0x0: {  	(tag) =	ssettag $0x1  }
0x1: {  	s5 =	rddreg [dreg:$0x0]  }
0x2: {  	s6 =	rddreg [dreg:$0x1]  }
0x3: {  	s1 =	rddreg [dreg:$0x2]  }
0x4: {  	s0 =	rddreg [dreg:$0x3];
	s2 =	simm.s32 $0x0;
	s9 =	srdreg.scid  }
0x5: {  	s3 =	stileid.u32;
	[smem:$0x7FF] =	sst s2  }
0x6: {  	s7 =	sadd.s32 $0x9E00, s5;
	s8 =	sadd.s32 $0x4E00, s5;
	s4 =	sadd.s32 $0xEE00, s5  }
0x7: {  	s9 =	sand.u32 $0x1, s9;
	s10 =	smul.u32 $0x50000, s3;
	s11 =	sadd.s32 $0xF600, s5  }
0x8: {  	s12 =	sadd.s32 $0x37600, s5;
	s14 =	smul.u32 $0x2800, s3;
	s31 =	sshll.u32 s3, $0x6  }
0x9: {  	_ =	strace $0x80000047;
	s29 =	ssub.s32 $0x2, s9;
	p0 =	seq.s32 s9, $0x1  }
0xa: {  	s13 =	sshrl.u32 s29, $0x1;
	s10 =	sshrl.u32 s10, $0x2;
	s5 =	sadd.s32 s6, s14  }
0xb: {  	s30 =	sshrl.u32 s14, $0x3;
	s7 =	smov.u32 @p0 s8;
	s11 =	smov.u32 @p0 s12  }
0xc: {  	s12 =	sor.u32 $0x1C01, s31;
	s13 =	ssub.s32 s29, s13;
	s15 =	sadd.s32 s10, s1  }
0xd: {  	s7 =	sadd.s32 s7, s30;
	s9 =	sadd.s32 s11, s14;
	s10 =	simm.s32 $0x1400  }
0xe: {  	s11 =	simm.s32 $0x1;
	s14 =	simm.s32 $0x80;
	s6 =	smax.u32 s13, $0x1  }
0xf: {  	s8 =	sadd.s32 $0x280, s7;
	s13 =	sshrl.u32 s15, $0x3;
	s15 =	simm.s32 $0x0  }
.LBB2_1:
0x10: {  	[tilespmem:s10], [sflag:$0x1] =	stream.linear.gather [hbm4b:s4+s2], $0x4000, $0x38;
	[tilespmem:$0x19400] =	vst v63  }
0x11: {  	_ =	swait.ge [sflag:s11], $0x4000  }
0x12: {  	[sflag:s11] =	ssyncset.done $0x0  }
0x13: {  	[sflag:s11] =	ssyncadd.s32 $0xFFFFC000  }
0x14: {  	[spmem:s13], [sflag:s12] =	dma.local [hbm:s5], $0x2800  }
0x15: {  	_ =	swait.ge [sflag:s11], $0x2800  }
0x16: {  	[sflag:s11] =	ssyncset.done $0x0  }
0x17: {  	[sflag:s11] =	ssyncadd.s32 $0xFFFFD800  }
0x18: {  	[bflag:$0x0] =	sbarrier.arrive $0xFFFF  }
0x19: {  	[tilespmem:s2], [sflag:$0x1] =	stream.linear.gather [hbm4b:s7+s2], $0x1400, $0x38;
	[tilespmem:$0x19400] =	vst v63  }
0x1a: {  	_ =	swait.ge [sflag:s11], $0x1400  }
0x1b: {  	[sflag:s11] =	ssyncset.done $0x0  }
0x1c: {  	s16 =	simm.s32 $0x0;
	[sflag:s11] =	ssyncadd.s32 $0xFFFFEC00  }
0x1d: {  	[spmem:s1] =	stream.indirect.scatter.add.f32 [tilespmem:s10], [sflag:$0x1], $0x80, s16, s14, $0xb8;
	[tilespmem:$0x19400] =	vst v63  }
0x1e: {  	_ =	swait.ge [sflag:s11], $0x4000  }
0x1f: {  	s16 =	simm.s32 $0x200;
	[sflag:s11] =	ssyncset.done $0x0  }
.LBB2_2:
0x20: {  	s17 =	sshra.s32 s16, $0x2;
	[sflag:s11] =	ssyncadd.s32 $0xFFFFC000;
	p0 =	sne.s32 s16, $0x4E00  }
0x21: {  	[spmem:s1] =	stream.indirect.scatter.add.f32 [tilespmem:s10], [sflag:$0x1], $0x80, s17, s14, $0xb8;
	[tilespmem:$0x19400] =	vst v63  }
.Ltmp0:
0x22: {  	_ = 	snop;
	(pc) =	sbr.rel @p0 .LBB2_2-.Ltmp0, $4  }
0x23: {  	_ = 	snop  }
0x24: {  	s16 =	sadd.s32 $0x200, s16  }
0x25: {  	_ =	swait.ge [sflag:s11], $0x4000  }
0x26: {  	[sflag:s11] =	ssyncset.done $0x0  }
0x27: {  	[sflag:s11] =	ssyncadd.s32 $0xFFFFC000;
	s16 =	simm.s32 $0x0  }
0x28: {  	[tilespmem:s16], [sflag:$0x1] =	stream.linear.gather [hbm4b:s8+s16], $0x1400, $0x38;
	[tilespmem:$0x19400] =	vst v63  }
0x29: {  	_ =	swait.ge [sflag:s11], $0x1400  }
0x2a: {  	[sflag:s11] =	ssyncset.done $0x0  }
0x2b: {  	s31 =	simm.s32 $0x0;
	[sflag:s11] =	ssyncadd.s32 $0xFFFFEC00  }
0x2c: {  	[spmem:s1] =	stream.indirect.scatter.add.f32 [tilespmem:s10], [sflag:$0x1], $0x80, s31, s14, $0xb8;
	[tilespmem:$0x19400] =	vst v63  }
0x2d: {  	_ =	swait.ge [sflag:s11], $0x4000  }
0x2e: {  	s16 =	simm.s32 $0x200;
	[sflag:s11] =	ssyncset.done $0x0  }
.LBB2_4:
0x2f: {  	s17 =	sshra.s32 s16, $0x2;
	[sflag:s11] =	ssyncadd.s32 $0xFFFFC000;
	p0 =	sne.s32 s16, $0x4E00  }
0x30: {  	[spmem:s1] =	stream.indirect.scatter.add.f32 [tilespmem:s10], [sflag:$0x1], $0x80, s17, s14, $0xb8;
	[tilespmem:$0x19400] =	vst v63  }
.Ltmp1:
0x31: {  	_ = 	snop;
	(pc) =	sbr.rel @p0 .LBB2_4-.Ltmp1, $4  }
0x32: {  	_ = 	snop  }
0x33: {  	s16 =	sadd.s32 $0x200, s16  }
0x34: {  	_ =	swait.ge [sflag:s11], $0x4000  }
0x35: {  	[sflag:s11] =	ssyncset.done $0x0  }
0x36: {  	s15 =	sadd.s32 $0x1, s15  }
0x37: {  	[sflag:s11] =	ssyncadd.s32 $0xFFFFC000;
	p0 =	sne.s32 s15, s6  }
.Ltmp2:
0x38: {  	[bflag:$0x0] =	sbarrier.arrive $0xFFFF;
	(pc) =	sbr.rel @p0 .LBB2_1-.Ltmp2, $4  }
0x39: {  	[hbm:s9], [sflag:s12] =	dma.local [spmem:s13], $0x2800  }
0x3a: {  	_ =	swait.ge [sflag:s11], $0x2800  }
0x3b: {  	[sflag:s11] =	ssyncset.done $0x0  }
0x3c: {  	[sflag:s11] =	ssyncadd.s32 $0xFFFFD800  }
0x3d: {  	_ =	sfence.sel $0x180000  }
0x3e: {  	[bflag:$0x0] =	sbarrier.arrive $0xFFFF  }
0x3f: {  	p0 =	sne.s32 s3, $0x0;
	_ =	strace $0x90000047  }
0x40: {  	s0 =	sadd.s32 @!p0 $0x100000, s0;
	[bflag:$0x2] =	sbarrier.arrive $0xFFFF  }
0x41: {  	[sflag:s0] =	ssyncadd.tile.s32 @!p0 $0x1;
	_ =	shalt  }
.Lfunc_end2:
_tile_overlayer_lowered:
.L_overlay_start_2:
0x42: {  	(tag) =	ssettag $0x2  }
0x43: {  	s0 =	rddreg [dreg:$0x0];
	s2 =	stileid.u32  }
0x44: {  	s1 =	rddreg [dreg:$0x1];
	p0 =	sne.s32 s2, $0x0  }
0x45: {  	s3 =	rddreg [dreg:$0x2];
	[bflag:$0x3] =	sbarrier.arrive $0xFFFF;
	s2 =	simm.s32 @!p0 $0x1C01  }
0x46: {  	[timem:s3], [sflag:s2] =	dma.local @!p0 [hbm:s0], s1  }
0x47: {  	s0 =	simm.s32 @!p0 $0x1  }
0x48: {  	_ =	swait.ge @!p0 [sflag:s0], s1  }
0x49: {  	s1 =	ssub.s32 @!p0 $0x0, s1;
	[sflag:s0] =	ssyncset.done @!p0 $0x0  }
0x4a: {  	[sflag:s0] =	ssyncadd.s32 @!p0 s1  }
0x4b: {  	[bflag:$0x3] =	sbarrier.arrive $0xFFFF  }
0x4c: {  	_ =	shalt  }

// kernel: kernel.13.cloned.1.call-start
scs
__scs_entry_jumppad:
0x0: {  	(pc) =	sbr.rel $0x88, $3  }
0x1: {  	(tag) =	ssettag $0x0;
	lr =	simm.s32 $0x1  }
0x2: {  	[smem:$0x3F99] =	sst lr;
	_ =	strace $0xD0000000  }
0x3: {  	_ = 	snop  }
0x4: {  	_ = 	snop  }
0x5: {  	_ = 	snop  }
0x6: {  	_ = 	snop  }
0x7: {  	_ = 	snop  }
__scs_overlays_trampoline_lowered:
0x8: {  	[smem:$0x3FA8] =	sst s0  }
0x9: {  	[smem:$0x3FA9] =	sst s1  }
0xa: {  	[smem:$0x3FAA] =	sst s2  }
0xb: {  	[smem:$0x3FAB] =	sst s3  }
0xc: {  	[smem:$0x3FAC] =	sst s4  }
0xd: {  	[smem:$0x3FAD] =	sst s5  }
0xe: {  	[smem:$0x3FAE] =	sst s6  }
0xf: {  	[smem:$0x3FAF] =	sst s7  }
0x10: {  	[smem:$0x3FB0] =	sst s8  }
0x11: {  	[smem:$0x3FB1] =	sst s9;
	s0 =	simm.s32 @!p0 $0x0  }
0x12: {  	s1 =	sld [smem:$0x3F97];
	s0 =	simm.s32 @p0 $0x1  }
0x13: {  	[smem:$0x3FB2] =	sst s0;
	s0 =	simm.s32 @!p1 $0x0  }
0x14: {  	s2 =	sld [smem:$0x3F96];
	s0 =	simm.s32 @p1 $0x1  }
0x15: {  	[smem:$0x3FB3] =	sst s0;
	s0 =	simm.s32 @!p2 $0x0  }
0x16: {  	s3 =	sld [smem:$0x3FDB];
	s0 =	simm.s32 @p2 $0x1  }
0x17: {  	s4 =	simm.s32 $0x1BF5;
	[smem:$0x3FB5] =	sst s0  }
0x18: {  	s0 =	sld [smem:$0x3F98];
	_ =	swait.ge [sflag:s4], $0x0  }
0x19: {  	s7 =	sld [smem:$0x3F99]  }
0x1a: {  	s8 =	sadd.s32 $0xFFFFE003, lr  }
0x1b: {  	s9 =	sadd.s32 $0xFFFFFEF7, lr;
	s5 =	simm.s32 $0xFFFFFFFF;
	p2 =	slt.u32 s8, $0xFFFFF086  }
0x1c: {  	p1 =	slt.u32 s9, $0xF7A;
	s5 =	simm.s32 @!p2 $0x0  }
0x1d: {  	s5 =	simm.s32 @p1 $0x1;
	p0 =	seq.s32 s7, s2  }
0x1e: {  	s7 =	smul.u32 @!p0 $0xF7A, s2;
	p2 =	seq.s32 @!p0 s5, $0x0  }
0x1f: {  	s9 =	smul.u32 $0xF7A, s1;
	s8 =	simm.s32 @!p0 $0x1BF5;
	p2 =	por !p2, p0  }
0x20: {  	[sflag:s8] =	ssyncset.s32 @!p0 $0xFFFFF086;
	s6 =	sadd.s32 @!p0 s3, s7;
	s7 =	simm.s32 @!p0 $0x108  }
0x21: {  	s3 =	sadd.s32 s3, s9;
	s6 =	sadd.s32 @!p0 $0x88, s6;
	s7 =	simm.s32 @p2 $0x1082  }
0x22: {  	[simem:s7], [sflag:s8] =	dma.local @!p0 [hbm:s6], $0xF7A  }
0x23: {  	s9 =	sor.u32 $0xD0000000, s2;
	s6 =	simm.s32 $0x108;
	_ =	swait.ge @!p0 [sflag:s8], $0x0  }
0x24: {  	s3 =	sadd.s32 $0x88, s3;
	s6 =	simm.s32 @!p1 $0x1082;
	[sflag:s4] =	ssyncset.s32 $0xFFFFF086  }
0x25: {  	[simem:s6], [sflag:s4] =	dma.local [hbm:s3], $0xF7A  }
0x26: {  	[smem:$0x3F99] =	sst s1;
	(tag) =	ssettag s2;
	_ =	strace s9  }
0x27: {  	s1 =	sld [smem:$0x3FA9]  }
0x28: {  	s2 =	sld [smem:$0x3FAA]  }
0x29: {  	s4 =	sld [smem:$0x3FAC]  }
0x2a: {  	p0 =	seq.s32 s5, $0x0;
	s5 =	sld [smem:$0x3FAD]  }
0x2b: {  	s6 =	sld [smem:$0x3FAE]  }
0x2c: {  	s7 =	sld [smem:$0x3FAF]  }
0x2d: {  	s3 =	simm.s32 $0x108;
	s8 =	sld [smem:$0x3FB0]  }
0x2e: {  	s3 =	simm.s32 @!p0 $0x1082;
	s9 =	sld [smem:$0x3FB1]  }
0x2f: {  	lr =	sadd.s32 s0, s3;
	s0 =	sld [smem:$0x3FA8]  }
0x30: {  	s3 =	sld [smem:$0x3FAB]  }
0x31: {  	[smem:$0x3FB4] =	sst s10  }
0x32: {  	s10 =	sld [smem:$0x3FB2];
	_ =	sdelay $0x3  }
0x33: {  	p0 =	seq.s32 s10, $0x1;
	s10 =	sld [smem:$0x3FB4];
	_ =	sdelay $0x3  }
0x34: {  	[smem:$0x3FB4] =	sst s10  }
0x35: {  	s10 =	sld [smem:$0x3FB3];
	_ =	sdelay $0x3  }
0x36: {  	p1 =	seq.s32 s10, $0x1;
	s10 =	sld [smem:$0x3FB4];
	_ =	sdelay $0x3  }
0x37: {  	[smem:$0x3FB4] =	sst s10  }
0x38: {  	s10 =	sld [smem:$0x3FB5]  }
0x39: {  	_ = 	snop;
	(pc) =	sbr.ind lr, $3  }
0x3a: {  	_ = 	snop  }
0x3b: {  	_ = 	snop  }
0x3c: {  	p2 =	seq.s32 s10, $0x1;
	s10 =	sld [smem:$0x3FB4]  }
0x3d: {  	_ =	shalt  }
0x3e: {  	_ =	shalt  }
0x3f: {  	_ =	shalt  }
0x40: {  	_ =	shalt  }
0x41: {  	_ =	shalt  }
0x42: {  	_ =	shalt  }
0x43: {  	_ =	shalt  }
0x44: {  	_ =	shalt  }
0x45: {  	_ =	shalt  }
0x46: {  	_ =	shalt  }
0x47: {  	_ =	shalt  }
0x48: {  	_ =	shalt  }
0x49: {  	_ =	shalt  }
0x4a: {  	_ =	shalt  }
0x4b: {  	_ =	shalt  }
0x4c: {  	_ =	shalt  }
0x4d: {  	_ =	shalt  }
0x4e: {  	_ =	shalt  }
0x4f: {  	_ =	shalt  }
0x50: {  	_ =	shalt  }
0x51: {  	_ =	shalt  }
0x52: {  	_ =	shalt  }
0x53: {  	_ =	shalt  }
0x54: {  	_ =	shalt  }
0x55: {  	_ =	shalt  }
0x56: {  	_ =	shalt  }
0x57: {  	_ =	shalt  }
0x58: {  	_ =	shalt  }
0x59: {  	_ =	shalt  }
0x5a: {  	_ =	shalt  }
0x5b: {  	_ =	shalt  }
0x5c: {  	_ =	shalt  }
0x5d: {  	_ =	shalt  }
0x5e: {  	_ =	shalt  }
0x5f: {  	_ =	shalt  }
0x60: {  	_ =	shalt  }
0x61: {  	_ =	shalt  }
0x62: {  	_ =	shalt  }
0x63: {  	_ =	shalt  }
0x64: {  	_ =	shalt  }
0x65: {  	_ =	shalt  }
0x66: {  	_ =	shalt  }
0x67: {  	_ =	shalt  }
0x68: {  	_ =	shalt  }
0x69: {  	_ =	shalt  }
0x6a: {  	_ =	shalt  }
0x6b: {  	_ =	shalt  }
0x6c: {  	_ =	shalt  }
0x6d: {  	_ =	shalt  }
0x6e: {  	_ =	shalt  }
0x6f: {  	_ =	shalt  }
0x70: {  	_ =	shalt  }
0x71: {  	_ =	shalt  }
0x72: {  	_ =	shalt  }
0x73: {  	_ =	shalt  }
0x74: {  	_ =	shalt  }
0x75: {  	_ =	shalt  }
0x76: {  	_ =	shalt  }
0x77: {  	_ =	shalt  }
0x78: {  	_ =	shalt  }
0x79: {  	_ =	shalt  }
0x7a: {  	_ =	shalt  }
0x7b: {  	_ =	shalt  }
0x7c: {  	_ =	shalt  }
0x7d: {  	_ =	shalt  }
0x7e: {  	_ =	shalt  }
0x7f: {  	_ =	shalt  }
0x80: {  	_ =	shalt  }
0x81: {  	_ =	shalt  }
0x82: {  	_ =	shalt  }
0x83: {  	_ =	shalt  }
0x84: {  	_ =	shalt  }
0x85: {  	_ =	shalt  }
0x86: {  	_ =	shalt  }
0x87: {  	_ =	shalt  }
.Lfunc_end0:
.L_simem_size_0:
called_computation.1_lowered:
.L_overlay_start_0:
0x88: {  	s2 =	sld [smem:$0x3FD9]  }
0x89: {  	s3 =	sld [smem:$0x3FFE];
	_ =	sdelay $0x1  }
0x8a: {  	s1 =	srdreg.scid  }
0x8b: {  	s0 =	sand.u32 $0x1, s1  }
0x8c: {  	s17 =	sshll.u32 s0, $0xA;
	s2 =	sadd.s32 s3, s2  }
0x8d: {  	s2 =	sadd.s32 s2, s17  }
0x8e: {  	[smem:$0x3FC0] =	sst s2  }
0x8f: {  	_ = 	snop  }
0x90: {  	s2 =	sld [smem:$0x3FD0];
	(tm) =	ssettm $0x1  }
0x91: {  	s18 =	sld [smem:$0x3FFB];
	_ =	sdelay $0x3  }
0x92: {  	_ =	strace s18  }
0x93: {  	s3 =	sld [smem:$0x3FFC];
	_ =	sdelay $0x3  }
0x94: {  	_ =	strace s3  }
0x95: {  	s3 =	sld [smem:$0x3FFD];
	_ =	sdelay $0x3  }
0x96: {  	_ =	strace s3  }
0x97: {  	_ =	strace $0x8FFFFFFF  }
0x98: {  	s19 =	sld [smem:$0x3FDB];
	_ =	sdelay $0x1  }
0x99: {  	s4 =	simm.s32 $_scs_section_size  }
0x9a: {  	s5 =	simm.s32 $_size__tile_overlayer_lowered;
	s6 =	simm.s32 $_tile_overlayer_lowered  }
0x9b: {  	s22 =	simm.s32 $0x1BFF;
	s21 =	sshll.u32 s6, $0x1;
	s3 =	sadd.s32 s4, s19  }
0x9c: {  	s7 =	simm.s32 $0x0;
	s20 =	sshll.u32 s5, $0x1;
	s5 =	sadd.s32 s21, s3  }
0x9d: {  	[timem:s7], [sflag:s22] =	dma.local [hbm:s5], s20  }
0x9e: {  	_ =	swait.ge [sflag:s22], s20  }
0x9f: {  	s4 =	ssub.s32 $0x0, s20;
	[sflag:s22] =	ssyncset.done $0x0  }
0xa0: {  	[sflag:s22] =	ssyncadd.s32 s4;
	_ =	sdelay $0x1  }
0xa1: {  	s23 =	simm.s32 $0x1B8B  }
0xa2: {  	_ =	swait.ge [sflag:s23], $0x1  }
0xa3: {  	[sflag:s23] =	ssyncset.done $0x0  }
0xa4: {  	s25 =	simm.s32 $0x1B8E;
	s24 =	sld [smem:$0x3FFE];
	[sflag:s23] =	ssyncadd.s32 $0xFFFFFFFF  }
0xa5: {  	s26 =	simm.s32 $execute0_lowered;
	[smem:$0x3FD2] =	sst s25  }
0xa6: {  	s5 =	sshll.u32 s26, $0x1;
	_ =	strace $0x80000049;
	[dreg:$0x1] =	wrdreg $0xFFFFFFFF  }
0xa7: {  	s28 =	simm.s32 $_size_execute0_lowered;
	s3 =	sadd.s32 s3, s5;
	[dreg:$0x0] =	wrdreg $0x0  }
0xa8: {  	s5 =	sshll.u32 s28, $0x1;
	[dreg:$0x2] =	wrdreg s3  }
0xa9: {  	[dreg:$0x3] =	wrdreg s5  }
0xaa: {  	[dreg:$0x4] =	wrdreg $0xC0  }
0xab: {  	_ =	task [dreg:s7], $0x5FFFF  }
0xac: {  	[dreg:$0x1] =	wrdreg $0xFFFFFFFF  }
0xad: {  	[dreg:$0x0] =	wrdreg $0x60  }
0xae: {  	[dreg:$0x2] =	wrdreg s24  }
0xaf: {  	[dreg:$0x3] =	wrdreg s2  }
0xb0: {  	[dreg:$0x4] =	wrdreg $0xA8000  }
0xb1: {  	[dreg:$0x5] =	wrdreg $0x9  }
0xb2: {  	_ =	task.clear_ibuf [dreg:s7], $0x6FFFF;
	_ =	strace $0x90000049  }
0xb3: {  	s29 =	simm.s32 $0x9;
	_ =	strace $0x8000004B  }
0xb4: {  	_ =	swait.ge [sflag:s29], $0x1  }
0xb5: {  	[sflag:s29] =	ssyncadd.s32 $0xFFFFFFFF  }
0xb6: {  	_ =	strace $0x9000004B  }
0xb7: {  	_ =	sfence  }
0xb8: {  	s30 =	sld [smem:$0x0];
	_ =	sdelay $0x2  }
0xb9: {  	s31 =	sshll.u32 s1, $0xD;
	s1 =	sshrl.u32 s1, $0x2  }
0xba: {  	s3 =	sand.u32 $0x4000, s31;
	s1 =	sadd.s32 s1, s30  }
0xbb: {  	s0 =	sor.u32 s3, s0;
	s1 =	sshll.u32 s1, $0x11  }
0xbc: {  	s0 =	sor.u32 s1, s0  }
0xbd: {  	s0 =	sadd.s32 $0x8F2B, s0  }
0xbe: {  	[sflag:s0] =	ssyncadd.remote.s32 $0x1  }
0xbf: {  	_ =	sfence.sel $0xFFFF  }
0xc0: {  	[dreg:$0x0] =	wrdreg $0xFFFFFFFF;
	(pc) =	sbr.abs _section_cstart, $3  }
0xc1: {  	[dreg:$0x1] =	wrdreg $0xFFFFFFFF  }
0xc2: {  	_ =	task.clear_ibuf [dreg:s7], $0x2FFFF;
	_ =	strace $0x9FFFFFFF  }
0xc3: {  	(tm) =	ssettm $0x7FFFFFFF  }
tec
execute0_lowered:
.L_overlay_start_1:
0x0: {  	(tag) =	ssettag $0x1  }
0x1: {  	s8 =	rddreg [dreg:$0x0]  }
0x2: {  	s9 =	rddreg [dreg:$0x1]  }
0x3: {  	s1 =	rddreg [dreg:$0x2]  }
0x4: {  	s0 =	rddreg [dreg:$0x3];
	s2 =	simm.s32 $0x0;
	s6 =	srdreg.scid  }
0x5: {  	s3 =	stileid.u32;
	s19 =	simm.s32 $0x80;
	s20 =	simm.s32 $0x2800  }
0x6: {  	s21 =	simm.s32 $0x6800;
	s22 =	simm.s32 $0x1;
	s23 =	simm.s32 $0x2  }
0x7: {  	s24 =	simm.s32 $0x2700;
	s25 =	simm.s32 $0x2780;
	[smem:$0x7FF] =	sst s2  }
0x8: {  	s4 =	sadd.s32 $0x5F600, s8;
	s5 =	sadd.s32 $0x87600, s8;
	s14 =	sadd.s32 $0x9E00, s8  }
0x9: {  	s16 =	sand.u32 $0x1, s6;
	s7 =	smul.u32 $0x50000, s3;
	s15 =	sadd.s32 $0x4E00, s8  }
0xa: {  	s6 =	sadd.s32 $0xAF600, s8;
	s8 =	sadd.s32 $0xD7600, s8;
	s31 =	sshll.u32 s3, $0x6  }
0xb: {  	_ =	strace $0x8000004A;
	s10 =	ssub.s32 $0x2, s16;
	p0 =	seq.s32 s16, $0x0  }
0xc: {  	s11 =	sshrl.u32 s10, $0x1;
	s12 =	sshrl.u32 s7, $0x2;
	s7 =	smul.u32 $0x2800, s3  }
.Ltmp0:
0xd: {  	s11 =	ssub.s32 s10, s11;
	s17 =	sadd.s32 s12, s1;
	(pc) =	sbr.rel .LBB2_1-.Ltmp0, $4  }
0xe: {  	s10 =	sor.u32 $0x1C03, s31;
	s9 =	sadd.s32 s9, s7;
	s13 =	sshrl.u32 s7, $0x3  }
0xf: {  	s11 =	smax.u32 s11, $0x1;
	s16 =	sshrl.u32 s17, $0x3;
	s17 =	simm.s32 $0x3  }
0x10: {  	s18 =	sadd.s32 $0x280, s13;
	s12 =	sadd.s32 s14, s13;
	s13 =	sadd.s32 s15, s13  }
0x11: {  	s14 =	sadd.s32 s14, s18;
	s15 =	sadd.s32 s15, s18;
	s18 =	simm.s32 $0x1400  }
.LBB2_11:
0x12: {  	[tilespmem:s21], [sflag:$0x2] =	stream.indirect.gather [hbm4b:s4+s19], $0x80, s28, s19, $0xb8;
	[tilespmem:$0x1E800] =	vst v63  }
0x13: {  	s26 =	smov.u32 s6  }
.LBB2_12:
0x14: {  	_ =	swait.ge [sflag:s22], $0x4000  }
0x15: {  	[sflag:s22] =	ssyncset.done $0x0  }
0x16: {  	[sflag:s22] =	ssyncadd.s32 $0xFFFFC000  }
0x17: {  	[spmem:s1] =	stream.indirect.scatter.add.f32 [tilespmem:s20], [sflag:$0x3], $0x80, s24, s19, $0xb8;
	[tilespmem:$0x1E800] =	vst v63  }
0x18: {  	_ =	swait.ge [sflag:s17], $0x4000  }
0x19: {  	[sflag:s17] =	ssyncset.done $0x0  }
0x1a: {  	[sflag:s17] =	ssyncadd.s32 $0xFFFFC000  }
0x1b: {  	_ =	swait.ge [sflag:s23], $0x4000  }
0x1c: {  	[sflag:s23] =	ssyncset.done $0x0  }
0x1d: {  	[sflag:s23] =	ssyncadd.s32 $0xFFFFC000  }
0x1e: {  	[spmem:s1] =	stream.indirect.scatter.add.f32 [tilespmem:s21], [sflag:$0x3], $0x80, s25, s19, $0xb8;
	[tilespmem:$0x1E800] =	vst v63  }
0x1f: {  	_ =	swait.ge [sflag:s17], $0x4000  }
0x20: {  	s2 =	sadd.s32 $0x1, s2;
	[sflag:s17] =	ssyncset.done $0x0  }
0x21: {  	p1 =	sne.s32 s2, s11;
	[sflag:s17] =	ssyncadd.s32 $0xFFFFC000  }
.Ltmp1:
0x22: {  	s26 =	sadd.s32 s26, s7;
	[bflag:$0x0] =	sbarrier.arrive $0xFFFF;
	(pc) =	sbr.rel @!p1 .LBB2_13-.Ltmp1, $4  }
0x23: {  	[hbm:s26], [sflag:s10] =	dma.local [spmem:s16], $0x2800  }
0x24: {  	_ =	swait.ge [sflag:s17], $0x2800  }
0x25: {  	[sflag:s17] =	ssyncset.done $0x0  }
0x26: {  	[sflag:s17] =	ssyncadd.s32 $0xFFFFD800  }
.LBB2_1:
0x27: {  	[spmem:s16], [sflag:s10] =	dma.local [hbm:s9], $0x2800  }
.Ltmp2:
0x28: {  	_ =	swait.ge [sflag:s17], $0x2800;
	(pc) =	sbr.rel @!p0 .LBB2_2-.Ltmp2, $4  }
0x29: {  	[sflag:s17] =	ssyncset.done $0x0  }
0x2a: {  	[sflag:s17] =	ssyncadd.s32 $0xFFFFD800  }
0x2b: {  	[bflag:$0x0] =	sbarrier.arrive $0xFFFF  }
0x2c: {  	s26 =	simm.s32 $0x0  }
0x2d: {  	[tilespmem:s26], [sflag:$0x3] =	stream.linear.gather [hbm4b:s12+s26], $0x1400, $0x38;
	[tilespmem:$0x1E800] =	vst v63  }
0x2e: {  	_ =	swait.ge [sflag:s17], $0x1400  }
0x2f: {  	[sflag:s17] =	ssyncset.done $0x0  }
0x30: {  	[sflag:s17] =	ssyncadd.s32 $0xFFFFEC00  }
0x31: {  	[tilespmem:s18], [sflag:$0x3] =	stream.linear.gather [hbm4b:s13+s26], $0x1400, $0x38;
	[tilespmem:$0x1E800] =	vst v63  }
0x32: {  	_ =	swait.ge [sflag:s17], $0x1400  }
0x33: {  	[sflag:s17] =	ssyncset.done $0x0  }
0x34: {  	[sflag:s17] =	ssyncadd.s32 $0xFFFFEC00  }
0x35: {  	[tilespmem:s20], [sflag:$0x1] =	stream.indirect.gather [hbm4b:s4+s19], $0x80, s26, s19, $0xb8;
	[tilespmem:$0x1E800] =	vst v63  }
0x36: {  	_ = 	snop  }
0x37: {  	[tilespmem:s21], [sflag:$0x2] =	stream.indirect.gather [hbm4b:s4+s19], $0x80, s19, s19, $0xb8;
	[tilespmem:$0x1E800] =	vst v63  }
0x38: {  	_ =	swait.ge [sflag:s22], $0x4000  }
0x39: {  	[sflag:s22] =	ssyncset.done $0x0  }
0x3a: {  	s29 =	simm.s32 $0x1400;
	[sflag:s22] =	ssyncadd.s32 $0xFFFFC000  }
0x3b: {  	[spmem:s1] =	stream.indirect.scatter.add.f32 [tilespmem:s20], [sflag:$0x3], $0x80, s29, s19, $0xb8;
	[tilespmem:$0x1E800] =	vst v63  }
0x3c: {  	_ =	swait.ge [sflag:s17], $0x4000  }
0x3d: {  	[sflag:s17] =	ssyncset.done $0x0  }
0x3e: {  	s30 =	simm.s32 $0x100;
	[sflag:s17] =	ssyncadd.s32 $0xFFFFC000  }
0x3f: {  	[tilespmem:s20], [sflag:$0x1] =	stream.indirect.gather [hbm4b:s4+s19], $0x80, s30, s19, $0xb8;
	[tilespmem:$0x1E800] =	vst v63  }
0x40: {  	_ =	swait.ge [sflag:s23], $0x4000  }
0x41: {  	[sflag:s23] =	ssyncset.done $0x0  }
0x42: {  	s31 =	simm.s32 $0x1480;
	[sflag:s23] =	ssyncadd.s32 $0xFFFFC000  }
0x43: {  	[spmem:s1] =	stream.indirect.scatter.add.f32 [tilespmem:s21], [sflag:$0x3], $0x80, s31, s19, $0xb8;
	[tilespmem:$0x1E800] =	vst v63  }
0x44: {  	_ =	swait.ge [sflag:s17], $0x4000  }
0x45: {  	[sflag:s17] =	ssyncset.done $0x0  }
0x46: {  	s28 =	simm.s32 $0x180;
	s26 =	simm.s32 $0x400;
	[sflag:s17] =	ssyncadd.s32 $0xFFFFC000  }
.LBB2_8:
0x47: {  	[tilespmem:s21], [sflag:$0x2] =	stream.indirect.gather [hbm4b:s4+s19], $0x80, s28, s19, $0xb8;
	[tilespmem:$0x1E800] =	vst v63  }
0x48: {  	s28 =	smov.u32 s26  }
0x49: {  	p1 =	sne.s32 s26, $0x4800;
	s26 =	sadd.s32 $0x400, s26;
	_ =	swait.ge [sflag:s22], $0x4000  }
0x4a: {  	s28 =	sshra.s32 s28, $0x2;
	[sflag:s22] =	ssyncset.done $0x0  }
0x4b: {  	s29 =	sadd.s32 $0x1400, s28;
	[sflag:s22] =	ssyncadd.s32 $0xFFFFC000  }
0x4c: {  	[spmem:s1] =	stream.indirect.scatter.add.f32 [tilespmem:s20], [sflag:$0x3], $0x80, s29, s19, $0xb8;
	[tilespmem:$0x1E800] =	vst v63  }
0x4d: {  	_ =	swait.ge [sflag:s17], $0x4000  }
0x4e: {  	[sflag:s17] =	ssyncset.done $0x0  }
0x4f: {  	s29 =	sadd.s32 $0x100, s28;
	[sflag:s17] =	ssyncadd.s32 $0xFFFFC000  }
0x50: {  	[tilespmem:s20], [sflag:$0x1] =	stream.indirect.gather [hbm4b:s4+s19], $0x80, s29, s19, $0xb8;
	[tilespmem:$0x1E800] =	vst v63  }
0x51: {  	_ =	swait.ge [sflag:s23], $0x4000  }
0x52: {  	[sflag:s23] =	ssyncset.done $0x0  }
.Ltmp3:
0x53: {  	s29 =	sadd.s32 $0x1480, s28;
	[sflag:s23] =	ssyncadd.s32 $0xFFFFC000;
	(pc) =	sbr.rel @p1 .LBB2_8-.Ltmp3, $4  }
0x54: {  	[spmem:s1] =	stream.indirect.scatter.add.f32 [tilespmem:s21], [sflag:$0x3], $0x80, s29, s19, $0xb8;
	[tilespmem:$0x1E800] =	vst v63  }
0x55: {  	_ =	swait.ge [sflag:s17], $0x4000  }
0x56: {  	[sflag:s17] =	ssyncset.done $0x0  }
0x57: {  	s28 =	sadd.s32 $0x180, s28;
	[sflag:s17] =	ssyncadd.s32 $0xFFFFC000  }
0x58: {  	[tilespmem:s21], [sflag:$0x2] =	stream.indirect.gather [hbm4b:s4+s19], $0x80, s28, s19, $0xb8;
	[tilespmem:$0x1E800] =	vst v63  }
0x59: {  	_ =	swait.ge [sflag:s22], $0x4000  }
0x5a: {  	[sflag:s22] =	ssyncset.done $0x0  }
0x5b: {  	[sflag:s22] =	ssyncadd.s32 $0xFFFFC000  }
0x5c: {  	[spmem:s1] =	stream.indirect.scatter.add.f32 [tilespmem:s20], [sflag:$0x3], $0x80, s24, s19, $0xb8;
	[tilespmem:$0x1E800] =	vst v63  }
0x5d: {  	_ =	swait.ge [sflag:s17], $0x4000  }
0x5e: {  	[sflag:s17] =	ssyncset.done $0x0  }
0x5f: {  	[sflag:s17] =	ssyncadd.s32 $0xFFFFC000  }
0x60: {  	_ =	swait.ge [sflag:s23], $0x4000  }
0x61: {  	[sflag:s23] =	ssyncset.done $0x0  }
0x62: {  	[sflag:s23] =	ssyncadd.s32 $0xFFFFC000  }
0x63: {  	[spmem:s1] =	stream.indirect.scatter.add.f32 [tilespmem:s21], [sflag:$0x3], $0x80, s25, s19, $0xb8;
	[tilespmem:$0x1E800] =	vst v63  }
0x64: {  	_ =	swait.ge [sflag:s17], $0x4000  }
0x65: {  	[sflag:s17] =	ssyncset.done $0x0  }
0x66: {  	s26 =	simm.s32 $0x0;
	[sflag:s17] =	ssyncadd.s32 $0xFFFFC000  }
0x67: {  	[tilespmem:s26], [sflag:$0x3] =	stream.linear.gather [hbm4b:s14+s26], $0x1400, $0x38;
	[tilespmem:$0x1E800] =	vst v63  }
0x68: {  	_ =	swait.ge [sflag:s17], $0x1400  }
0x69: {  	[sflag:s17] =	ssyncset.done $0x0  }
0x6a: {  	[sflag:s17] =	ssyncadd.s32 $0xFFFFEC00  }
0x6b: {  	[tilespmem:s18], [sflag:$0x3] =	stream.linear.gather [hbm4b:s15+s26], $0x1400, $0x38;
	[tilespmem:$0x1E800] =	vst v63  }
0x6c: {  	_ =	swait.ge [sflag:s17], $0x1400  }
0x6d: {  	[sflag:s17] =	ssyncset.done $0x0  }
0x6e: {  	[sflag:s17] =	ssyncadd.s32 $0xFFFFEC00  }
0x6f: {  	[tilespmem:s20], [sflag:$0x1] =	stream.indirect.gather [hbm4b:s4+s19], $0x80, s26, s19, $0xb8;
	[tilespmem:$0x1E800] =	vst v63  }
0x70: {  	_ = 	snop  }
0x71: {  	[tilespmem:s21], [sflag:$0x2] =	stream.indirect.gather [hbm4b:s4+s19], $0x80, s19, s19, $0xb8;
	[tilespmem:$0x1E800] =	vst v63  }
0x72: {  	_ =	swait.ge [sflag:s22], $0x4000  }
0x73: {  	[sflag:s22] =	ssyncset.done $0x0  }
0x74: {  	s29 =	simm.s32 $0x1400;
	[sflag:s22] =	ssyncadd.s32 $0xFFFFC000  }
0x75: {  	[spmem:s1] =	stream.indirect.scatter.add.f32 [tilespmem:s20], [sflag:$0x3], $0x80, s29, s19, $0xb8;
	[tilespmem:$0x1E800] =	vst v63  }
0x76: {  	_ =	swait.ge [sflag:s17], $0x4000  }
0x77: {  	[sflag:s17] =	ssyncset.done $0x0  }
0x78: {  	s30 =	simm.s32 $0x100;
	[sflag:s17] =	ssyncadd.s32 $0xFFFFC000  }
0x79: {  	[tilespmem:s20], [sflag:$0x1] =	stream.indirect.gather [hbm4b:s4+s19], $0x80, s30, s19, $0xb8;
	[tilespmem:$0x1E800] =	vst v63  }
0x7a: {  	_ =	swait.ge [sflag:s23], $0x4000  }
0x7b: {  	[sflag:s23] =	ssyncset.done $0x0  }
0x7c: {  	s31 =	simm.s32 $0x1480;
	[sflag:s23] =	ssyncadd.s32 $0xFFFFC000  }
0x7d: {  	[spmem:s1] =	stream.indirect.scatter.add.f32 [tilespmem:s21], [sflag:$0x3], $0x80, s31, s19, $0xb8;
	[tilespmem:$0x1E800] =	vst v63  }
0x7e: {  	_ =	swait.ge [sflag:s17], $0x4000  }
0x7f: {  	[sflag:s17] =	ssyncset.done $0x0  }
0x80: {  	s28 =	simm.s32 $0x180;
	s26 =	simm.s32 $0x400;
	[sflag:s17] =	ssyncadd.s32 $0xFFFFC000  }
.LBB2_10:
0x81: {  	[tilespmem:s21], [sflag:$0x2] =	stream.indirect.gather [hbm4b:s4+s19], $0x80, s28, s19, $0xb8;
	[tilespmem:$0x1E800] =	vst v63  }
0x82: {  	s28 =	smov.u32 s26  }
0x83: {  	p1 =	seq.s32 s26, $0x4800;
	s26 =	sadd.s32 $0x400, s26;
	_ =	swait.ge [sflag:s22], $0x4000  }
0x84: {  	s28 =	sshra.s32 s28, $0x2;
	[sflag:s22] =	ssyncset.done $0x0  }
0x85: {  	s29 =	sadd.s32 $0x1400, s28;
	[sflag:s22] =	ssyncadd.s32 $0xFFFFC000  }
0x86: {  	[spmem:s1] =	stream.indirect.scatter.add.f32 [tilespmem:s20], [sflag:$0x3], $0x80, s29, s19, $0xb8;
	[tilespmem:$0x1E800] =	vst v63  }
0x87: {  	_ =	swait.ge [sflag:s17], $0x4000  }
0x88: {  	[sflag:s17] =	ssyncset.done $0x0  }
0x89: {  	s29 =	sadd.s32 $0x100, s28;
	[sflag:s17] =	ssyncadd.s32 $0xFFFFC000  }
0x8a: {  	[tilespmem:s20], [sflag:$0x1] =	stream.indirect.gather [hbm4b:s4+s19], $0x80, s29, s19, $0xb8;
	[tilespmem:$0x1E800] =	vst v63  }
0x8b: {  	_ =	swait.ge [sflag:s23], $0x4000  }
0x8c: {  	[sflag:s23] =	ssyncset.done $0x0  }
.Ltmp4:
0x8d: {  	s29 =	sadd.s32 $0x1480, s28;
	[sflag:s23] =	ssyncadd.s32 $0xFFFFC000;
	(pc) =	sbr.rel @!p1 .LBB2_10-.Ltmp4, $4  }
0x8e: {  	[spmem:s1] =	stream.indirect.scatter.add.f32 [tilespmem:s21], [sflag:$0x3], $0x80, s29, s19, $0xb8;
	[tilespmem:$0x1E800] =	vst v63  }
0x8f: {  	_ =	swait.ge [sflag:s17], $0x4000  }
0x90: {  	[sflag:s17] =	ssyncset.done $0x0  }
0x91: {  	s28 =	sadd.s32 $0x180, s28;
	[sflag:s17] =	ssyncadd.s32 $0xFFFFC000  }
.Ltmp5:
0x92: {  	_ = 	snop;
	(pc) =	sbr.rel .LBB2_11-.Ltmp5, $1  }
0x93: {  	_ =	sdelay $0x3  }
.LBB2_2:
0x94: {  	[tilespmem:s26], [sflag:$0x3] =	stream.linear.gather [hbm4b:s12+s26], $0x1400, $0x38;
	[tilespmem:$0x1E800] =	vst v63  }
0x95: {  	_ =	swait.ge [sflag:s17], $0x1400  }
0x96: {  	[sflag:s17] =	ssyncset.done $0x0  }
0x97: {  	[sflag:s17] =	ssyncadd.s32 $0xFFFFEC00  }
0x98: {  	[tilespmem:s18], [sflag:$0x3] =	stream.linear.gather [hbm4b:s13+s26], $0x1400, $0x38;
	[tilespmem:$0x1E800] =	vst v63  }
0x99: {  	_ =	swait.ge [sflag:s17], $0x1400  }
0x9a: {  	[sflag:s17] =	ssyncset.done $0x0  }
0x9b: {  	[sflag:s17] =	ssyncadd.s32 $0xFFFFEC00  }
0x9c: {  	[tilespmem:s20], [sflag:$0x1] =	stream.indirect.gather [hbm4b:s5+s19], $0x80, s26, s19, $0xb8;
	[tilespmem:$0x1E800] =	vst v63  }
0x9d: {  	_ = 	snop  }
0x9e: {  	[tilespmem:s21], [sflag:$0x2] =	stream.indirect.gather [hbm4b:s5+s19], $0x80, s19, s19, $0xb8;
	[tilespmem:$0x1E800] =	vst v63  }
0x9f: {  	_ =	swait.ge [sflag:s22], $0x4000  }
0xa0: {  	[sflag:s22] =	ssyncset.done $0x0  }
0xa1: {  	s29 =	simm.s32 $0x1400;
	[sflag:s22] =	ssyncadd.s32 $0xFFFFC000  }
0xa2: {  	[spmem:s1] =	stream.indirect.scatter.add.f32 [tilespmem:s20], [sflag:$0x3], $0x80, s29, s19, $0xb8;
	[tilespmem:$0x1E800] =	vst v63  }
0xa3: {  	_ =	swait.ge [sflag:s17], $0x4000  }
0xa4: {  	[sflag:s17] =	ssyncset.done $0x0  }
0xa5: {  	s30 =	simm.s32 $0x100;
	[sflag:s17] =	ssyncadd.s32 $0xFFFFC000  }
0xa6: {  	[tilespmem:s20], [sflag:$0x1] =	stream.indirect.gather [hbm4b:s5+s19], $0x80, s30, s19, $0xb8;
	[tilespmem:$0x1E800] =	vst v63  }
0xa7: {  	_ =	swait.ge [sflag:s23], $0x4000  }
0xa8: {  	[sflag:s23] =	ssyncset.done $0x0  }
0xa9: {  	s31 =	simm.s32 $0x1480;
	[sflag:s23] =	ssyncadd.s32 $0xFFFFC000  }
0xaa: {  	[spmem:s1] =	stream.indirect.scatter.add.f32 [tilespmem:s21], [sflag:$0x3], $0x80, s31, s19, $0xb8;
	[tilespmem:$0x1E800] =	vst v63  }
0xab: {  	_ =	swait.ge [sflag:s17], $0x4000  }
0xac: {  	[sflag:s17] =	ssyncset.done $0x0  }
0xad: {  	s28 =	simm.s32 $0x180;
	s26 =	simm.s32 $0x400;
	[sflag:s17] =	ssyncadd.s32 $0xFFFFC000  }
.LBB2_3:
0xae: {  	[tilespmem:s21], [sflag:$0x2] =	stream.indirect.gather [hbm4b:s5+s19], $0x80, s28, s19, $0xb8;
	[tilespmem:$0x1E800] =	vst v63  }
0xaf: {  	s28 =	smov.u32 s26  }
0xb0: {  	p1 =	sne.s32 s26, $0x4800;
	s26 =	sadd.s32 $0x400, s26;
	_ =	swait.ge [sflag:s22], $0x4000  }
0xb1: {  	s28 =	sshra.s32 s28, $0x2;
	[sflag:s22] =	ssyncset.done $0x0  }
0xb2: {  	s29 =	sadd.s32 $0x1400, s28;
	[sflag:s22] =	ssyncadd.s32 $0xFFFFC000  }
0xb3: {  	[spmem:s1] =	stream.indirect.scatter.add.f32 [tilespmem:s20], [sflag:$0x3], $0x80, s29, s19, $0xb8;
	[tilespmem:$0x1E800] =	vst v63  }
0xb4: {  	_ =	swait.ge [sflag:s17], $0x4000  }
0xb5: {  	[sflag:s17] =	ssyncset.done $0x0  }
0xb6: {  	s29 =	sadd.s32 $0x100, s28;
	[sflag:s17] =	ssyncadd.s32 $0xFFFFC000  }
0xb7: {  	[tilespmem:s20], [sflag:$0x1] =	stream.indirect.gather [hbm4b:s5+s19], $0x80, s29, s19, $0xb8;
	[tilespmem:$0x1E800] =	vst v63  }
0xb8: {  	_ =	swait.ge [sflag:s23], $0x4000  }
0xb9: {  	[sflag:s23] =	ssyncset.done $0x0  }
.Ltmp6:
0xba: {  	s29 =	sadd.s32 $0x1480, s28;
	[sflag:s23] =	ssyncadd.s32 $0xFFFFC000;
	(pc) =	sbr.rel @p1 .LBB2_3-.Ltmp6, $4  }
0xbb: {  	[spmem:s1] =	stream.indirect.scatter.add.f32 [tilespmem:s21], [sflag:$0x3], $0x80, s29, s19, $0xb8;
	[tilespmem:$0x1E800] =	vst v63  }
0xbc: {  	_ =	swait.ge [sflag:s17], $0x4000  }
0xbd: {  	[sflag:s17] =	ssyncset.done $0x0  }
0xbe: {  	s28 =	sadd.s32 $0x180, s28;
	[sflag:s17] =	ssyncadd.s32 $0xFFFFC000  }
0xbf: {  	[tilespmem:s21], [sflag:$0x2] =	stream.indirect.gather [hbm4b:s5+s19], $0x80, s28, s19, $0xb8;
	[tilespmem:$0x1E800] =	vst v63  }
0xc0: {  	_ =	swait.ge [sflag:s22], $0x4000  }
0xc1: {  	[sflag:s22] =	ssyncset.done $0x0  }
0xc2: {  	[sflag:s22] =	ssyncadd.s32 $0xFFFFC000  }
0xc3: {  	[spmem:s1] =	stream.indirect.scatter.add.f32 [tilespmem:s20], [sflag:$0x3], $0x80, s24, s19, $0xb8;
	[tilespmem:$0x1E800] =	vst v63  }
0xc4: {  	_ =	swait.ge [sflag:s17], $0x4000  }
0xc5: {  	[sflag:s17] =	ssyncset.done $0x0  }
0xc6: {  	[sflag:s17] =	ssyncadd.s32 $0xFFFFC000  }
0xc7: {  	_ =	swait.ge [sflag:s23], $0x4000  }
0xc8: {  	[sflag:s23] =	ssyncset.done $0x0  }
0xc9: {  	[sflag:s23] =	ssyncadd.s32 $0xFFFFC000  }
0xca: {  	[spmem:s1] =	stream.indirect.scatter.add.f32 [tilespmem:s21], [sflag:$0x3], $0x80, s25, s19, $0xb8;
	[tilespmem:$0x1E800] =	vst v63  }
0xcb: {  	_ =	swait.ge [sflag:s17], $0x4000  }
0xcc: {  	[sflag:s17] =	ssyncset.done $0x0  }
0xcd: {  	s26 =	simm.s32 $0x0;
	[sflag:s17] =	ssyncadd.s32 $0xFFFFC000  }
0xce: {  	[tilespmem:s26], [sflag:$0x3] =	stream.linear.gather [hbm4b:s14+s26], $0x1400, $0x38;
	[tilespmem:$0x1E800] =	vst v63  }
0xcf: {  	_ =	swait.ge [sflag:s17], $0x1400  }
0xd0: {  	[sflag:s17] =	ssyncset.done $0x0  }
0xd1: {  	[sflag:s17] =	ssyncadd.s32 $0xFFFFEC00  }
0xd2: {  	[tilespmem:s18], [sflag:$0x3] =	stream.linear.gather [hbm4b:s15+s26], $0x1400, $0x38;
	[tilespmem:$0x1E800] =	vst v63  }
0xd3: {  	_ =	swait.ge [sflag:s17], $0x1400  }
0xd4: {  	[sflag:s17] =	ssyncset.done $0x0  }
0xd5: {  	[sflag:s17] =	ssyncadd.s32 $0xFFFFEC00  }
0xd6: {  	[tilespmem:s20], [sflag:$0x1] =	stream.indirect.gather [hbm4b:s5+s19], $0x80, s26, s19, $0xb8;
	[tilespmem:$0x1E800] =	vst v63  }
0xd7: {  	_ = 	snop  }
0xd8: {  	[tilespmem:s21], [sflag:$0x2] =	stream.indirect.gather [hbm4b:s5+s19], $0x80, s19, s19, $0xb8;
	[tilespmem:$0x1E800] =	vst v63  }
0xd9: {  	_ =	swait.ge [sflag:s22], $0x4000  }
0xda: {  	[sflag:s22] =	ssyncset.done $0x0  }
0xdb: {  	s29 =	simm.s32 $0x1400;
	[sflag:s22] =	ssyncadd.s32 $0xFFFFC000  }
0xdc: {  	[spmem:s1] =	stream.indirect.scatter.add.f32 [tilespmem:s20], [sflag:$0x3], $0x80, s29, s19, $0xb8;
	[tilespmem:$0x1E800] =	vst v63  }
0xdd: {  	_ =	swait.ge [sflag:s17], $0x4000  }
0xde: {  	[sflag:s17] =	ssyncset.done $0x0  }
0xdf: {  	s30 =	simm.s32 $0x100;
	[sflag:s17] =	ssyncadd.s32 $0xFFFFC000  }
0xe0: {  	[tilespmem:s20], [sflag:$0x1] =	stream.indirect.gather [hbm4b:s5+s19], $0x80, s30, s19, $0xb8;
	[tilespmem:$0x1E800] =	vst v63  }
0xe1: {  	_ =	swait.ge [sflag:s23], $0x4000  }
0xe2: {  	[sflag:s23] =	ssyncset.done $0x0  }
0xe3: {  	s31 =	simm.s32 $0x1480;
	[sflag:s23] =	ssyncadd.s32 $0xFFFFC000  }
0xe4: {  	[spmem:s1] =	stream.indirect.scatter.add.f32 [tilespmem:s21], [sflag:$0x3], $0x80, s31, s19, $0xb8;
	[tilespmem:$0x1E800] =	vst v63  }
0xe5: {  	_ =	swait.ge [sflag:s17], $0x4000  }
0xe6: {  	[sflag:s17] =	ssyncset.done $0x0  }
0xe7: {  	s28 =	simm.s32 $0x180;
	s26 =	simm.s32 $0x400;
	[sflag:s17] =	ssyncadd.s32 $0xFFFFC000  }
.LBB2_5:
0xe8: {  	[tilespmem:s21], [sflag:$0x2] =	stream.indirect.gather [hbm4b:s5+s19], $0x80, s28, s19, $0xb8;
	[tilespmem:$0x1E800] =	vst v63  }
0xe9: {  	s28 =	smov.u32 s26  }
0xea: {  	p1 =	sne.s32 s26, $0x4800;
	s26 =	sadd.s32 $0x400, s26;
	_ =	swait.ge [sflag:s22], $0x4000  }
0xeb: {  	s28 =	sshra.s32 s28, $0x2;
	[sflag:s22] =	ssyncset.done $0x0  }
0xec: {  	s29 =	sadd.s32 $0x1400, s28;
	[sflag:s22] =	ssyncadd.s32 $0xFFFFC000  }
0xed: {  	[spmem:s1] =	stream.indirect.scatter.add.f32 [tilespmem:s20], [sflag:$0x3], $0x80, s29, s19, $0xb8;
	[tilespmem:$0x1E800] =	vst v63  }
0xee: {  	_ =	swait.ge [sflag:s17], $0x4000  }
0xef: {  	[sflag:s17] =	ssyncset.done $0x0  }
0xf0: {  	s29 =	sadd.s32 $0x100, s28;
	[sflag:s17] =	ssyncadd.s32 $0xFFFFC000  }
0xf1: {  	[tilespmem:s20], [sflag:$0x1] =	stream.indirect.gather [hbm4b:s5+s19], $0x80, s29, s19, $0xb8;
	[tilespmem:$0x1E800] =	vst v63  }
0xf2: {  	_ =	swait.ge [sflag:s23], $0x4000  }
0xf3: {  	[sflag:s23] =	ssyncset.done $0x0  }
.Ltmp7:
0xf4: {  	s29 =	sadd.s32 $0x1480, s28;
	[sflag:s23] =	ssyncadd.s32 $0xFFFFC000;
	(pc) =	sbr.rel @p1 .LBB2_5-.Ltmp7, $4  }
0xf5: {  	[spmem:s1] =	stream.indirect.scatter.add.f32 [tilespmem:s21], [sflag:$0x3], $0x80, s29, s19, $0xb8;
	[tilespmem:$0x1E800] =	vst v63  }
0xf6: {  	_ =	swait.ge [sflag:s17], $0x4000  }
0xf7: {  	[sflag:s17] =	ssyncset.done $0x0  }
0xf8: {  	s28 =	sadd.s32 $0x180, s28;
	[sflag:s17] =	ssyncadd.s32 $0xFFFFC000  }
.Ltmp8:
0xf9: {  	(pc) =	sbr.rel .LBB2_12-.Ltmp8, $3  }
0xfa: {  	_ =	sdelay $0x1  }
0xfb: {  	[tilespmem:s21], [sflag:$0x2] =	stream.indirect.gather [hbm4b:s5+s19], $0x80, s28, s19, $0xb8;
	[tilespmem:$0x1E800] =	vst v63  }
0xfc: {  	s26 =	smov.u32 s8  }
.LBB2_13:
0xfd: {  	_ =	sfence.sel $0x180000  }
0xfe: {  	[bflag:$0x0] =	sbarrier.arrive $0xFFFF  }
0xff: {  	p0 =	sne.s32 s3, $0x0;
	_ =	strace $0x9000004A  }
0x100: {  	s0 =	sadd.s32 @!p0 $0x100000, s0;
	[bflag:$0x2] =	sbarrier.arrive $0xFFFF  }
0x101: {  	[sflag:s0] =	ssyncadd.tile.s32 @!p0 $0x1;
	_ =	shalt  }
.Lfunc_end2:
_tile_overlayer_lowered:
.L_overlay_start_2:
0x102: {  	(tag) =	ssettag $0x2  }
0x103: {  	s0 =	rddreg [dreg:$0x0];
	s2 =	stileid.u32  }
0x104: {  	s1 =	rddreg [dreg:$0x1];
	p0 =	sne.s32 s2, $0x0  }
0x105: {  	s3 =	rddreg [dreg:$0x2];
	[bflag:$0x3] =	sbarrier.arrive $0xFFFF;
	s2 =	simm.s32 @!p0 $0x1C03  }
0x106: {  	[timem:s3], [sflag:s2] =	dma.local @!p0 [hbm:s0], s1  }
0x107: {  	s0 =	simm.s32 @!p0 $0x3  }
0x108: {  	_ =	swait.ge @!p0 [sflag:s0], s1  }
0x109: {  	s1 =	ssub.s32 @!p0 $0x0, s1;
	[sflag:s0] =	ssyncset.done @!p0 $0x0  }
0x10a: {  	[sflag:s0] =	ssyncadd.s32 @!p0 s1  }
0x10b: {  	[bflag:$0x3] =	sbarrier.arrive $0xFFFF  }
0x10c: {  	_ =	shalt  }

// kernel: kernel.16.cloned.1.call-start
scs
__scs_entry_jumppad:
0x0: {  	(pc) =	sbr.rel $0x88, $3  }
0x1: {  	(tag) =	ssettag $0x0;
	lr =	simm.s32 $0x1  }
0x2: {  	[smem:$0x3F99] =	sst lr;
	_ =	strace $0xD0000000  }
0x3: {  	_ = 	snop  }
0x4: {  	_ = 	snop  }
0x5: {  	_ = 	snop  }
0x6: {  	_ = 	snop  }
0x7: {  	_ = 	snop  }
__scs_overlays_trampoline_lowered:
0x8: {  	[smem:$0x3FA8] =	sst s0  }
0x9: {  	[smem:$0x3FA9] =	sst s1  }
0xa: {  	[smem:$0x3FAA] =	sst s2  }
0xb: {  	[smem:$0x3FAB] =	sst s3  }
0xc: {  	[smem:$0x3FAC] =	sst s4  }
0xd: {  	[smem:$0x3FAD] =	sst s5  }
0xe: {  	[smem:$0x3FAE] =	sst s6  }
0xf: {  	[smem:$0x3FAF] =	sst s7  }
0x10: {  	[smem:$0x3FB0] =	sst s8  }
0x11: {  	[smem:$0x3FB1] =	sst s9;
	s0 =	simm.s32 @!p0 $0x0  }
0x12: {  	s1 =	sld [smem:$0x3F97];
	s0 =	simm.s32 @p0 $0x1  }
0x13: {  	[smem:$0x3FB2] =	sst s0;
	s0 =	simm.s32 @!p1 $0x0  }
0x14: {  	s2 =	sld [smem:$0x3F96];
	s0 =	simm.s32 @p1 $0x1  }
0x15: {  	[smem:$0x3FB3] =	sst s0;
	s0 =	simm.s32 @!p2 $0x0  }
0x16: {  	s3 =	sld [smem:$0x3FDB];
	s0 =	simm.s32 @p2 $0x1  }
0x17: {  	s4 =	simm.s32 $0x1BF5;
	[smem:$0x3FB5] =	sst s0  }
0x18: {  	s0 =	sld [smem:$0x3F98];
	_ =	swait.ge [sflag:s4], $0x0  }
0x19: {  	s7 =	sld [smem:$0x3F99]  }
0x1a: {  	s8 =	sadd.s32 $0xFFFFE003, lr  }
0x1b: {  	s9 =	sadd.s32 $0xFFFFFEF7, lr;
	s5 =	simm.s32 $0xFFFFFFFF;
	p2 =	slt.u32 s8, $0xFFFFF086  }
0x1c: {  	p1 =	slt.u32 s9, $0xF7A;
	s5 =	simm.s32 @!p2 $0x0  }
0x1d: {  	s5 =	simm.s32 @p1 $0x1;
	p0 =	seq.s32 s7, s2  }
0x1e: {  	s7 =	smul.u32 @!p0 $0xF7A, s2;
	p2 =	seq.s32 @!p0 s5, $0x0  }
0x1f: {  	s9 =	smul.u32 $0xF7A, s1;
	s8 =	simm.s32 @!p0 $0x1BF5;
	p2 =	por !p2, p0  }
0x20: {  	[sflag:s8] =	ssyncset.s32 @!p0 $0xFFFFF086;
	s6 =	sadd.s32 @!p0 s3, s7;
	s7 =	simm.s32 @!p0 $0x108  }
0x21: {  	s3 =	sadd.s32 s3, s9;
	s6 =	sadd.s32 @!p0 $0x88, s6;
	s7 =	simm.s32 @p2 $0x1082  }
0x22: {  	[simem:s7], [sflag:s8] =	dma.local @!p0 [hbm:s6], $0xF7A  }
0x23: {  	s9 =	sor.u32 $0xD0000000, s2;
	s6 =	simm.s32 $0x108;
	_ =	swait.ge @!p0 [sflag:s8], $0x0  }
0x24: {  	s3 =	sadd.s32 $0x88, s3;
	s6 =	simm.s32 @!p1 $0x1082;
	[sflag:s4] =	ssyncset.s32 $0xFFFFF086  }
0x25: {  	[simem:s6], [sflag:s4] =	dma.local [hbm:s3], $0xF7A  }
0x26: {  	[smem:$0x3F99] =	sst s1;
	(tag) =	ssettag s2;
	_ =	strace s9  }
0x27: {  	s1 =	sld [smem:$0x3FA9]  }
0x28: {  	s2 =	sld [smem:$0x3FAA]  }
0x29: {  	s4 =	sld [smem:$0x3FAC]  }
0x2a: {  	p0 =	seq.s32 s5, $0x0;
	s5 =	sld [smem:$0x3FAD]  }
0x2b: {  	s6 =	sld [smem:$0x3FAE]  }
0x2c: {  	s7 =	sld [smem:$0x3FAF]  }
0x2d: {  	s3 =	simm.s32 $0x108;
	s8 =	sld [smem:$0x3FB0]  }
0x2e: {  	s3 =	simm.s32 @!p0 $0x1082;
	s9 =	sld [smem:$0x3FB1]  }
0x2f: {  	lr =	sadd.s32 s0, s3;
	s0 =	sld [smem:$0x3FA8]  }
0x30: {  	s3 =	sld [smem:$0x3FAB]  }
0x31: {  	[smem:$0x3FB4] =	sst s10  }
0x32: {  	s10 =	sld [smem:$0x3FB2];
	_ =	sdelay $0x3  }
0x33: {  	p0 =	seq.s32 s10, $0x1;
	s10 =	sld [smem:$0x3FB4];
	_ =	sdelay $0x3  }
0x34: {  	[smem:$0x3FB4] =	sst s10  }
0x35: {  	s10 =	sld [smem:$0x3FB3];
	_ =	sdelay $0x3  }
0x36: {  	p1 =	seq.s32 s10, $0x1;
	s10 =	sld [smem:$0x3FB4];
	_ =	sdelay $0x3  }
0x37: {  	[smem:$0x3FB4] =	sst s10  }
0x38: {  	s10 =	sld [smem:$0x3FB5]  }
0x39: {  	_ = 	snop;
	(pc) =	sbr.ind lr, $3  }
0x3a: {  	_ = 	snop  }
0x3b: {  	_ = 	snop  }
0x3c: {  	p2 =	seq.s32 s10, $0x1;
	s10 =	sld [smem:$0x3FB4]  }
0x3d: {  	_ =	shalt  }
0x3e: {  	_ =	shalt  }
0x3f: {  	_ =	shalt  }
0x40: {  	_ =	shalt  }
0x41: {  	_ =	shalt  }
0x42: {  	_ =	shalt  }
0x43: {  	_ =	shalt  }
0x44: {  	_ =	shalt  }
0x45: {  	_ =	shalt  }
0x46: {  	_ =	shalt  }
0x47: {  	_ =	shalt  }
0x48: {  	_ =	shalt  }
0x49: {  	_ =	shalt  }
0x4a: {  	_ =	shalt  }
0x4b: {  	_ =	shalt  }
0x4c: {  	_ =	shalt  }
0x4d: {  	_ =	shalt  }
0x4e: {  	_ =	shalt  }
0x4f: {  	_ =	shalt  }
0x50: {  	_ =	shalt  }
0x51: {  	_ =	shalt  }
0x52: {  	_ =	shalt  }
0x53: {  	_ =	shalt  }
0x54: {  	_ =	shalt  }
0x55: {  	_ =	shalt  }
0x56: {  	_ =	shalt  }
0x57: {  	_ =	shalt  }
0x58: {  	_ =	shalt  }
0x59: {  	_ =	shalt  }
0x5a: {  	_ =	shalt  }
0x5b: {  	_ =	shalt  }
0x5c: {  	_ =	shalt  }
0x5d: {  	_ =	shalt  }
0x5e: {  	_ =	shalt  }
0x5f: {  	_ =	shalt  }
0x60: {  	_ =	shalt  }
0x61: {  	_ =	shalt  }
0x62: {  	_ =	shalt  }
0x63: {  	_ =	shalt  }
0x64: {  	_ =	shalt  }
0x65: {  	_ =	shalt  }
0x66: {  	_ =	shalt  }
0x67: {  	_ =	shalt  }
0x68: {  	_ =	shalt  }
0x69: {  	_ =	shalt  }
0x6a: {  	_ =	shalt  }
0x6b: {  	_ =	shalt  }
0x6c: {  	_ =	shalt  }
0x6d: {  	_ =	shalt  }
0x6e: {  	_ =	shalt  }
0x6f: {  	_ =	shalt  }
0x70: {  	_ =	shalt  }
0x71: {  	_ =	shalt  }
0x72: {  	_ =	shalt  }
0x73: {  	_ =	shalt  }
0x74: {  	_ =	shalt  }
0x75: {  	_ =	shalt  }
0x76: {  	_ =	shalt  }
0x77: {  	_ =	shalt  }
0x78: {  	_ =	shalt  }
0x79: {  	_ =	shalt  }
0x7a: {  	_ =	shalt  }
0x7b: {  	_ =	shalt  }
0x7c: {  	_ =	shalt  }
0x7d: {  	_ =	shalt  }
0x7e: {  	_ =	shalt  }
0x7f: {  	_ =	shalt  }
0x80: {  	_ =	shalt  }
0x81: {  	_ =	shalt  }
0x82: {  	_ =	shalt  }
0x83: {  	_ =	shalt  }
0x84: {  	_ =	shalt  }
0x85: {  	_ =	shalt  }
0x86: {  	_ =	shalt  }
0x87: {  	_ =	shalt  }
.Lfunc_end0:
.L_simem_size_0:
called_computation.2_lowered:
.L_overlay_start_0:
0x88: {  	s2 =	sld [smem:$0x3FD9]  }
0x89: {  	s3 =	sld [smem:$0x3FFE];
	_ =	sdelay $0x1  }
0x8a: {  	s1 =	srdreg.scid  }
0x8b: {  	s0 =	sand.u32 $0x1, s1  }
0x8c: {  	s17 =	sshll.u32 s0, $0xA;
	s2 =	sadd.s32 s3, s2  }
0x8d: {  	s2 =	sadd.s32 s2, s17  }
0x8e: {  	[smem:$0x3FC0] =	sst s2  }
0x8f: {  	_ = 	snop  }
0x90: {  	s2 =	sld [smem:$0x3FD0];
	(tm) =	ssettm $0x1  }
0x91: {  	s18 =	sld [smem:$0x3FFB];
	_ =	sdelay $0x3  }
0x92: {  	_ =	strace s18  }
0x93: {  	s3 =	sld [smem:$0x3FFC];
	_ =	sdelay $0x3  }
0x94: {  	_ =	strace s3  }
0x95: {  	s3 =	sld [smem:$0x3FFD];
	_ =	sdelay $0x3  }
0x96: {  	_ =	strace s3  }
0x97: {  	_ =	strace $0x8FFFFFFF  }
0x98: {  	s19 =	sld [smem:$0x3FDB];
	_ =	sdelay $0x1  }
0x99: {  	s4 =	simm.s32 $_scs_section_size  }
0x9a: {  	s5 =	simm.s32 $_size__tile_overlayer_lowered;
	s6 =	simm.s32 $_tile_overlayer_lowered  }
0x9b: {  	s22 =	simm.s32 $0x1BFF;
	s21 =	sshll.u32 s6, $0x1;
	s3 =	sadd.s32 s4, s19  }
0x9c: {  	s7 =	simm.s32 $0x0;
	s20 =	sshll.u32 s5, $0x1;
	s5 =	sadd.s32 s21, s3  }
0x9d: {  	[timem:s7], [sflag:s22] =	dma.local [hbm:s5], s20  }
0x9e: {  	_ =	swait.ge [sflag:s22], s20  }
0x9f: {  	s4 =	ssub.s32 $0x0, s20;
	[sflag:s22] =	ssyncset.done $0x0  }
0xa0: {  	[sflag:s22] =	ssyncadd.s32 s4;
	_ =	sdelay $0x1  }
0xa1: {  	s23 =	simm.s32 $0x1B8B  }
0xa2: {  	_ =	swait.ge [sflag:s23], $0x1  }
0xa3: {  	[sflag:s23] =	ssyncset.done $0x0  }
0xa4: {  	s25 =	simm.s32 $0x1B8E;
	s24 =	sld [smem:$0x3FFE];
	[sflag:s23] =	ssyncadd.s32 $0xFFFFFFFF  }
0xa5: {  	s26 =	simm.s32 $execute0_lowered;
	[smem:$0x3FD2] =	sst s25  }
0xa6: {  	s5 =	sshll.u32 s26, $0x1;
	_ =	strace $0x8000004C;
	[dreg:$0x1] =	wrdreg $0xFFFFFFFF  }
0xa7: {  	s28 =	simm.s32 $_size_execute0_lowered;
	s3 =	sadd.s32 s3, s5;
	[dreg:$0x0] =	wrdreg $0x0  }
0xa8: {  	s5 =	sshll.u32 s28, $0x1;
	[dreg:$0x2] =	wrdreg s3  }
0xa9: {  	[dreg:$0x3] =	wrdreg s5  }
0xaa: {  	[dreg:$0x4] =	wrdreg $0xC0  }
0xab: {  	_ =	task [dreg:s7], $0x5FFFF  }
0xac: {  	[dreg:$0x1] =	wrdreg $0xFFFFFFFF  }
0xad: {  	[dreg:$0x0] =	wrdreg $0x60  }
0xae: {  	[dreg:$0x2] =	wrdreg s24  }
0xaf: {  	[dreg:$0x3] =	wrdreg s2  }
0xb0: {  	[dreg:$0x4] =	wrdreg $0xA8000  }
0xb1: {  	[dreg:$0x5] =	wrdreg $0x9  }
0xb2: {  	_ =	task.clear_ibuf [dreg:s7], $0x6FFFF;
	_ =	strace $0x9000004C  }
0xb3: {  	s29 =	simm.s32 $0x9;
	_ =	strace $0x8000004E  }
0xb4: {  	_ =	swait.ge [sflag:s29], $0x1  }
0xb5: {  	[sflag:s29] =	ssyncadd.s32 $0xFFFFFFFF  }
0xb6: {  	_ =	strace $0x9000004E  }
0xb7: {  	_ =	sfence  }
0xb8: {  	s30 =	sld [smem:$0x0];
	_ =	sdelay $0x2  }
0xb9: {  	s31 =	sshll.u32 s1, $0xD;
	s1 =	sshrl.u32 s1, $0x2  }
0xba: {  	s3 =	sand.u32 $0x4000, s31;
	s1 =	sadd.s32 s1, s30  }
0xbb: {  	s0 =	sor.u32 s3, s0;
	s1 =	sshll.u32 s1, $0x11  }
0xbc: {  	s0 =	sor.u32 s1, s0  }
0xbd: {  	s0 =	sadd.s32 $0x8F2B, s0  }
0xbe: {  	[sflag:s0] =	ssyncadd.remote.s32 $0x1  }
0xbf: {  	_ =	sfence.sel $0xFFFF  }
0xc0: {  	[dreg:$0x0] =	wrdreg $0xFFFFFFFF;
	(pc) =	sbr.abs _section_cstart, $3  }
0xc1: {  	[dreg:$0x1] =	wrdreg $0xFFFFFFFF  }
0xc2: {  	_ =	task.clear_ibuf [dreg:s7], $0x2FFFF;
	_ =	strace $0x9FFFFFFF  }
0xc3: {  	(tm) =	ssettm $0x7FFFFFFF  }
tec
execute0_lowered:
.L_overlay_start_1:
0x0: {  	(tag) =	ssettag $0x1  }
0x1: {  	s8 =	rddreg [dreg:$0x0]  }
0x2: {  	s9 =	rddreg [dreg:$0x1]  }
0x3: {  	s1 =	rddreg [dreg:$0x2]  }
0x4: {  	s0 =	rddreg [dreg:$0x3];
	s2 =	simm.s32 $0x0;
	s6 =	srdreg.scid  }
0x5: {  	s3 =	stileid.u32;
	s19 =	simm.s32 $0x80;
	s20 =	simm.s32 $0x2800  }
0x6: {  	s21 =	simm.s32 $0x6800;
	s22 =	simm.s32 $0x1;
	s23 =	simm.s32 $0x2  }
0x7: {  	s24 =	simm.s32 $0x2700;
	s25 =	simm.s32 $0x2780;
	[smem:$0x7FF] =	sst s2  }
0x8: {  	s4 =	sadd.s32 $0x5F600, s8;
	s5 =	sadd.s32 $0x87600, s8;
	s14 =	sadd.s32 $0x9E00, s8  }
0x9: {  	s16 =	sand.u32 $0x1, s6;
	s7 =	smul.u32 $0x50000, s3;
	s15 =	sadd.s32 $0x4E00, s8  }
0xa: {  	s6 =	sadd.s32 $0xAF600, s8;
	s8 =	sadd.s32 $0xD7600, s8;
	s31 =	sshll.u32 s3, $0x6  }
0xb: {  	_ =	strace $0x8000004D;
	s10 =	ssub.s32 $0x2, s16;
	p0 =	seq.s32 s16, $0x0  }
0xc: {  	s11 =	sshrl.u32 s10, $0x1;
	s12 =	sshrl.u32 s7, $0x2;
	s7 =	smul.u32 $0x2800, s3  }
.Ltmp0:
0xd: {  	s11 =	ssub.s32 s10, s11;
	s17 =	sadd.s32 s12, s1;
	(pc) =	sbr.rel .LBB2_1-.Ltmp0, $4  }
0xe: {  	s10 =	sor.u32 $0x1C03, s31;
	s9 =	sadd.s32 s9, s7;
	s13 =	sshrl.u32 s7, $0x3  }
0xf: {  	s11 =	smax.u32 s11, $0x1;
	s16 =	sshrl.u32 s17, $0x3;
	s17 =	simm.s32 $0x3  }
0x10: {  	s18 =	sadd.s32 $0x280, s13;
	s12 =	sadd.s32 s14, s13;
	s13 =	sadd.s32 s15, s13  }
0x11: {  	s14 =	sadd.s32 s14, s18;
	s15 =	sadd.s32 s15, s18;
	s18 =	simm.s32 $0x1400  }
.LBB2_11:
0x12: {  	[tilespmem:s21], [sflag:$0x2] =	stream.indirect.gather [hbm4b:s4+s19], $0x80, s28, s19, $0xb8;
	[tilespmem:$0x1E800] =	vst v63  }
0x13: {  	s26 =	smov.u32 s6  }
.LBB2_12:
0x14: {  	_ =	swait.ge [sflag:s22], $0x4000  }
0x15: {  	[sflag:s22] =	ssyncset.done $0x0  }
0x16: {  	[sflag:s22] =	ssyncadd.s32 $0xFFFFC000  }
0x17: {  	[spmem:s1] =	stream.indirect.scatter.add.f32 [tilespmem:s20], [sflag:$0x3], $0x80, s24, s19, $0xb8;
	[tilespmem:$0x1E800] =	vst v63  }
0x18: {  	_ =	swait.ge [sflag:s17], $0x4000  }
0x19: {  	[sflag:s17] =	ssyncset.done $0x0  }
0x1a: {  	[sflag:s17] =	ssyncadd.s32 $0xFFFFC000  }
0x1b: {  	_ =	swait.ge [sflag:s23], $0x4000  }
0x1c: {  	[sflag:s23] =	ssyncset.done $0x0  }
0x1d: {  	[sflag:s23] =	ssyncadd.s32 $0xFFFFC000  }
0x1e: {  	[spmem:s1] =	stream.indirect.scatter.add.f32 [tilespmem:s21], [sflag:$0x3], $0x80, s25, s19, $0xb8;
	[tilespmem:$0x1E800] =	vst v63  }
0x1f: {  	_ =	swait.ge [sflag:s17], $0x4000  }
0x20: {  	s2 =	sadd.s32 $0x1, s2;
	[sflag:s17] =	ssyncset.done $0x0  }
0x21: {  	p1 =	sne.s32 s2, s11;
	[sflag:s17] =	ssyncadd.s32 $0xFFFFC000  }
.Ltmp1:
0x22: {  	s26 =	sadd.s32 s26, s7;
	[bflag:$0x0] =	sbarrier.arrive $0xFFFF;
	(pc) =	sbr.rel @!p1 .LBB2_13-.Ltmp1, $4  }
0x23: {  	[hbm:s26], [sflag:s10] =	dma.local [spmem:s16], $0x2800  }
0x24: {  	_ =	swait.ge [sflag:s17], $0x2800  }
0x25: {  	[sflag:s17] =	ssyncset.done $0x0  }
0x26: {  	[sflag:s17] =	ssyncadd.s32 $0xFFFFD800  }
.LBB2_1:
0x27: {  	[spmem:s16], [sflag:s10] =	dma.local [hbm:s9], $0x2800  }
.Ltmp2:
0x28: {  	_ =	swait.ge [sflag:s17], $0x2800;
	(pc) =	sbr.rel @!p0 .LBB2_2-.Ltmp2, $4  }
0x29: {  	[sflag:s17] =	ssyncset.done $0x0  }
0x2a: {  	[sflag:s17] =	ssyncadd.s32 $0xFFFFD800  }
0x2b: {  	[bflag:$0x0] =	sbarrier.arrive $0xFFFF  }
0x2c: {  	s26 =	simm.s32 $0x0  }
0x2d: {  	[tilespmem:s26], [sflag:$0x3] =	stream.linear.gather [hbm4b:s12+s26], $0x1400, $0x38;
	[tilespmem:$0x1E800] =	vst v63  }
0x2e: {  	_ =	swait.ge [sflag:s17], $0x1400  }
0x2f: {  	[sflag:s17] =	ssyncset.done $0x0  }
0x30: {  	[sflag:s17] =	ssyncadd.s32 $0xFFFFEC00  }
0x31: {  	[tilespmem:s18], [sflag:$0x3] =	stream.linear.gather [hbm4b:s13+s26], $0x1400, $0x38;
	[tilespmem:$0x1E800] =	vst v63  }
0x32: {  	_ =	swait.ge [sflag:s17], $0x1400  }
0x33: {  	[sflag:s17] =	ssyncset.done $0x0  }
0x34: {  	[sflag:s17] =	ssyncadd.s32 $0xFFFFEC00  }
0x35: {  	[tilespmem:s20], [sflag:$0x1] =	stream.indirect.gather [hbm4b:s4+s19], $0x80, s26, s19, $0xb8;
	[tilespmem:$0x1E800] =	vst v63  }
0x36: {  	_ = 	snop  }
0x37: {  	[tilespmem:s21], [sflag:$0x2] =	stream.indirect.gather [hbm4b:s4+s19], $0x80, s19, s19, $0xb8;
	[tilespmem:$0x1E800] =	vst v63  }
0x38: {  	_ =	swait.ge [sflag:s22], $0x4000  }
0x39: {  	[sflag:s22] =	ssyncset.done $0x0  }
0x3a: {  	s29 =	simm.s32 $0x1400;
	[sflag:s22] =	ssyncadd.s32 $0xFFFFC000  }
0x3b: {  	[spmem:s1] =	stream.indirect.scatter.add.f32 [tilespmem:s20], [sflag:$0x3], $0x80, s29, s19, $0xb8;
	[tilespmem:$0x1E800] =	vst v63  }
0x3c: {  	_ =	swait.ge [sflag:s17], $0x4000  }
0x3d: {  	[sflag:s17] =	ssyncset.done $0x0  }
0x3e: {  	s30 =	simm.s32 $0x100;
	[sflag:s17] =	ssyncadd.s32 $0xFFFFC000  }
0x3f: {  	[tilespmem:s20], [sflag:$0x1] =	stream.indirect.gather [hbm4b:s4+s19], $0x80, s30, s19, $0xb8;
	[tilespmem:$0x1E800] =	vst v63  }
0x40: {  	_ =	swait.ge [sflag:s23], $0x4000  }
0x41: {  	[sflag:s23] =	ssyncset.done $0x0  }
0x42: {  	s31 =	simm.s32 $0x1480;
	[sflag:s23] =	ssyncadd.s32 $0xFFFFC000  }
0x43: {  	[spmem:s1] =	stream.indirect.scatter.add.f32 [tilespmem:s21], [sflag:$0x3], $0x80, s31, s19, $0xb8;
	[tilespmem:$0x1E800] =	vst v63  }
0x44: {  	_ =	swait.ge [sflag:s17], $0x4000  }
0x45: {  	[sflag:s17] =	ssyncset.done $0x0  }
0x46: {  	s28 =	simm.s32 $0x180;
	s26 =	simm.s32 $0x400;
	[sflag:s17] =	ssyncadd.s32 $0xFFFFC000  }
.LBB2_8:
0x47: {  	[tilespmem:s21], [sflag:$0x2] =	stream.indirect.gather [hbm4b:s4+s19], $0x80, s28, s19, $0xb8;
	[tilespmem:$0x1E800] =	vst v63  }
0x48: {  	s28 =	smov.u32 s26  }
0x49: {  	p1 =	sne.s32 s26, $0x4800;
	s26 =	sadd.s32 $0x400, s26;
	_ =	swait.ge [sflag:s22], $0x4000  }
0x4a: {  	s28 =	sshra.s32 s28, $0x2;
	[sflag:s22] =	ssyncset.done $0x0  }
0x4b: {  	s29 =	sadd.s32 $0x1400, s28;
	[sflag:s22] =	ssyncadd.s32 $0xFFFFC000  }
0x4c: {  	[spmem:s1] =	stream.indirect.scatter.add.f32 [tilespmem:s20], [sflag:$0x3], $0x80, s29, s19, $0xb8;
	[tilespmem:$0x1E800] =	vst v63  }
0x4d: {  	_ =	swait.ge [sflag:s17], $0x4000  }
0x4e: {  	[sflag:s17] =	ssyncset.done $0x0  }
0x4f: {  	s29 =	sadd.s32 $0x100, s28;
	[sflag:s17] =	ssyncadd.s32 $0xFFFFC000  }
0x50: {  	[tilespmem:s20], [sflag:$0x1] =	stream.indirect.gather [hbm4b:s4+s19], $0x80, s29, s19, $0xb8;
	[tilespmem:$0x1E800] =	vst v63  }
0x51: {  	_ =	swait.ge [sflag:s23], $0x4000  }
0x52: {  	[sflag:s23] =	ssyncset.done $0x0  }
.Ltmp3:
0x53: {  	s29 =	sadd.s32 $0x1480, s28;
	[sflag:s23] =	ssyncadd.s32 $0xFFFFC000;
	(pc) =	sbr.rel @p1 .LBB2_8-.Ltmp3, $4  }
0x54: {  	[spmem:s1] =	stream.indirect.scatter.add.f32 [tilespmem:s21], [sflag:$0x3], $0x80, s29, s19, $0xb8;
	[tilespmem:$0x1E800] =	vst v63  }
0x55: {  	_ =	swait.ge [sflag:s17], $0x4000  }
0x56: {  	[sflag:s17] =	ssyncset.done $0x0  }
0x57: {  	s28 =	sadd.s32 $0x180, s28;
	[sflag:s17] =	ssyncadd.s32 $0xFFFFC000  }
0x58: {  	[tilespmem:s21], [sflag:$0x2] =	stream.indirect.gather [hbm4b:s4+s19], $0x80, s28, s19, $0xb8;
	[tilespmem:$0x1E800] =	vst v63  }
0x59: {  	_ =	swait.ge [sflag:s22], $0x4000  }
0x5a: {  	[sflag:s22] =	ssyncset.done $0x0  }
0x5b: {  	[sflag:s22] =	ssyncadd.s32 $0xFFFFC000  }
0x5c: {  	[spmem:s1] =	stream.indirect.scatter.add.f32 [tilespmem:s20], [sflag:$0x3], $0x80, s24, s19, $0xb8;
	[tilespmem:$0x1E800] =	vst v63  }
0x5d: {  	_ =	swait.ge [sflag:s17], $0x4000  }
0x5e: {  	[sflag:s17] =	ssyncset.done $0x0  }
0x5f: {  	[sflag:s17] =	ssyncadd.s32 $0xFFFFC000  }
0x60: {  	_ =	swait.ge [sflag:s23], $0x4000  }
0x61: {  	[sflag:s23] =	ssyncset.done $0x0  }
0x62: {  	[sflag:s23] =	ssyncadd.s32 $0xFFFFC000  }
0x63: {  	[spmem:s1] =	stream.indirect.scatter.add.f32 [tilespmem:s21], [sflag:$0x3], $0x80, s25, s19, $0xb8;
	[tilespmem:$0x1E800] =	vst v63  }
0x64: {  	_ =	swait.ge [sflag:s17], $0x4000  }
0x65: {  	[sflag:s17] =	ssyncset.done $0x0  }
0x66: {  	s26 =	simm.s32 $0x0;
	[sflag:s17] =	ssyncadd.s32 $0xFFFFC000  }
0x67: {  	[tilespmem:s26], [sflag:$0x3] =	stream.linear.gather [hbm4b:s14+s26], $0x1400, $0x38;
	[tilespmem:$0x1E800] =	vst v63  }
0x68: {  	_ =	swait.ge [sflag:s17], $0x1400  }
0x69: {  	[sflag:s17] =	ssyncset.done $0x0  }
0x6a: {  	[sflag:s17] =	ssyncadd.s32 $0xFFFFEC00  }
0x6b: {  	[tilespmem:s18], [sflag:$0x3] =	stream.linear.gather [hbm4b:s15+s26], $0x1400, $0x38;
	[tilespmem:$0x1E800] =	vst v63  }
0x6c: {  	_ =	swait.ge [sflag:s17], $0x1400  }
0x6d: {  	[sflag:s17] =	ssyncset.done $0x0  }
0x6e: {  	[sflag:s17] =	ssyncadd.s32 $0xFFFFEC00  }
0x6f: {  	[tilespmem:s20], [sflag:$0x1] =	stream.indirect.gather [hbm4b:s4+s19], $0x80, s26, s19, $0xb8;
	[tilespmem:$0x1E800] =	vst v63  }
0x70: {  	_ = 	snop  }
0x71: {  	[tilespmem:s21], [sflag:$0x2] =	stream.indirect.gather [hbm4b:s4+s19], $0x80, s19, s19, $0xb8;
	[tilespmem:$0x1E800] =	vst v63  }
0x72: {  	_ =	swait.ge [sflag:s22], $0x4000  }
0x73: {  	[sflag:s22] =	ssyncset.done $0x0  }
0x74: {  	s29 =	simm.s32 $0x1400;
	[sflag:s22] =	ssyncadd.s32 $0xFFFFC000  }
0x75: {  	[spmem:s1] =	stream.indirect.scatter.add.f32 [tilespmem:s20], [sflag:$0x3], $0x80, s29, s19, $0xb8;
	[tilespmem:$0x1E800] =	vst v63  }
0x76: {  	_ =	swait.ge [sflag:s17], $0x4000  }
0x77: {  	[sflag:s17] =	ssyncset.done $0x0  }
0x78: {  	s30 =	simm.s32 $0x100;
	[sflag:s17] =	ssyncadd.s32 $0xFFFFC000  }
0x79: {  	[tilespmem:s20], [sflag:$0x1] =	stream.indirect.gather [hbm4b:s4+s19], $0x80, s30, s19, $0xb8;
	[tilespmem:$0x1E800] =	vst v63  }
0x7a: {  	_ =	swait.ge [sflag:s23], $0x4000  }
0x7b: {  	[sflag:s23] =	ssyncset.done $0x0  }
0x7c: {  	s31 =	simm.s32 $0x1480;
	[sflag:s23] =	ssyncadd.s32 $0xFFFFC000  }
0x7d: {  	[spmem:s1] =	stream.indirect.scatter.add.f32 [tilespmem:s21], [sflag:$0x3], $0x80, s31, s19, $0xb8;
	[tilespmem:$0x1E800] =	vst v63  }
0x7e: {  	_ =	swait.ge [sflag:s17], $0x4000  }
0x7f: {  	[sflag:s17] =	ssyncset.done $0x0  }
0x80: {  	s28 =	simm.s32 $0x180;
	s26 =	simm.s32 $0x400;
	[sflag:s17] =	ssyncadd.s32 $0xFFFFC000  }
.LBB2_10:
0x81: {  	[tilespmem:s21], [sflag:$0x2] =	stream.indirect.gather [hbm4b:s4+s19], $0x80, s28, s19, $0xb8;
	[tilespmem:$0x1E800] =	vst v63  }
0x82: {  	s28 =	smov.u32 s26  }
0x83: {  	p1 =	seq.s32 s26, $0x4800;
	s26 =	sadd.s32 $0x400, s26;
	_ =	swait.ge [sflag:s22], $0x4000  }
0x84: {  	s28 =	sshra.s32 s28, $0x2;
	[sflag:s22] =	ssyncset.done $0x0  }
0x85: {  	s29 =	sadd.s32 $0x1400, s28;
	[sflag:s22] =	ssyncadd.s32 $0xFFFFC000  }
0x86: {  	[spmem:s1] =	stream.indirect.scatter.add.f32 [tilespmem:s20], [sflag:$0x3], $0x80, s29, s19, $0xb8;
	[tilespmem:$0x1E800] =	vst v63  }
0x87: {  	_ =	swait.ge [sflag:s17], $0x4000  }
0x88: {  	[sflag:s17] =	ssyncset.done $0x0  }
0x89: {  	s29 =	sadd.s32 $0x100, s28;
	[sflag:s17] =	ssyncadd.s32 $0xFFFFC000  }
0x8a: {  	[tilespmem:s20], [sflag:$0x1] =	stream.indirect.gather [hbm4b:s4+s19], $0x80, s29, s19, $0xb8;
	[tilespmem:$0x1E800] =	vst v63  }
0x8b: {  	_ =	swait.ge [sflag:s23], $0x4000  }
0x8c: {  	[sflag:s23] =	ssyncset.done $0x0  }
.Ltmp4:
0x8d: {  	s29 =	sadd.s32 $0x1480, s28;
	[sflag:s23] =	ssyncadd.s32 $0xFFFFC000;
	(pc) =	sbr.rel @!p1 .LBB2_10-.Ltmp4, $4  }
0x8e: {  	[spmem:s1] =	stream.indirect.scatter.add.f32 [tilespmem:s21], [sflag:$0x3], $0x80, s29, s19, $0xb8;
	[tilespmem:$0x1E800] =	vst v63  }
0x8f: {  	_ =	swait.ge [sflag:s17], $0x4000  }
0x90: {  	[sflag:s17] =	ssyncset.done $0x0  }
0x91: {  	s28 =	sadd.s32 $0x180, s28;
	[sflag:s17] =	ssyncadd.s32 $0xFFFFC000  }
.Ltmp5:
0x92: {  	_ = 	snop;
	(pc) =	sbr.rel .LBB2_11-.Ltmp5, $1  }
0x93: {  	_ =	sdelay $0x3  }
.LBB2_2:
0x94: {  	[tilespmem:s26], [sflag:$0x3] =	stream.linear.gather [hbm4b:s12+s26], $0x1400, $0x38;
	[tilespmem:$0x1E800] =	vst v63  }
0x95: {  	_ =	swait.ge [sflag:s17], $0x1400  }
0x96: {  	[sflag:s17] =	ssyncset.done $0x0  }
0x97: {  	[sflag:s17] =	ssyncadd.s32 $0xFFFFEC00  }
0x98: {  	[tilespmem:s18], [sflag:$0x3] =	stream.linear.gather [hbm4b:s13+s26], $0x1400, $0x38;
	[tilespmem:$0x1E800] =	vst v63  }
0x99: {  	_ =	swait.ge [sflag:s17], $0x1400  }
0x9a: {  	[sflag:s17] =	ssyncset.done $0x0  }
0x9b: {  	[sflag:s17] =	ssyncadd.s32 $0xFFFFEC00  }
0x9c: {  	[tilespmem:s20], [sflag:$0x1] =	stream.indirect.gather [hbm4b:s5+s19], $0x80, s26, s19, $0xb8;
	[tilespmem:$0x1E800] =	vst v63  }
0x9d: {  	_ = 	snop  }
0x9e: {  	[tilespmem:s21], [sflag:$0x2] =	stream.indirect.gather [hbm4b:s5+s19], $0x80, s19, s19, $0xb8;
	[tilespmem:$0x1E800] =	vst v63  }
0x9f: {  	_ =	swait.ge [sflag:s22], $0x4000  }
0xa0: {  	[sflag:s22] =	ssyncset.done $0x0  }
0xa1: {  	s29 =	simm.s32 $0x1400;
	[sflag:s22] =	ssyncadd.s32 $0xFFFFC000  }
0xa2: {  	[spmem:s1] =	stream.indirect.scatter.add.f32 [tilespmem:s20], [sflag:$0x3], $0x80, s29, s19, $0xb8;
	[tilespmem:$0x1E800] =	vst v63  }
0xa3: {  	_ =	swait.ge [sflag:s17], $0x4000  }
0xa4: {  	[sflag:s17] =	ssyncset.done $0x0  }
0xa5: {  	s30 =	simm.s32 $0x100;
	[sflag:s17] =	ssyncadd.s32 $0xFFFFC000  }
0xa6: {  	[tilespmem:s20], [sflag:$0x1] =	stream.indirect.gather [hbm4b:s5+s19], $0x80, s30, s19, $0xb8;
	[tilespmem:$0x1E800] =	vst v63  }
0xa7: {  	_ =	swait.ge [sflag:s23], $0x4000  }
0xa8: {  	[sflag:s23] =	ssyncset.done $0x0  }
0xa9: {  	s31 =	simm.s32 $0x1480;
	[sflag:s23] =	ssyncadd.s32 $0xFFFFC000  }
0xaa: {  	[spmem:s1] =	stream.indirect.scatter.add.f32 [tilespmem:s21], [sflag:$0x3], $0x80, s31, s19, $0xb8;
	[tilespmem:$0x1E800] =	vst v63  }
0xab: {  	_ =	swait.ge [sflag:s17], $0x4000  }
0xac: {  	[sflag:s17] =	ssyncset.done $0x0  }
0xad: {  	s28 =	simm.s32 $0x180;
	s26 =	simm.s32 $0x400;
	[sflag:s17] =	ssyncadd.s32 $0xFFFFC000  }
.LBB2_3:
0xae: {  	[tilespmem:s21], [sflag:$0x2] =	stream.indirect.gather [hbm4b:s5+s19], $0x80, s28, s19, $0xb8;
	[tilespmem:$0x1E800] =	vst v63  }
0xaf: {  	s28 =	smov.u32 s26  }
0xb0: {  	p1 =	sne.s32 s26, $0x4800;
	s26 =	sadd.s32 $0x400, s26;
	_ =	swait.ge [sflag:s22], $0x4000  }
0xb1: {  	s28 =	sshra.s32 s28, $0x2;
	[sflag:s22] =	ssyncset.done $0x0  }
0xb2: {  	s29 =	sadd.s32 $0x1400, s28;
	[sflag:s22] =	ssyncadd.s32 $0xFFFFC000  }
0xb3: {  	[spmem:s1] =	stream.indirect.scatter.add.f32 [tilespmem:s20], [sflag:$0x3], $0x80, s29, s19, $0xb8;
	[tilespmem:$0x1E800] =	vst v63  }
0xb4: {  	_ =	swait.ge [sflag:s17], $0x4000  }
0xb5: {  	[sflag:s17] =	ssyncset.done $0x0  }
0xb6: {  	s29 =	sadd.s32 $0x100, s28;
	[sflag:s17] =	ssyncadd.s32 $0xFFFFC000  }
0xb7: {  	[tilespmem:s20], [sflag:$0x1] =	stream.indirect.gather [hbm4b:s5+s19], $0x80, s29, s19, $0xb8;
	[tilespmem:$0x1E800] =	vst v63  }
0xb8: {  	_ =	swait.ge [sflag:s23], $0x4000  }
0xb9: {  	[sflag:s23] =	ssyncset.done $0x0  }
.Ltmp6:
0xba: {  	s29 =	sadd.s32 $0x1480, s28;
	[sflag:s23] =	ssyncadd.s32 $0xFFFFC000;
	(pc) =	sbr.rel @p1 .LBB2_3-.Ltmp6, $4  }
0xbb: {  	[spmem:s1] =	stream.indirect.scatter.add.f32 [tilespmem:s21], [sflag:$0x3], $0x80, s29, s19, $0xb8;
	[tilespmem:$0x1E800] =	vst v63  }
0xbc: {  	_ =	swait.ge [sflag:s17], $0x4000  }
0xbd: {  	[sflag:s17] =	ssyncset.done $0x0  }
0xbe: {  	s28 =	sadd.s32 $0x180, s28;
	[sflag:s17] =	ssyncadd.s32 $0xFFFFC000  }
0xbf: {  	[tilespmem:s21], [sflag:$0x2] =	stream.indirect.gather [hbm4b:s5+s19], $0x80, s28, s19, $0xb8;
	[tilespmem:$0x1E800] =	vst v63  }
0xc0: {  	_ =	swait.ge [sflag:s22], $0x4000  }
0xc1: {  	[sflag:s22] =	ssyncset.done $0x0  }
0xc2: {  	[sflag:s22] =	ssyncadd.s32 $0xFFFFC000  }
0xc3: {  	[spmem:s1] =	stream.indirect.scatter.add.f32 [tilespmem:s20], [sflag:$0x3], $0x80, s24, s19, $0xb8;
	[tilespmem:$0x1E800] =	vst v63  }
0xc4: {  	_ =	swait.ge [sflag:s17], $0x4000  }
0xc5: {  	[sflag:s17] =	ssyncset.done $0x0  }
0xc6: {  	[sflag:s17] =	ssyncadd.s32 $0xFFFFC000  }
0xc7: {  	_ =	swait.ge [sflag:s23], $0x4000  }
0xc8: {  	[sflag:s23] =	ssyncset.done $0x0  }
0xc9: {  	[sflag:s23] =	ssyncadd.s32 $0xFFFFC000  }
0xca: {  	[spmem:s1] =	stream.indirect.scatter.add.f32 [tilespmem:s21], [sflag:$0x3], $0x80, s25, s19, $0xb8;
	[tilespmem:$0x1E800] =	vst v63  }
0xcb: {  	_ =	swait.ge [sflag:s17], $0x4000  }
0xcc: {  	[sflag:s17] =	ssyncset.done $0x0  }
0xcd: {  	s26 =	simm.s32 $0x0;
	[sflag:s17] =	ssyncadd.s32 $0xFFFFC000  }
0xce: {  	[tilespmem:s26], [sflag:$0x3] =	stream.linear.gather [hbm4b:s14+s26], $0x1400, $0x38;
	[tilespmem:$0x1E800] =	vst v63  }
0xcf: {  	_ =	swait.ge [sflag:s17], $0x1400  }
0xd0: {  	[sflag:s17] =	ssyncset.done $0x0  }
0xd1: {  	[sflag:s17] =	ssyncadd.s32 $0xFFFFEC00  }
0xd2: {  	[tilespmem:s18], [sflag:$0x3] =	stream.linear.gather [hbm4b:s15+s26], $0x1400, $0x38;
	[tilespmem:$0x1E800] =	vst v63  }
0xd3: {  	_ =	swait.ge [sflag:s17], $0x1400  }
0xd4: {  	[sflag:s17] =	ssyncset.done $0x0  }
0xd5: {  	[sflag:s17] =	ssyncadd.s32 $0xFFFFEC00  }
0xd6: {  	[tilespmem:s20], [sflag:$0x1] =	stream.indirect.gather [hbm4b:s5+s19], $0x80, s26, s19, $0xb8;
	[tilespmem:$0x1E800] =	vst v63  }
0xd7: {  	_ = 	snop  }
0xd8: {  	[tilespmem:s21], [sflag:$0x2] =	stream.indirect.gather [hbm4b:s5+s19], $0x80, s19, s19, $0xb8;
	[tilespmem:$0x1E800] =	vst v63  }
0xd9: {  	_ =	swait.ge [sflag:s22], $0x4000  }
0xda: {  	[sflag:s22] =	ssyncset.done $0x0  }
0xdb: {  	s29 =	simm.s32 $0x1400;
	[sflag:s22] =	ssyncadd.s32 $0xFFFFC000  }
0xdc: {  	[spmem:s1] =	stream.indirect.scatter.add.f32 [tilespmem:s20], [sflag:$0x3], $0x80, s29, s19, $0xb8;
	[tilespmem:$0x1E800] =	vst v63  }
0xdd: {  	_ =	swait.ge [sflag:s17], $0x4000  }
0xde: {  	[sflag:s17] =	ssyncset.done $0x0  }
0xdf: {  	s30 =	simm.s32 $0x100;
	[sflag:s17] =	ssyncadd.s32 $0xFFFFC000  }
0xe0: {  	[tilespmem:s20], [sflag:$0x1] =	stream.indirect.gather [hbm4b:s5+s19], $0x80, s30, s19, $0xb8;
	[tilespmem:$0x1E800] =	vst v63  }
0xe1: {  	_ =	swait.ge [sflag:s23], $0x4000  }
0xe2: {  	[sflag:s23] =	ssyncset.done $0x0  }
0xe3: {  	s31 =	simm.s32 $0x1480;
	[sflag:s23] =	ssyncadd.s32 $0xFFFFC000  }
0xe4: {  	[spmem:s1] =	stream.indirect.scatter.add.f32 [tilespmem:s21], [sflag:$0x3], $0x80, s31, s19, $0xb8;
	[tilespmem:$0x1E800] =	vst v63  }
0xe5: {  	_ =	swait.ge [sflag:s17], $0x4000  }
0xe6: {  	[sflag:s17] =	ssyncset.done $0x0  }
0xe7: {  	s28 =	simm.s32 $0x180;
	s26 =	simm.s32 $0x400;
	[sflag:s17] =	ssyncadd.s32 $0xFFFFC000  }
.LBB2_5:
0xe8: {  	[tilespmem:s21], [sflag:$0x2] =	stream.indirect.gather [hbm4b:s5+s19], $0x80, s28, s19, $0xb8;
	[tilespmem:$0x1E800] =	vst v63  }
0xe9: {  	s28 =	smov.u32 s26  }
0xea: {  	p1 =	sne.s32 s26, $0x4800;
	s26 =	sadd.s32 $0x400, s26;
	_ =	swait.ge [sflag:s22], $0x4000  }
0xeb: {  	s28 =	sshra.s32 s28, $0x2;
	[sflag:s22] =	ssyncset.done $0x0  }
0xec: {  	s29 =	sadd.s32 $0x1400, s28;
	[sflag:s22] =	ssyncadd.s32 $0xFFFFC000  }
0xed: {  	[spmem:s1] =	stream.indirect.scatter.add.f32 [tilespmem:s20], [sflag:$0x3], $0x80, s29, s19, $0xb8;
	[tilespmem:$0x1E800] =	vst v63  }
0xee: {  	_ =	swait.ge [sflag:s17], $0x4000  }
0xef: {  	[sflag:s17] =	ssyncset.done $0x0  }
0xf0: {  	s29 =	sadd.s32 $0x100, s28;
	[sflag:s17] =	ssyncadd.s32 $0xFFFFC000  }
0xf1: {  	[tilespmem:s20], [sflag:$0x1] =	stream.indirect.gather [hbm4b:s5+s19], $0x80, s29, s19, $0xb8;
	[tilespmem:$0x1E800] =	vst v63  }
0xf2: {  	_ =	swait.ge [sflag:s23], $0x4000  }
0xf3: {  	[sflag:s23] =	ssyncset.done $0x0  }
.Ltmp7:
0xf4: {  	s29 =	sadd.s32 $0x1480, s28;
	[sflag:s23] =	ssyncadd.s32 $0xFFFFC000;
	(pc) =	sbr.rel @p1 .LBB2_5-.Ltmp7, $4  }
0xf5: {  	[spmem:s1] =	stream.indirect.scatter.add.f32 [tilespmem:s21], [sflag:$0x3], $0x80, s29, s19, $0xb8;
	[tilespmem:$0x1E800] =	vst v63  }
0xf6: {  	_ =	swait.ge [sflag:s17], $0x4000  }
0xf7: {  	[sflag:s17] =	ssyncset.done $0x0  }
0xf8: {  	s28 =	sadd.s32 $0x180, s28;
	[sflag:s17] =	ssyncadd.s32 $0xFFFFC000  }
.Ltmp8:
0xf9: {  	(pc) =	sbr.rel .LBB2_12-.Ltmp8, $3  }
0xfa: {  	_ =	sdelay $0x1  }
0xfb: {  	[tilespmem:s21], [sflag:$0x2] =	stream.indirect.gather [hbm4b:s5+s19], $0x80, s28, s19, $0xb8;
	[tilespmem:$0x1E800] =	vst v63  }
0xfc: {  	s26 =	smov.u32 s8  }
.LBB2_13:
0xfd: {  	_ =	sfence.sel $0x180000  }
0xfe: {  	[bflag:$0x0] =	sbarrier.arrive $0xFFFF  }
0xff: {  	p0 =	sne.s32 s3, $0x0;
	_ =	strace $0x9000004D  }
0x100: {  	s0 =	sadd.s32 @!p0 $0x100000, s0;
	[bflag:$0x2] =	sbarrier.arrive $0xFFFF  }
0x101: {  	[sflag:s0] =	ssyncadd.tile.s32 @!p0 $0x1;
	_ =	shalt  }
.Lfunc_end2:
_tile_overlayer_lowered:
.L_overlay_start_2:
0x102: {  	(tag) =	ssettag $0x2  }
0x103: {  	s0 =	rddreg [dreg:$0x0];
	s2 =	stileid.u32  }
0x104: {  	s1 =	rddreg [dreg:$0x1];
	p0 =	sne.s32 s2, $0x0  }
0x105: {  	s3 =	rddreg [dreg:$0x2];
	[bflag:$0x3] =	sbarrier.arrive $0xFFFF;
	s2 =	simm.s32 @!p0 $0x1C03  }
0x106: {  	[timem:s3], [sflag:s2] =	dma.local @!p0 [hbm:s0], s1  }
0x107: {  	s0 =	simm.s32 @!p0 $0x3  }
0x108: {  	_ =	swait.ge @!p0 [sflag:s0], s1  }
0x109: {  	s1 =	ssub.s32 @!p0 $0x0, s1;
	[sflag:s0] =	ssyncset.done @!p0 $0x0  }
0x10a: {  	[sflag:s0] =	ssyncadd.s32 @!p0 s1  }
0x10b: {  	[bflag:$0x3] =	sbarrier.arrive $0xFFFF  }
0x10c: {  	_ =	shalt  }

// kernel: kernel.19.cloned.1.call-start
scs
__scs_entry_jumppad:
0x0: {  	(pc) =	sbr.rel $0x88, $3  }
0x1: {  	(tag) =	ssettag $0x0;
	lr =	simm.s32 $0x1  }
0x2: {  	[smem:$0x3F99] =	sst lr;
	_ =	strace $0xD0000000  }
0x3: {  	_ = 	snop  }
0x4: {  	_ = 	snop  }
0x5: {  	_ = 	snop  }
0x6: {  	_ = 	snop  }
0x7: {  	_ = 	snop  }
__scs_overlays_trampoline_lowered:
0x8: {  	[smem:$0x3FA8] =	sst s0  }
0x9: {  	[smem:$0x3FA9] =	sst s1  }
0xa: {  	[smem:$0x3FAA] =	sst s2  }
0xb: {  	[smem:$0x3FAB] =	sst s3  }
0xc: {  	[smem:$0x3FAC] =	sst s4  }
0xd: {  	[smem:$0x3FAD] =	sst s5  }
0xe: {  	[smem:$0x3FAE] =	sst s6  }
0xf: {  	[smem:$0x3FAF] =	sst s7  }
0x10: {  	[smem:$0x3FB0] =	sst s8  }
0x11: {  	[smem:$0x3FB1] =	sst s9;
	s0 =	simm.s32 @!p0 $0x0  }
0x12: {  	s1 =	sld [smem:$0x3F97];
	s0 =	simm.s32 @p0 $0x1  }
0x13: {  	[smem:$0x3FB2] =	sst s0;
	s0 =	simm.s32 @!p1 $0x0  }
0x14: {  	s2 =	sld [smem:$0x3F96];
	s0 =	simm.s32 @p1 $0x1  }
0x15: {  	[smem:$0x3FB3] =	sst s0;
	s0 =	simm.s32 @!p2 $0x0  }
0x16: {  	s3 =	sld [smem:$0x3FDB];
	s0 =	simm.s32 @p2 $0x1  }
0x17: {  	s4 =	simm.s32 $0x1BF5;
	[smem:$0x3FB5] =	sst s0  }
0x18: {  	s0 =	sld [smem:$0x3F98];
	_ =	swait.ge [sflag:s4], $0x0  }
0x19: {  	s7 =	sld [smem:$0x3F99]  }
0x1a: {  	s8 =	sadd.s32 $0xFFFFE003, lr  }
0x1b: {  	s9 =	sadd.s32 $0xFFFFFEF7, lr;
	s5 =	simm.s32 $0xFFFFFFFF;
	p2 =	slt.u32 s8, $0xFFFFF086  }
0x1c: {  	p1 =	slt.u32 s9, $0xF7A;
	s5 =	simm.s32 @!p2 $0x0  }
0x1d: {  	s5 =	simm.s32 @p1 $0x1;
	p0 =	seq.s32 s7, s2  }
0x1e: {  	s7 =	smul.u32 @!p0 $0xF7A, s2;
	p2 =	seq.s32 @!p0 s5, $0x0  }
0x1f: {  	s9 =	smul.u32 $0xF7A, s1;
	s8 =	simm.s32 @!p0 $0x1BF5;
	p2 =	por !p2, p0  }
0x20: {  	[sflag:s8] =	ssyncset.s32 @!p0 $0xFFFFF086;
	s6 =	sadd.s32 @!p0 s3, s7;
	s7 =	simm.s32 @!p0 $0x108  }
0x21: {  	s3 =	sadd.s32 s3, s9;
	s6 =	sadd.s32 @!p0 $0x88, s6;
	s7 =	simm.s32 @p2 $0x1082  }
0x22: {  	[simem:s7], [sflag:s8] =	dma.local @!p0 [hbm:s6], $0xF7A  }
0x23: {  	s9 =	sor.u32 $0xD0000000, s2;
	s6 =	simm.s32 $0x108;
	_ =	swait.ge @!p0 [sflag:s8], $0x0  }
0x24: {  	s3 =	sadd.s32 $0x88, s3;
	s6 =	simm.s32 @!p1 $0x1082;
	[sflag:s4] =	ssyncset.s32 $0xFFFFF086  }
0x25: {  	[simem:s6], [sflag:s4] =	dma.local [hbm:s3], $0xF7A  }
0x26: {  	[smem:$0x3F99] =	sst s1;
	(tag) =	ssettag s2;
	_ =	strace s9  }
0x27: {  	s1 =	sld [smem:$0x3FA9]  }
0x28: {  	s2 =	sld [smem:$0x3FAA]  }
0x29: {  	s4 =	sld [smem:$0x3FAC]  }
0x2a: {  	p0 =	seq.s32 s5, $0x0;
	s5 =	sld [smem:$0x3FAD]  }
0x2b: {  	s6 =	sld [smem:$0x3FAE]  }
0x2c: {  	s7 =	sld [smem:$0x3FAF]  }
0x2d: {  	s3 =	simm.s32 $0x108;
	s8 =	sld [smem:$0x3FB0]  }
0x2e: {  	s3 =	simm.s32 @!p0 $0x1082;
	s9 =	sld [smem:$0x3FB1]  }
0x2f: {  	lr =	sadd.s32 s0, s3;
	s0 =	sld [smem:$0x3FA8]  }
0x30: {  	s3 =	sld [smem:$0x3FAB]  }
0x31: {  	[smem:$0x3FB4] =	sst s10  }
0x32: {  	s10 =	sld [smem:$0x3FB2];
	_ =	sdelay $0x3  }
0x33: {  	p0 =	seq.s32 s10, $0x1;
	s10 =	sld [smem:$0x3FB4];
	_ =	sdelay $0x3  }
0x34: {  	[smem:$0x3FB4] =	sst s10  }
0x35: {  	s10 =	sld [smem:$0x3FB3];
	_ =	sdelay $0x3  }
0x36: {  	p1 =	seq.s32 s10, $0x1;
	s10 =	sld [smem:$0x3FB4];
	_ =	sdelay $0x3  }
0x37: {  	[smem:$0x3FB4] =	sst s10  }
0x38: {  	s10 =	sld [smem:$0x3FB5]  }
0x39: {  	_ = 	snop;
	(pc) =	sbr.ind lr, $3  }
0x3a: {  	_ = 	snop  }
0x3b: {  	_ = 	snop  }
0x3c: {  	p2 =	seq.s32 s10, $0x1;
	s10 =	sld [smem:$0x3FB4]  }
0x3d: {  	_ =	shalt  }
0x3e: {  	_ =	shalt  }
0x3f: {  	_ =	shalt  }
0x40: {  	_ =	shalt  }
0x41: {  	_ =	shalt  }
0x42: {  	_ =	shalt  }
0x43: {  	_ =	shalt  }
0x44: {  	_ =	shalt  }
0x45: {  	_ =	shalt  }
0x46: {  	_ =	shalt  }
0x47: {  	_ =	shalt  }
0x48: {  	_ =	shalt  }
0x49: {  	_ =	shalt  }
0x4a: {  	_ =	shalt  }
0x4b: {  	_ =	shalt  }
0x4c: {  	_ =	shalt  }
0x4d: {  	_ =	shalt  }
0x4e: {  	_ =	shalt  }
0x4f: {  	_ =	shalt  }
0x50: {  	_ =	shalt  }
0x51: {  	_ =	shalt  }
0x52: {  	_ =	shalt  }
0x53: {  	_ =	shalt  }
0x54: {  	_ =	shalt  }
0x55: {  	_ =	shalt  }
0x56: {  	_ =	shalt  }
0x57: {  	_ =	shalt  }
0x58: {  	_ =	shalt  }
0x59: {  	_ =	shalt  }
0x5a: {  	_ =	shalt  }
0x5b: {  	_ =	shalt  }
0x5c: {  	_ =	shalt  }
0x5d: {  	_ =	shalt  }
0x5e: {  	_ =	shalt  }
0x5f: {  	_ =	shalt  }
0x60: {  	_ =	shalt  }
0x61: {  	_ =	shalt  }
0x62: {  	_ =	shalt  }
0x63: {  	_ =	shalt  }
0x64: {  	_ =	shalt  }
0x65: {  	_ =	shalt  }
0x66: {  	_ =	shalt  }
0x67: {  	_ =	shalt  }
0x68: {  	_ =	shalt  }
0x69: {  	_ =	shalt  }
0x6a: {  	_ =	shalt  }
0x6b: {  	_ =	shalt  }
0x6c: {  	_ =	shalt  }
0x6d: {  	_ =	shalt  }
0x6e: {  	_ =	shalt  }
0x6f: {  	_ =	shalt  }
0x70: {  	_ =	shalt  }
0x71: {  	_ =	shalt  }
0x72: {  	_ =	shalt  }
0x73: {  	_ =	shalt  }
0x74: {  	_ =	shalt  }
0x75: {  	_ =	shalt  }
0x76: {  	_ =	shalt  }
0x77: {  	_ =	shalt  }
0x78: {  	_ =	shalt  }
0x79: {  	_ =	shalt  }
0x7a: {  	_ =	shalt  }
0x7b: {  	_ =	shalt  }
0x7c: {  	_ =	shalt  }
0x7d: {  	_ =	shalt  }
0x7e: {  	_ =	shalt  }
0x7f: {  	_ =	shalt  }
0x80: {  	_ =	shalt  }
0x81: {  	_ =	shalt  }
0x82: {  	_ =	shalt  }
0x83: {  	_ =	shalt  }
0x84: {  	_ =	shalt  }
0x85: {  	_ =	shalt  }
0x86: {  	_ =	shalt  }
0x87: {  	_ =	shalt  }
.Lfunc_end0:
.L_simem_size_0:
called_computation.3_lowered:
.L_overlay_start_0:
0x88: {  	s2 =	sld [smem:$0x3FD9]  }
0x89: {  	s3 =	sld [smem:$0x3FFE];
	_ =	sdelay $0x1  }
0x8a: {  	s1 =	srdreg.scid  }
0x8b: {  	s0 =	sand.u32 $0x1, s1  }
0x8c: {  	s17 =	sshll.u32 s0, $0xA;
	s2 =	sadd.s32 s3, s2  }
0x8d: {  	s2 =	sadd.s32 s2, s17  }
0x8e: {  	[smem:$0x3FC0] =	sst s2  }
0x8f: {  	_ = 	snop  }
0x90: {  	s2 =	sld [smem:$0x3FD0];
	(tm) =	ssettm $0x1  }
0x91: {  	s18 =	sld [smem:$0x3FFB];
	_ =	sdelay $0x3  }
0x92: {  	_ =	strace s18  }
0x93: {  	s3 =	sld [smem:$0x3FFC];
	_ =	sdelay $0x3  }
0x94: {  	_ =	strace s3  }
0x95: {  	s3 =	sld [smem:$0x3FFD];
	_ =	sdelay $0x3  }
0x96: {  	_ =	strace s3  }
0x97: {  	_ =	strace $0x8FFFFFFF  }
0x98: {  	s19 =	sld [smem:$0x3FDB];
	_ =	sdelay $0x1  }
0x99: {  	s4 =	simm.s32 $_scs_section_size  }
0x9a: {  	s5 =	simm.s32 $_size__tile_overlayer_lowered;
	s6 =	simm.s32 $_tile_overlayer_lowered  }
0x9b: {  	s22 =	simm.s32 $0x1BFF;
	s21 =	sshll.u32 s6, $0x1;
	s3 =	sadd.s32 s4, s19  }
0x9c: {  	s7 =	simm.s32 $0x0;
	s20 =	sshll.u32 s5, $0x1;
	s5 =	sadd.s32 s21, s3  }
0x9d: {  	[timem:s7], [sflag:s22] =	dma.local [hbm:s5], s20  }
0x9e: {  	_ =	swait.ge [sflag:s22], s20  }
0x9f: {  	s4 =	ssub.s32 $0x0, s20;
	[sflag:s22] =	ssyncset.done $0x0  }
0xa0: {  	[sflag:s22] =	ssyncadd.s32 s4;
	_ =	sdelay $0x1  }
0xa1: {  	s23 =	simm.s32 $0x1B8B  }
0xa2: {  	_ =	swait.ge [sflag:s23], $0x1  }
0xa3: {  	[sflag:s23] =	ssyncset.done $0x0  }
0xa4: {  	s25 =	simm.s32 $0x1B8E;
	s24 =	sld [smem:$0x3FFE];
	[sflag:s23] =	ssyncadd.s32 $0xFFFFFFFF  }
0xa5: {  	s26 =	simm.s32 $execute0_lowered;
	[smem:$0x3FD2] =	sst s25  }
0xa6: {  	s5 =	sshll.u32 s26, $0x1;
	_ =	strace $0x8000004F;
	[dreg:$0x1] =	wrdreg $0xFFFFFFFF  }
0xa7: {  	s28 =	simm.s32 $_size_execute0_lowered;
	s3 =	sadd.s32 s3, s5;
	[dreg:$0x0] =	wrdreg $0x0  }
0xa8: {  	s5 =	sshll.u32 s28, $0x1;
	[dreg:$0x2] =	wrdreg s3  }
0xa9: {  	[dreg:$0x3] =	wrdreg s5  }
0xaa: {  	[dreg:$0x4] =	wrdreg $0xC0  }
0xab: {  	_ =	task [dreg:s7], $0x5FFFF  }
0xac: {  	[dreg:$0x1] =	wrdreg $0xFFFFFFFF  }
0xad: {  	[dreg:$0x0] =	wrdreg $0x60  }
0xae: {  	[dreg:$0x2] =	wrdreg s24  }
0xaf: {  	[dreg:$0x3] =	wrdreg s2  }
0xb0: {  	[dreg:$0x4] =	wrdreg $0xA8000  }
0xb1: {  	[dreg:$0x5] =	wrdreg $0x9  }
0xb2: {  	_ =	task.clear_ibuf [dreg:s7], $0x6FFFF;
	_ =	strace $0x9000004F  }
0xb3: {  	s29 =	simm.s32 $0x9;
	_ =	strace $0x80000051  }
0xb4: {  	_ =	swait.ge [sflag:s29], $0x1  }
0xb5: {  	[sflag:s29] =	ssyncadd.s32 $0xFFFFFFFF  }
0xb6: {  	_ =	strace $0x90000051  }
0xb7: {  	_ =	sfence  }
0xb8: {  	s30 =	sld [smem:$0x0];
	_ =	sdelay $0x2  }
0xb9: {  	s31 =	sshll.u32 s1, $0xD;
	s1 =	sshrl.u32 s1, $0x2  }
0xba: {  	s3 =	sand.u32 $0x4000, s31;
	s1 =	sadd.s32 s1, s30  }
0xbb: {  	s0 =	sor.u32 s3, s0;
	s1 =	sshll.u32 s1, $0x11  }
0xbc: {  	s0 =	sor.u32 s1, s0  }
0xbd: {  	s0 =	sadd.s32 $0x8F2B, s0  }
0xbe: {  	[sflag:s0] =	ssyncadd.remote.s32 $0x1  }
0xbf: {  	_ =	sfence.sel $0xFFFF  }
0xc0: {  	[dreg:$0x0] =	wrdreg $0xFFFFFFFF;
	(pc) =	sbr.abs _section_cstart, $3  }
0xc1: {  	[dreg:$0x1] =	wrdreg $0xFFFFFFFF  }
0xc2: {  	_ =	task.clear_ibuf [dreg:s7], $0x2FFFF;
	_ =	strace $0x9FFFFFFF  }
0xc3: {  	(tm) =	ssettm $0x7FFFFFFF  }
tec
execute0_lowered:
.L_overlay_start_1:
0x0: {  	(tag) =	ssettag $0x1  }
0x1: {  	s8 =	rddreg [dreg:$0x0]  }
0x2: {  	s9 =	rddreg [dreg:$0x1]  }
0x3: {  	s1 =	rddreg [dreg:$0x2]  }
0x4: {  	s0 =	rddreg [dreg:$0x3];
	s2 =	simm.s32 $0x0;
	s6 =	srdreg.scid  }
0x5: {  	s3 =	stileid.u32;
	s19 =	simm.s32 $0x80;
	s20 =	simm.s32 $0x2800  }
0x6: {  	s21 =	simm.s32 $0x6800;
	s22 =	simm.s32 $0x1;
	s23 =	simm.s32 $0x2  }
0x7: {  	s24 =	simm.s32 $0x2700;
	s25 =	simm.s32 $0x2780;
	[smem:$0x7FF] =	sst s2  }
0x8: {  	s4 =	sadd.s32 $0xEE00, s8;
	s5 =	sadd.s32 $0x5F600, s8;
	s14 =	sadd.s32 $0x9E00, s8  }
0x9: {  	s16 =	sand.u32 $0x1, s6;
	s7 =	smul.u32 $0x50000, s3;
	s15 =	sadd.s32 $0x4E00, s8  }
0xa: {  	s6 =	sadd.s32 $0x87600, s8;
	s8 =	sadd.s32 $0xAF600, s8;
	s31 =	sshll.u32 s3, $0x6  }
0xb: {  	_ =	strace $0x80000050;
	s10 =	ssub.s32 $0x2, s16;
	p0 =	seq.s32 s16, $0x0  }
0xc: {  	s11 =	sshrl.u32 s10, $0x1;
	s12 =	sshrl.u32 s7, $0x2;
	s7 =	smul.u32 $0x2800, s3  }
.Ltmp0:
0xd: {  	s11 =	ssub.s32 s10, s11;
	s17 =	sadd.s32 s12, s1;
	(pc) =	sbr.rel .LBB2_1-.Ltmp0, $4  }
0xe: {  	s10 =	sor.u32 $0x1C03, s31;
	s9 =	sadd.s32 s9, s7;
	s13 =	sshrl.u32 s7, $0x3  }
0xf: {  	s11 =	smax.u32 s11, $0x1;
	s16 =	sshrl.u32 s17, $0x3;
	s17 =	simm.s32 $0x3  }
0x10: {  	s18 =	sadd.s32 $0x280, s13;
	s12 =	sadd.s32 s14, s13;
	s13 =	sadd.s32 s15, s13  }
0x11: {  	s14 =	sadd.s32 s14, s18;
	s15 =	sadd.s32 s15, s18;
	s18 =	simm.s32 $0x1400  }
.LBB2_11:
0x12: {  	[tilespmem:s21], [sflag:$0x2] =	stream.indirect.gather [hbm4b:s4+s19], $0x80, s28, s19, $0xb8;
	[tilespmem:$0x1E800] =	vst v63  }
0x13: {  	s26 =	smov.u32 s6  }
.LBB2_12:
0x14: {  	_ =	swait.ge [sflag:s22], $0x4000  }
0x15: {  	[sflag:s22] =	ssyncset.done $0x0  }
0x16: {  	[sflag:s22] =	ssyncadd.s32 $0xFFFFC000  }
0x17: {  	[spmem:s1] =	stream.indirect.scatter.add.f32 [tilespmem:s20], [sflag:$0x3], $0x80, s24, s19, $0xb8;
	[tilespmem:$0x1E800] =	vst v63  }
0x18: {  	_ =	swait.ge [sflag:s17], $0x4000  }
0x19: {  	[sflag:s17] =	ssyncset.done $0x0  }
0x1a: {  	[sflag:s17] =	ssyncadd.s32 $0xFFFFC000  }
0x1b: {  	_ =	swait.ge [sflag:s23], $0x4000  }
0x1c: {  	[sflag:s23] =	ssyncset.done $0x0  }
0x1d: {  	[sflag:s23] =	ssyncadd.s32 $0xFFFFC000  }
0x1e: {  	[spmem:s1] =	stream.indirect.scatter.add.f32 [tilespmem:s21], [sflag:$0x3], $0x80, s25, s19, $0xb8;
	[tilespmem:$0x1E800] =	vst v63  }
0x1f: {  	_ =	swait.ge [sflag:s17], $0x4000  }
0x20: {  	s2 =	sadd.s32 $0x1, s2;
	[sflag:s17] =	ssyncset.done $0x0  }
0x21: {  	p1 =	sne.s32 s2, s11;
	[sflag:s17] =	ssyncadd.s32 $0xFFFFC000  }
.Ltmp1:
0x22: {  	s26 =	sadd.s32 s26, s7;
	[bflag:$0x0] =	sbarrier.arrive $0xFFFF;
	(pc) =	sbr.rel @!p1 .LBB2_13-.Ltmp1, $4  }
0x23: {  	[hbm:s26], [sflag:s10] =	dma.local [spmem:s16], $0x2800  }
0x24: {  	_ =	swait.ge [sflag:s17], $0x2800  }
0x25: {  	[sflag:s17] =	ssyncset.done $0x0  }
0x26: {  	[sflag:s17] =	ssyncadd.s32 $0xFFFFD800  }
.LBB2_1:
0x27: {  	[spmem:s16], [sflag:s10] =	dma.local [hbm:s9], $0x2800  }
.Ltmp2:
0x28: {  	_ =	swait.ge [sflag:s17], $0x2800;
	(pc) =	sbr.rel @!p0 .LBB2_2-.Ltmp2, $4  }
0x29: {  	[sflag:s17] =	ssyncset.done $0x0  }
0x2a: {  	[sflag:s17] =	ssyncadd.s32 $0xFFFFD800  }
0x2b: {  	[bflag:$0x0] =	sbarrier.arrive $0xFFFF  }
0x2c: {  	s26 =	simm.s32 $0x0  }
0x2d: {  	[tilespmem:s26], [sflag:$0x3] =	stream.linear.gather [hbm4b:s12+s26], $0x1400, $0x38;
	[tilespmem:$0x1E800] =	vst v63  }
0x2e: {  	_ =	swait.ge [sflag:s17], $0x1400  }
0x2f: {  	[sflag:s17] =	ssyncset.done $0x0  }
0x30: {  	[sflag:s17] =	ssyncadd.s32 $0xFFFFEC00  }
0x31: {  	[tilespmem:s18], [sflag:$0x3] =	stream.linear.gather [hbm4b:s13+s26], $0x1400, $0x38;
	[tilespmem:$0x1E800] =	vst v63  }
0x32: {  	_ =	swait.ge [sflag:s17], $0x1400  }
0x33: {  	[sflag:s17] =	ssyncset.done $0x0  }
0x34: {  	[sflag:s17] =	ssyncadd.s32 $0xFFFFEC00  }
0x35: {  	[tilespmem:s20], [sflag:$0x1] =	stream.indirect.gather [hbm4b:s4+s19], $0x80, s26, s19, $0xb8;
	[tilespmem:$0x1E800] =	vst v63  }
0x36: {  	_ = 	snop  }
0x37: {  	[tilespmem:s21], [sflag:$0x2] =	stream.indirect.gather [hbm4b:s4+s19], $0x80, s19, s19, $0xb8;
	[tilespmem:$0x1E800] =	vst v63  }
0x38: {  	_ =	swait.ge [sflag:s22], $0x4000  }
0x39: {  	[sflag:s22] =	ssyncset.done $0x0  }
0x3a: {  	s29 =	simm.s32 $0x1400;
	[sflag:s22] =	ssyncadd.s32 $0xFFFFC000  }
0x3b: {  	[spmem:s1] =	stream.indirect.scatter.add.f32 [tilespmem:s20], [sflag:$0x3], $0x80, s29, s19, $0xb8;
	[tilespmem:$0x1E800] =	vst v63  }
0x3c: {  	_ =	swait.ge [sflag:s17], $0x4000  }
0x3d: {  	[sflag:s17] =	ssyncset.done $0x0  }
0x3e: {  	s30 =	simm.s32 $0x100;
	[sflag:s17] =	ssyncadd.s32 $0xFFFFC000  }
0x3f: {  	[tilespmem:s20], [sflag:$0x1] =	stream.indirect.gather [hbm4b:s4+s19], $0x80, s30, s19, $0xb8;
	[tilespmem:$0x1E800] =	vst v63  }
0x40: {  	_ =	swait.ge [sflag:s23], $0x4000  }
0x41: {  	[sflag:s23] =	ssyncset.done $0x0  }
0x42: {  	s31 =	simm.s32 $0x1480;
	[sflag:s23] =	ssyncadd.s32 $0xFFFFC000  }
0x43: {  	[spmem:s1] =	stream.indirect.scatter.add.f32 [tilespmem:s21], [sflag:$0x3], $0x80, s31, s19, $0xb8;
	[tilespmem:$0x1E800] =	vst v63  }
0x44: {  	_ =	swait.ge [sflag:s17], $0x4000  }
0x45: {  	[sflag:s17] =	ssyncset.done $0x0  }
0x46: {  	s28 =	simm.s32 $0x180;
	s26 =	simm.s32 $0x400;
	[sflag:s17] =	ssyncadd.s32 $0xFFFFC000  }
.LBB2_8:
0x47: {  	[tilespmem:s21], [sflag:$0x2] =	stream.indirect.gather [hbm4b:s4+s19], $0x80, s28, s19, $0xb8;
	[tilespmem:$0x1E800] =	vst v63  }
0x48: {  	s28 =	smov.u32 s26  }
0x49: {  	p1 =	sne.s32 s26, $0x4800;
	s26 =	sadd.s32 $0x400, s26;
	_ =	swait.ge [sflag:s22], $0x4000  }
0x4a: {  	s28 =	sshra.s32 s28, $0x2;
	[sflag:s22] =	ssyncset.done $0x0  }
0x4b: {  	s29 =	sadd.s32 $0x1400, s28;
	[sflag:s22] =	ssyncadd.s32 $0xFFFFC000  }
0x4c: {  	[spmem:s1] =	stream.indirect.scatter.add.f32 [tilespmem:s20], [sflag:$0x3], $0x80, s29, s19, $0xb8;
	[tilespmem:$0x1E800] =	vst v63  }
0x4d: {  	_ =	swait.ge [sflag:s17], $0x4000  }
0x4e: {  	[sflag:s17] =	ssyncset.done $0x0  }
0x4f: {  	s29 =	sadd.s32 $0x100, s28;
	[sflag:s17] =	ssyncadd.s32 $0xFFFFC000  }
0x50: {  	[tilespmem:s20], [sflag:$0x1] =	stream.indirect.gather [hbm4b:s4+s19], $0x80, s29, s19, $0xb8;
	[tilespmem:$0x1E800] =	vst v63  }
0x51: {  	_ =	swait.ge [sflag:s23], $0x4000  }
0x52: {  	[sflag:s23] =	ssyncset.done $0x0  }
.Ltmp3:
0x53: {  	s29 =	sadd.s32 $0x1480, s28;
	[sflag:s23] =	ssyncadd.s32 $0xFFFFC000;
	(pc) =	sbr.rel @p1 .LBB2_8-.Ltmp3, $4  }
0x54: {  	[spmem:s1] =	stream.indirect.scatter.add.f32 [tilespmem:s21], [sflag:$0x3], $0x80, s29, s19, $0xb8;
	[tilespmem:$0x1E800] =	vst v63  }
0x55: {  	_ =	swait.ge [sflag:s17], $0x4000  }
0x56: {  	[sflag:s17] =	ssyncset.done $0x0  }
0x57: {  	s28 =	sadd.s32 $0x180, s28;
	[sflag:s17] =	ssyncadd.s32 $0xFFFFC000  }
0x58: {  	[tilespmem:s21], [sflag:$0x2] =	stream.indirect.gather [hbm4b:s4+s19], $0x80, s28, s19, $0xb8;
	[tilespmem:$0x1E800] =	vst v63  }
0x59: {  	_ =	swait.ge [sflag:s22], $0x4000  }
0x5a: {  	[sflag:s22] =	ssyncset.done $0x0  }
0x5b: {  	[sflag:s22] =	ssyncadd.s32 $0xFFFFC000  }
0x5c: {  	[spmem:s1] =	stream.indirect.scatter.add.f32 [tilespmem:s20], [sflag:$0x3], $0x80, s24, s19, $0xb8;
	[tilespmem:$0x1E800] =	vst v63  }
0x5d: {  	_ =	swait.ge [sflag:s17], $0x4000  }
0x5e: {  	[sflag:s17] =	ssyncset.done $0x0  }
0x5f: {  	[sflag:s17] =	ssyncadd.s32 $0xFFFFC000  }
0x60: {  	_ =	swait.ge [sflag:s23], $0x4000  }
0x61: {  	[sflag:s23] =	ssyncset.done $0x0  }
0x62: {  	[sflag:s23] =	ssyncadd.s32 $0xFFFFC000  }
0x63: {  	[spmem:s1] =	stream.indirect.scatter.add.f32 [tilespmem:s21], [sflag:$0x3], $0x80, s25, s19, $0xb8;
	[tilespmem:$0x1E800] =	vst v63  }
0x64: {  	_ =	swait.ge [sflag:s17], $0x4000  }
0x65: {  	[sflag:s17] =	ssyncset.done $0x0  }
0x66: {  	s26 =	simm.s32 $0x0;
	[sflag:s17] =	ssyncadd.s32 $0xFFFFC000  }
0x67: {  	[tilespmem:s26], [sflag:$0x3] =	stream.linear.gather [hbm4b:s14+s26], $0x1400, $0x38;
	[tilespmem:$0x1E800] =	vst v63  }
0x68: {  	_ =	swait.ge [sflag:s17], $0x1400  }
0x69: {  	[sflag:s17] =	ssyncset.done $0x0  }
0x6a: {  	[sflag:s17] =	ssyncadd.s32 $0xFFFFEC00  }
0x6b: {  	[tilespmem:s18], [sflag:$0x3] =	stream.linear.gather [hbm4b:s15+s26], $0x1400, $0x38;
	[tilespmem:$0x1E800] =	vst v63  }
0x6c: {  	_ =	swait.ge [sflag:s17], $0x1400  }
0x6d: {  	[sflag:s17] =	ssyncset.done $0x0  }
0x6e: {  	[sflag:s17] =	ssyncadd.s32 $0xFFFFEC00  }
0x6f: {  	[tilespmem:s20], [sflag:$0x1] =	stream.indirect.gather [hbm4b:s4+s19], $0x80, s26, s19, $0xb8;
	[tilespmem:$0x1E800] =	vst v63  }
0x70: {  	_ = 	snop  }
0x71: {  	[tilespmem:s21], [sflag:$0x2] =	stream.indirect.gather [hbm4b:s4+s19], $0x80, s19, s19, $0xb8;
	[tilespmem:$0x1E800] =	vst v63  }
0x72: {  	_ =	swait.ge [sflag:s22], $0x4000  }
0x73: {  	[sflag:s22] =	ssyncset.done $0x0  }
0x74: {  	s29 =	simm.s32 $0x1400;
	[sflag:s22] =	ssyncadd.s32 $0xFFFFC000  }
0x75: {  	[spmem:s1] =	stream.indirect.scatter.add.f32 [tilespmem:s20], [sflag:$0x3], $0x80, s29, s19, $0xb8;
	[tilespmem:$0x1E800] =	vst v63  }
0x76: {  	_ =	swait.ge [sflag:s17], $0x4000  }
0x77: {  	[sflag:s17] =	ssyncset.done $0x0  }
0x78: {  	s30 =	simm.s32 $0x100;
	[sflag:s17] =	ssyncadd.s32 $0xFFFFC000  }
0x79: {  	[tilespmem:s20], [sflag:$0x1] =	stream.indirect.gather [hbm4b:s4+s19], $0x80, s30, s19, $0xb8;
	[tilespmem:$0x1E800] =	vst v63  }
0x7a: {  	_ =	swait.ge [sflag:s23], $0x4000  }
0x7b: {  	[sflag:s23] =	ssyncset.done $0x0  }
0x7c: {  	s31 =	simm.s32 $0x1480;
	[sflag:s23] =	ssyncadd.s32 $0xFFFFC000  }
0x7d: {  	[spmem:s1] =	stream.indirect.scatter.add.f32 [tilespmem:s21], [sflag:$0x3], $0x80, s31, s19, $0xb8;
	[tilespmem:$0x1E800] =	vst v63  }
0x7e: {  	_ =	swait.ge [sflag:s17], $0x4000  }
0x7f: {  	[sflag:s17] =	ssyncset.done $0x0  }
0x80: {  	s28 =	simm.s32 $0x180;
	s26 =	simm.s32 $0x400;
	[sflag:s17] =	ssyncadd.s32 $0xFFFFC000  }
.LBB2_10:
0x81: {  	[tilespmem:s21], [sflag:$0x2] =	stream.indirect.gather [hbm4b:s4+s19], $0x80, s28, s19, $0xb8;
	[tilespmem:$0x1E800] =	vst v63  }
0x82: {  	s28 =	smov.u32 s26  }
0x83: {  	p1 =	seq.s32 s26, $0x4800;
	s26 =	sadd.s32 $0x400, s26;
	_ =	swait.ge [sflag:s22], $0x4000  }
0x84: {  	s28 =	sshra.s32 s28, $0x2;
	[sflag:s22] =	ssyncset.done $0x0  }
0x85: {  	s29 =	sadd.s32 $0x1400, s28;
	[sflag:s22] =	ssyncadd.s32 $0xFFFFC000  }
0x86: {  	[spmem:s1] =	stream.indirect.scatter.add.f32 [tilespmem:s20], [sflag:$0x3], $0x80, s29, s19, $0xb8;
	[tilespmem:$0x1E800] =	vst v63  }
0x87: {  	_ =	swait.ge [sflag:s17], $0x4000  }
0x88: {  	[sflag:s17] =	ssyncset.done $0x0  }
0x89: {  	s29 =	sadd.s32 $0x100, s28;
	[sflag:s17] =	ssyncadd.s32 $0xFFFFC000  }
0x8a: {  	[tilespmem:s20], [sflag:$0x1] =	stream.indirect.gather [hbm4b:s4+s19], $0x80, s29, s19, $0xb8;
	[tilespmem:$0x1E800] =	vst v63  }
0x8b: {  	_ =	swait.ge [sflag:s23], $0x4000  }
0x8c: {  	[sflag:s23] =	ssyncset.done $0x0  }
.Ltmp4:
0x8d: {  	s29 =	sadd.s32 $0x1480, s28;
	[sflag:s23] =	ssyncadd.s32 $0xFFFFC000;
	(pc) =	sbr.rel @!p1 .LBB2_10-.Ltmp4, $4  }
0x8e: {  	[spmem:s1] =	stream.indirect.scatter.add.f32 [tilespmem:s21], [sflag:$0x3], $0x80, s29, s19, $0xb8;
	[tilespmem:$0x1E800] =	vst v63  }
0x8f: {  	_ =	swait.ge [sflag:s17], $0x4000  }
0x90: {  	[sflag:s17] =	ssyncset.done $0x0  }
0x91: {  	s28 =	sadd.s32 $0x180, s28;
	[sflag:s17] =	ssyncadd.s32 $0xFFFFC000  }
.Ltmp5:
0x92: {  	_ = 	snop;
	(pc) =	sbr.rel .LBB2_11-.Ltmp5, $1  }
0x93: {  	_ =	sdelay $0x3  }
.LBB2_2:
0x94: {  	[tilespmem:s26], [sflag:$0x3] =	stream.linear.gather [hbm4b:s12+s26], $0x1400, $0x38;
	[tilespmem:$0x1E800] =	vst v63  }
0x95: {  	_ =	swait.ge [sflag:s17], $0x1400  }
0x96: {  	[sflag:s17] =	ssyncset.done $0x0  }
0x97: {  	[sflag:s17] =	ssyncadd.s32 $0xFFFFEC00  }
0x98: {  	[tilespmem:s18], [sflag:$0x3] =	stream.linear.gather [hbm4b:s13+s26], $0x1400, $0x38;
	[tilespmem:$0x1E800] =	vst v63  }
0x99: {  	_ =	swait.ge [sflag:s17], $0x1400  }
0x9a: {  	[sflag:s17] =	ssyncset.done $0x0  }
0x9b: {  	[sflag:s17] =	ssyncadd.s32 $0xFFFFEC00  }
0x9c: {  	[tilespmem:s20], [sflag:$0x1] =	stream.indirect.gather [hbm4b:s5+s19], $0x80, s26, s19, $0xb8;
	[tilespmem:$0x1E800] =	vst v63  }
0x9d: {  	_ = 	snop  }
0x9e: {  	[tilespmem:s21], [sflag:$0x2] =	stream.indirect.gather [hbm4b:s5+s19], $0x80, s19, s19, $0xb8;
	[tilespmem:$0x1E800] =	vst v63  }
0x9f: {  	_ =	swait.ge [sflag:s22], $0x4000  }
0xa0: {  	[sflag:s22] =	ssyncset.done $0x0  }
0xa1: {  	s29 =	simm.s32 $0x1400;
	[sflag:s22] =	ssyncadd.s32 $0xFFFFC000  }
0xa2: {  	[spmem:s1] =	stream.indirect.scatter.add.f32 [tilespmem:s20], [sflag:$0x3], $0x80, s29, s19, $0xb8;
	[tilespmem:$0x1E800] =	vst v63  }
0xa3: {  	_ =	swait.ge [sflag:s17], $0x4000  }
0xa4: {  	[sflag:s17] =	ssyncset.done $0x0  }
0xa5: {  	s30 =	simm.s32 $0x100;
	[sflag:s17] =	ssyncadd.s32 $0xFFFFC000  }
0xa6: {  	[tilespmem:s20], [sflag:$0x1] =	stream.indirect.gather [hbm4b:s5+s19], $0x80, s30, s19, $0xb8;
	[tilespmem:$0x1E800] =	vst v63  }
0xa7: {  	_ =	swait.ge [sflag:s23], $0x4000  }
0xa8: {  	[sflag:s23] =	ssyncset.done $0x0  }
0xa9: {  	s31 =	simm.s32 $0x1480;
	[sflag:s23] =	ssyncadd.s32 $0xFFFFC000  }
0xaa: {  	[spmem:s1] =	stream.indirect.scatter.add.f32 [tilespmem:s21], [sflag:$0x3], $0x80, s31, s19, $0xb8;
	[tilespmem:$0x1E800] =	vst v63  }
0xab: {  	_ =	swait.ge [sflag:s17], $0x4000  }
0xac: {  	[sflag:s17] =	ssyncset.done $0x0  }
0xad: {  	s28 =	simm.s32 $0x180;
	s26 =	simm.s32 $0x400;
	[sflag:s17] =	ssyncadd.s32 $0xFFFFC000  }
.LBB2_3:
0xae: {  	[tilespmem:s21], [sflag:$0x2] =	stream.indirect.gather [hbm4b:s5+s19], $0x80, s28, s19, $0xb8;
	[tilespmem:$0x1E800] =	vst v63  }
0xaf: {  	s28 =	smov.u32 s26  }
0xb0: {  	p1 =	sne.s32 s26, $0x4800;
	s26 =	sadd.s32 $0x400, s26;
	_ =	swait.ge [sflag:s22], $0x4000  }
0xb1: {  	s28 =	sshra.s32 s28, $0x2;
	[sflag:s22] =	ssyncset.done $0x0  }
0xb2: {  	s29 =	sadd.s32 $0x1400, s28;
	[sflag:s22] =	ssyncadd.s32 $0xFFFFC000  }
0xb3: {  	[spmem:s1] =	stream.indirect.scatter.add.f32 [tilespmem:s20], [sflag:$0x3], $0x80, s29, s19, $0xb8;
	[tilespmem:$0x1E800] =	vst v63  }
0xb4: {  	_ =	swait.ge [sflag:s17], $0x4000  }
0xb5: {  	[sflag:s17] =	ssyncset.done $0x0  }
0xb6: {  	s29 =	sadd.s32 $0x100, s28;
	[sflag:s17] =	ssyncadd.s32 $0xFFFFC000  }
0xb7: {  	[tilespmem:s20], [sflag:$0x1] =	stream.indirect.gather [hbm4b:s5+s19], $0x80, s29, s19, $0xb8;
	[tilespmem:$0x1E800] =	vst v63  }
0xb8: {  	_ =	swait.ge [sflag:s23], $0x4000  }
0xb9: {  	[sflag:s23] =	ssyncset.done $0x0  }
.Ltmp6:
0xba: {  	s29 =	sadd.s32 $0x1480, s28;
	[sflag:s23] =	ssyncadd.s32 $0xFFFFC000;
	(pc) =	sbr.rel @p1 .LBB2_3-.Ltmp6, $4  }
0xbb: {  	[spmem:s1] =	stream.indirect.scatter.add.f32 [tilespmem:s21], [sflag:$0x3], $0x80, s29, s19, $0xb8;
	[tilespmem:$0x1E800] =	vst v63  }
0xbc: {  	_ =	swait.ge [sflag:s17], $0x4000  }
0xbd: {  	[sflag:s17] =	ssyncset.done $0x0  }
0xbe: {  	s28 =	sadd.s32 $0x180, s28;
	[sflag:s17] =	ssyncadd.s32 $0xFFFFC000  }
0xbf: {  	[tilespmem:s21], [sflag:$0x2] =	stream.indirect.gather [hbm4b:s5+s19], $0x80, s28, s19, $0xb8;
	[tilespmem:$0x1E800] =	vst v63  }
0xc0: {  	_ =	swait.ge [sflag:s22], $0x4000  }
0xc1: {  	[sflag:s22] =	ssyncset.done $0x0  }
0xc2: {  	[sflag:s22] =	ssyncadd.s32 $0xFFFFC000  }
0xc3: {  	[spmem:s1] =	stream.indirect.scatter.add.f32 [tilespmem:s20], [sflag:$0x3], $0x80, s24, s19, $0xb8;
	[tilespmem:$0x1E800] =	vst v63  }
0xc4: {  	_ =	swait.ge [sflag:s17], $0x4000  }
0xc5: {  	[sflag:s17] =	ssyncset.done $0x0  }
0xc6: {  	[sflag:s17] =	ssyncadd.s32 $0xFFFFC000  }
0xc7: {  	_ =	swait.ge [sflag:s23], $0x4000  }
0xc8: {  	[sflag:s23] =	ssyncset.done $0x0  }
0xc9: {  	[sflag:s23] =	ssyncadd.s32 $0xFFFFC000  }
0xca: {  	[spmem:s1] =	stream.indirect.scatter.add.f32 [tilespmem:s21], [sflag:$0x3], $0x80, s25, s19, $0xb8;
	[tilespmem:$0x1E800] =	vst v63  }
0xcb: {  	_ =	swait.ge [sflag:s17], $0x4000  }
0xcc: {  	[sflag:s17] =	ssyncset.done $0x0  }
0xcd: {  	s26 =	simm.s32 $0x0;
	[sflag:s17] =	ssyncadd.s32 $0xFFFFC000  }
0xce: {  	[tilespmem:s26], [sflag:$0x3] =	stream.linear.gather [hbm4b:s14+s26], $0x1400, $0x38;
	[tilespmem:$0x1E800] =	vst v63  }
0xcf: {  	_ =	swait.ge [sflag:s17], $0x1400  }
0xd0: {  	[sflag:s17] =	ssyncset.done $0x0  }
0xd1: {  	[sflag:s17] =	ssyncadd.s32 $0xFFFFEC00  }
0xd2: {  	[tilespmem:s18], [sflag:$0x3] =	stream.linear.gather [hbm4b:s15+s26], $0x1400, $0x38;
	[tilespmem:$0x1E800] =	vst v63  }
0xd3: {  	_ =	swait.ge [sflag:s17], $0x1400  }
0xd4: {  	[sflag:s17] =	ssyncset.done $0x0  }
0xd5: {  	[sflag:s17] =	ssyncadd.s32 $0xFFFFEC00  }
0xd6: {  	[tilespmem:s20], [sflag:$0x1] =	stream.indirect.gather [hbm4b:s5+s19], $0x80, s26, s19, $0xb8;
	[tilespmem:$0x1E800] =	vst v63  }
0xd7: {  	_ = 	snop  }
0xd8: {  	[tilespmem:s21], [sflag:$0x2] =	stream.indirect.gather [hbm4b:s5+s19], $0x80, s19, s19, $0xb8;
	[tilespmem:$0x1E800] =	vst v63  }
0xd9: {  	_ =	swait.ge [sflag:s22], $0x4000  }
0xda: {  	[sflag:s22] =	ssyncset.done $0x0  }
0xdb: {  	s29 =	simm.s32 $0x1400;
	[sflag:s22] =	ssyncadd.s32 $0xFFFFC000  }
0xdc: {  	[spmem:s1] =	stream.indirect.scatter.add.f32 [tilespmem:s20], [sflag:$0x3], $0x80, s29, s19, $0xb8;
	[tilespmem:$0x1E800] =	vst v63  }
0xdd: {  	_ =	swait.ge [sflag:s17], $0x4000  }
0xde: {  	[sflag:s17] =	ssyncset.done $0x0  }
0xdf: {  	s30 =	simm.s32 $0x100;
	[sflag:s17] =	ssyncadd.s32 $0xFFFFC000  }
0xe0: {  	[tilespmem:s20], [sflag:$0x1] =	stream.indirect.gather [hbm4b:s5+s19], $0x80, s30, s19, $0xb8;
	[tilespmem:$0x1E800] =	vst v63  }
0xe1: {  	_ =	swait.ge [sflag:s23], $0x4000  }
0xe2: {  	[sflag:s23] =	ssyncset.done $0x0  }
0xe3: {  	s31 =	simm.s32 $0x1480;
	[sflag:s23] =	ssyncadd.s32 $0xFFFFC000  }
0xe4: {  	[spmem:s1] =	stream.indirect.scatter.add.f32 [tilespmem:s21], [sflag:$0x3], $0x80, s31, s19, $0xb8;
	[tilespmem:$0x1E800] =	vst v63  }
0xe5: {  	_ =	swait.ge [sflag:s17], $0x4000  }
0xe6: {  	[sflag:s17] =	ssyncset.done $0x0  }
0xe7: {  	s28 =	simm.s32 $0x180;
	s26 =	simm.s32 $0x400;
	[sflag:s17] =	ssyncadd.s32 $0xFFFFC000  }
.LBB2_5:
0xe8: {  	[tilespmem:s21], [sflag:$0x2] =	stream.indirect.gather [hbm4b:s5+s19], $0x80, s28, s19, $0xb8;
	[tilespmem:$0x1E800] =	vst v63  }
0xe9: {  	s28 =	smov.u32 s26  }
0xea: {  	p1 =	sne.s32 s26, $0x4800;
	s26 =	sadd.s32 $0x400, s26;
	_ =	swait.ge [sflag:s22], $0x4000  }
0xeb: {  	s28 =	sshra.s32 s28, $0x2;
	[sflag:s22] =	ssyncset.done $0x0  }
0xec: {  	s29 =	sadd.s32 $0x1400, s28;
	[sflag:s22] =	ssyncadd.s32 $0xFFFFC000  }
0xed: {  	[spmem:s1] =	stream.indirect.scatter.add.f32 [tilespmem:s20], [sflag:$0x3], $0x80, s29, s19, $0xb8;
	[tilespmem:$0x1E800] =	vst v63  }
0xee: {  	_ =	swait.ge [sflag:s17], $0x4000  }
0xef: {  	[sflag:s17] =	ssyncset.done $0x0  }
0xf0: {  	s29 =	sadd.s32 $0x100, s28;
	[sflag:s17] =	ssyncadd.s32 $0xFFFFC000  }
0xf1: {  	[tilespmem:s20], [sflag:$0x1] =	stream.indirect.gather [hbm4b:s5+s19], $0x80, s29, s19, $0xb8;
	[tilespmem:$0x1E800] =	vst v63  }
0xf2: {  	_ =	swait.ge [sflag:s23], $0x4000  }
0xf3: {  	[sflag:s23] =	ssyncset.done $0x0  }
.Ltmp7:
0xf4: {  	s29 =	sadd.s32 $0x1480, s28;
	[sflag:s23] =	ssyncadd.s32 $0xFFFFC000;
	(pc) =	sbr.rel @p1 .LBB2_5-.Ltmp7, $4  }
0xf5: {  	[spmem:s1] =	stream.indirect.scatter.add.f32 [tilespmem:s21], [sflag:$0x3], $0x80, s29, s19, $0xb8;
	[tilespmem:$0x1E800] =	vst v63  }
0xf6: {  	_ =	swait.ge [sflag:s17], $0x4000  }
0xf7: {  	[sflag:s17] =	ssyncset.done $0x0  }
0xf8: {  	s28 =	sadd.s32 $0x180, s28;
	[sflag:s17] =	ssyncadd.s32 $0xFFFFC000  }
.Ltmp8:
0xf9: {  	(pc) =	sbr.rel .LBB2_12-.Ltmp8, $3  }
0xfa: {  	_ =	sdelay $0x1  }
0xfb: {  	[tilespmem:s21], [sflag:$0x2] =	stream.indirect.gather [hbm4b:s5+s19], $0x80, s28, s19, $0xb8;
	[tilespmem:$0x1E800] =	vst v63  }
0xfc: {  	s26 =	smov.u32 s8  }
.LBB2_13:
0xfd: {  	_ =	sfence.sel $0x180000  }
0xfe: {  	[bflag:$0x0] =	sbarrier.arrive $0xFFFF  }
0xff: {  	p0 =	sne.s32 s3, $0x0;
	_ =	strace $0x90000050  }
0x100: {  	s0 =	sadd.s32 @!p0 $0x100000, s0;
	[bflag:$0x2] =	sbarrier.arrive $0xFFFF  }
0x101: {  	[sflag:s0] =	ssyncadd.tile.s32 @!p0 $0x1;
	_ =	shalt  }
.Lfunc_end2:
_tile_overlayer_lowered:
.L_overlay_start_2:
0x102: {  	(tag) =	ssettag $0x2  }
0x103: {  	s0 =	rddreg [dreg:$0x0];
	s2 =	stileid.u32  }
0x104: {  	s1 =	rddreg [dreg:$0x1];
	p0 =	sne.s32 s2, $0x0  }
0x105: {  	s3 =	rddreg [dreg:$0x2];
	[bflag:$0x3] =	sbarrier.arrive $0xFFFF;
	s2 =	simm.s32 @!p0 $0x1C03  }
0x106: {  	[timem:s3], [sflag:s2] =	dma.local @!p0 [hbm:s0], s1  }
0x107: {  	s0 =	simm.s32 @!p0 $0x3  }
0x108: {  	_ =	swait.ge @!p0 [sflag:s0], s1  }
0x109: {  	s1 =	ssub.s32 @!p0 $0x0, s1;
	[sflag:s0] =	ssyncset.done @!p0 $0x0  }
0x10a: {  	[sflag:s0] =	ssyncadd.s32 @!p0 s1  }
0x10b: {  	[bflag:$0x3] =	sbarrier.arrive $0xFFFF  }
0x10c: {  	_ =	shalt  }

</sc_bundles>
